<compile_context>
chip_gen: v7x
topology: tpu7x:2x2x1
jax: 0.10.2.dev20260603
libtpu: 0.0.44.dev20260713+nightly
codegen_flags: <defaults>
</compile_context>

<pallas_src>
import functools

import jax
import jax.numpy as jnp
import numpy as np
from jax import lax
from jax.experimental import pallas as pl
from jax.experimental.pallas import tpu as pltpu
from jax.experimental.pallas import tpu_sc as plsc

N_FRAMES = 240
HEIGHT = 32
WIDTH = 32
N_DIMS = 64
KSIZE = 5
PAD = KSIZE // 2
TEMP = 5.0
MAX_NORM = float(N_DIMS)
ROW = HEIGHT * WIDTH * N_DIMS
SUB = 8
LANE = ROW // SUB
CH = 4
NSLOT = 8

NC, NS = 2, 16
NW = NC * NS
NCH = 8
DC = ROW // NCH
ITEMS = (256 * NCH) // NW
G = 4
NG = ITEMS // G

_W = np.exp(-((np.arange(KSIZE, dtype=np.float32) - PAD) ** 2) / np.float32(TEMP))
_W = (_W / _W.sum()).astype(np.float32)


def _smooth_body(in_ref, out_ref, acc_ref):
    i = pl.program_id(0)
    for jj in range(CH):
        g = CH * i + jj
        x = in_ref[jj]
        norm = jnp.sqrt(jnp.sum(x * x))
        scale = jnp.minimum(jnp.float32(1.0), MAX_NORM / (norm + 1e-7))
        sx = scale * x
        for k in range(KSIZE):
            tgt = g - k
            slot = lax.rem(tgt + NSLOT * KSIZE, NSLOT)
            contrib = (_W[k] * sx)[None]
            if k == 0:
                @pl.when(tgt <= N_FRAMES - 1)
                def _():
                    acc_ref[pl.ds(slot, 1)] = contrib
            else:
                @pl.when(jnp.logical_and(tgt >= 0, tgt <= N_FRAMES - 1))
                def _():
                    acc_ref[pl.ds(slot, 1)] += contrib
    @pl.when(i > 0)
    def _():
        for jj in range(CH):
            rp = CH * (i - 1) + jj
            slot = lax.rem(rp, NSLOT)
            out_ref[pl.ds(jj, 1)] = acc_ref[pl.ds(slot, 1)]


def _smooth(table):
    n_in = table.shape[0]
    grid = n_in // CH
    return pl.pallas_call(
        _smooth_body,
        grid=(grid,),
        in_specs=[pl.BlockSpec((CH, SUB, LANE), lambda i: (i, 0, 0))],
        out_specs=pl.BlockSpec(
            (CH, SUB, LANE), lambda i: (jnp.maximum(i - 1, 0), 0, 0)
        ),
        out_shape=jax.ShapeDtypeStruct((N_FRAMES, SUB, LANE), jnp.float32),
        scratch_shapes=[pltpu.VMEM((NSLOT, SUB, LANE), jnp.float32)],
    )(table)


def _sc_gather_body(s_hbm, gidx_hbm, out_hbm, idx_v, buf0, buf1, sem0, sem1):
    wid = lax.axis_index("s") * NC + lax.axis_index("c")
    base = wid * ITEMS
    pltpu.sync_copy(gidx_hbm.at[wid], idx_v)
    bufs = (buf0, buf1)
    sems = (sem0, sem1)
    handles = [None, None]
    handles[0] = pltpu.async_copy(s_hbm.at[idx_v.at[0]], bufs[0], sems[0])
    for g in range(NG):
        if g + 1 < NG:
            handles[(g + 1) % 2] = pltpu.async_copy(
                s_hbm.at[idx_v.at[g + 1]], bufs[(g + 1) % 2], sems[(g + 1) % 2]
            )
        handles[g % 2].wait()
        pltpu.sync_copy(bufs[g % 2], out_hbm.at[pl.ds(base + g * G, G)])


@functools.cache
def _make_sc_gather():
    mesh = plsc.VectorSubcoreMesh(core_axis_name="c", subcore_axis_name="s")

    @functools.partial(
        pl.kernel,
        mesh=mesh,
        out_type=jax.ShapeDtypeStruct((256 * NCH, DC), jnp.float32),
        scratch_types=[
            pltpu.VMEM((NG, G), jnp.int32),
            pltpu.VMEM((G, DC), jnp.float32),
            pltpu.VMEM((G, DC), jnp.float32),
            pltpu.SemaphoreType.DMA,
            pltpu.SemaphoreType.DMA,
        ],
    )
    def _sc_gather(s_hbm, gidx_hbm, out_hbm, idx_v, buf0, buf1, sem0, sem1):
        _sc_gather_body(s_hbm, gidx_hbm, out_hbm, idx_v, buf0, buf1, sem0, sem1)

    return _sc_gather


def kernel(idxs, frame_embs):
    B = idxs.shape[0]
    table = frame_embs.reshape(-1, SUB, LANE)
    smoothed = _smooth(table)
    s_flat = smoothed.reshape(N_FRAMES * NCH, DC)
    gidx = (
        idxs.astype(jnp.int32)[:, None] * NCH + jnp.arange(NCH, dtype=jnp.int32)
    ).reshape(NW, NG, G)
    out = _make_sc_gather()(s_flat, gidx)
    return out.reshape(B, N_DIMS, HEIGHT, WIDTH)

# --- scband reference (transcript-rebuilt; emitter-appended) ---
"""Pipeline reference for scband-temporal-embedding-77489799954470 (READ-ONLY COPY).

The authoritative reference and input builder live on the scoring server;
editing this copy changes nothing except your own understanding.
"""

import jax, jax.numpy as jnp
import numpy as np

N_FRAMES = 240
HEIGHT = 32
WIDTH = 32
N_DIMS = 64
KSIZE = 5
PAD = KSIZE // 2
STD = 0.1
TEMP = 5.0
MAX_NORM = float(N_DIMS)
BATCH = 256


def setup_inputs(seed: int = 0) -> dict:
    key = jax.random.key(seed)
    k1, k2 = jax.random.split(key)
    idxs = jax.random.randint(k1, (BATCH,), 0, N_FRAMES, dtype=jnp.int64 if jax.config.read('jax_enable_x64') else jnp.int32)
    frame_embs = (STD * jax.random.normal(k2, (N_FRAMES + 2 * PAD, HEIGHT * WIDTH * N_DIMS), dtype=jnp.float32))
    return {"idxs": idxs, "frame_embs": frame_embs}


def reference(idxs, frame_embs):
    # kernel weights buffer: exp(-(arange(ksize)-pad)^2 / temp), normalized
    w = jnp.exp(-((jnp.arange(KSIZE, dtype=jnp.float32) - PAD) ** 2) / TEMP)
    w = w / jnp.sum(w)
    B = idxs.shape[0]
    # idxs[:, None].expand(-1, ksize) + arange(ksize)
    idxs_nbs = idxs[:, None] + jnp.arange(KSIZE, dtype=idxs.dtype)  # [B, ksize]
    flat_idx = idxs_nbs.reshape(-1)
    # embedding gather
    embs = jnp.take(frame_embs, flat_idx, axis=0)  # [B*ksize, H*W*D]
    # nn.Embedding max_norm renormalization (applied at lookup time)
    norms = jnp.linalg.norm(embs, axis=-1, keepdims=True)
    scale = jnp.minimum(1.0, MAX_NORM / (norms + 1e-7))
    embs = embs * scale
    embs_nbs = embs.reshape(B, KSIZE, -1)
    out = (embs_nbs * w[None, :, None]).sum(axis=1)
    return out.reshape(B, N_DIMS, HEIGHT, WIDTH)

if __name__ == "__main__":
    import jax
    _d = setup_inputs()
    print(jax.jit(kernel)(*tuple(_d.values())))

</pallas_src>

<mosaic_0001>
#map = affine_map<(d0, d1) -> (0, 0)>
#map1 = affine_map<(d0, d1) -> (0, 0, 0)>
module attributes {stable_mosaic.version = 14 : i64} {
  func.func @_sc_gather(%arg0: i32, %arg1: i32, %arg2: memref<1920x8192xf32, #tpu.memory_space<hbm>>, %arg3: memref<32x16x4xi32, #tpu.memory_space<hbm>>, %arg4: memref<2048x8192xf32, #tpu.memory_space<hbm>>, %arg5: memref<16x4xi32, #tpu.memory_space<vmem>>, %arg6: memref<4x8192xf32, #tpu.memory_space<vmem>>, %arg7: memref<4x8192xf32, #tpu.memory_space<vmem>>, %arg8: memref<!tpu.dma_semaphore, #tpu.memory_space<semaphore_mem>>, %arg9: memref<!tpu.dma_semaphore, #tpu.memory_space<semaphore_mem>>) attributes {dimension_semantics = [#tpu.dimension_semantics<core_parallel>, #tpu.dimension_semantics<subcore_parallel>], iteration_bounds = array<i64: 2, 16>, scalar_prefetch = 0 : i64, scratch_operands = 5 : i64, tpu.core_type = #tpu.core_type<sc_vector_subcore>, window_params = [{transform_indices = #map}, {transform_indices = #map1}, {transform_indices = #map}]} {
    %mul3A = arith.constant 2 : i32
    %mul3A_0 = arith.muli %arg1, %mul3A : i32
    %add3A = arith.addi %mul3A_0, %arg0 : i32
    %mul3A_1 = arith.constant 64 : i32
    %mul3A_2 = arith.muli %add3A, %mul3A_1 : i32
    "tpu.region"() ({
      %run_scoped3A = tpu.sem_alloc : memref<!tpu.dma_semaphore, #tpu.memory_space<semaphore_mem>>
      %dma_start3A_257 = arith.constant 0 : i32
      %dma_start3A_258 = arith.constant 0 : i32
      %dma_start3A_259 = tpu.memref_slice %arg3[%add3A, %dma_start3A_257, %dma_start3A_258] : memref<32x16x4xi32, #tpu.memory_space<hbm>> -> memref<1x16x4xi32, #tpu.memory_space<hbm>>
      %dma_start3A_260 = tpu.memref_squeeze %dma_start3A_259 : memref<1x16x4xi32, #tpu.memory_space<hbm>> -> memref<16x4xi32, #tpu.memory_space<hbm>>
      %dma_start3A_261 = arith.constant 0 : i32
      %dma_start3A_262 = arith.constant 0 : i32
      %dma_start3A_263 = tpu.memref_slice %arg3[%add3A, %dma_start3A_261, %dma_start3A_262] : memref<32x16x4xi32, #tpu.memory_space<hbm>> -> memref<1x16x4xi32, #tpu.memory_space<hbm>>
      %dma_start3A_264 = tpu.memref_squeeze %dma_start3A_263 : memref<1x16x4xi32, #tpu.memory_space<hbm>> -> memref<16x4xi32, #tpu.memory_space<hbm>>
      tpu.enqueue_dma source(%dma_start3A_264 : memref<16x4xi32, #tpu.memory_space<hbm>>) target(%arg5 : memref<16x4xi32, #tpu.memory_space<vmem>>) target_semaphore(%run_scoped3A : memref<!tpu.dma_semaphore, #tpu.memory_space<semaphore_mem>>)
      %dma_wait3A_265 = arith.constant 0 : i32
      %dma_wait3A_266 = arith.constant 0 : i32
      %dma_wait3A_267 = tpu.memref_slice %arg3[%add3A, %dma_wait3A_265, %dma_wait3A_266] : memref<32x16x4xi32, #tpu.memory_space<hbm>> -> memref<1x16x4xi32, #tpu.memory_space<hbm>>
      %dma_wait3A_268 = tpu.memref_squeeze %dma_wait3A_267 : memref<1x16x4xi32, #tpu.memory_space<hbm>> -> memref<16x4xi32, #tpu.memory_space<hbm>>
      %dma_wait3A_269 = arith.constant 0 : i32
      %dma_wait3A_270 = arith.constant 0 : i32
      %dma_wait3A_271 = tpu.memref_slice %arg3[%add3A, %dma_wait3A_269, %dma_wait3A_270] : memref<32x16x4xi32, #tpu.memory_space<hbm>> -> memref<1x16x4xi32, #tpu.memory_space<hbm>>
      %dma_wait3A_272 = tpu.memref_squeeze %dma_wait3A_271 : memref<1x16x4xi32, #tpu.memory_space<hbm>> -> memref<16x4xi32, #tpu.memory_space<hbm>>
      tpu.wait_dma2 semaphore(%run_scoped3A : memref<!tpu.dma_semaphore, #tpu.memory_space<semaphore_mem>>) src(%dma_wait3A_272 : memref<16x4xi32, #tpu.memory_space<hbm>>) dst(%arg5 : memref<16x4xi32, #tpu.memory_space<vmem>>)
      tpu.yield
    }) : () -> ()
    %dma_start3A = arith.constant 0 : i32
    %dma_start3A_3 = arith.constant 0 : i32
    %dma_start3A_4 = tpu.memref_slice %arg5[%dma_start3A, %dma_start3A_3] : memref<16x4xi32, #tpu.memory_space<vmem>> -> memref<1x4xi32, #tpu.memory_space<vmem>>
    %dma_start3A_5 = tpu.memref_squeeze %dma_start3A_4 : memref<1x4xi32, #tpu.memory_space<vmem>> -> memref<4xi32, #tpu.memory_space<vmem>>
    %dma_start3A_6 = arith.constant 0 : i32
    %dma_start3A_7 = arith.constant 0 : i32
    %dma_start3A_8 = tpu.memref_slice %arg2[%dma_start3A_6, %dma_start3A_7] : memref<1920x8192xf32, #tpu.memory_space<hbm>> -> memref<1920x8192xf32, #tpu.memory_space<hbm>>
    tpu.enqueue_indirect_dma source(%dma_start3A_8 : memref<1920x8192xf32, #tpu.memory_space<hbm>>) target(%arg6 : memref<4x8192xf32, #tpu.memory_space<vmem>>) offsets(%dma_start3A_5 : memref<4xi32, #tpu.memory_space<vmem>>) semaphore(%arg8 : memref<!tpu.dma_semaphore, #tpu.memory_space<semaphore_mem>>)
    %dma_start3A_9 = arith.constant 1 : i32
    %dma_start3A_10 = arith.constant 0 : i32
    %dma_start3A_11 = tpu.memref_slice %arg5[%dma_start3A_9, %dma_start3A_10] : memref<16x4xi32, #tpu.memory_space<vmem>> -> memref<1x4xi32, #tpu.memory_space<vmem>>
    %dma_start3A_12 = tpu.memref_squeeze %dma_start3A_11 : memref<1x4xi32, #tpu.memory_space<vmem>> -> memref<4xi32, #tpu.memory_space<vmem>>
    %dma_start3A_13 = arith.constant 0 : i32
    %dma_start3A_14 = arith.constant 0 : i32
    %dma_start3A_15 = tpu.memref_slice %arg2[%dma_start3A_13, %dma_start3A_14] : memref<1920x8192xf32, #tpu.memory_space<hbm>> -> memref<1920x8192xf32, #tpu.memory_space<hbm>>
    tpu.enqueue_indirect_dma source(%dma_start3A_15 : memref<1920x8192xf32, #tpu.memory_space<hbm>>) target(%arg7 : memref<4x8192xf32, #tpu.memory_space<vmem>>) offsets(%dma_start3A_12 : memref<4xi32, #tpu.memory_space<vmem>>) semaphore(%arg9 : memref<!tpu.dma_semaphore, #tpu.memory_space<semaphore_mem>>)
    %dma_wait3A = arith.constant 0 : i32
    %dma_wait3A_16 = arith.constant 0 : i32
    %dma_wait3A_17 = tpu.memref_slice %arg5[%dma_wait3A, %dma_wait3A_16] : memref<16x4xi32, #tpu.memory_space<vmem>> -> memref<1x4xi32, #tpu.memory_space<vmem>>
    %dma_wait3A_18 = tpu.memref_squeeze %dma_wait3A_17 : memref<1x4xi32, #tpu.memory_space<vmem>> -> memref<4xi32, #tpu.memory_space<vmem>>
    %dma_wait3A_19 = arith.constant 0 : i32
    %dma_wait3A_20 = arith.constant 0 : i32
    %dma_wait3A_21 = tpu.memref_slice %arg2[%dma_wait3A_19, %dma_wait3A_20] : memref<1920x8192xf32, #tpu.memory_space<hbm>> -> memref<1920x8192xf32, #tpu.memory_space<hbm>>
    tpu.wait_indirect_dma semaphore(%arg8 : memref<!tpu.dma_semaphore, #tpu.memory_space<semaphore_mem>>) src(%dma_wait3A_21 : memref<1920x8192xf32, #tpu.memory_space<hbm>>) dst(%arg6 : memref<4x8192xf32, #tpu.memory_space<vmem>>)
    %add3A_22 = arith.constant 0 : i32
    %add3A_23 = arith.addi %mul3A_2, %add3A_22 : i32
    "tpu.region"() ({
      %run_scoped3A = tpu.sem_alloc : memref<!tpu.dma_semaphore, #tpu.memory_space<semaphore_mem>>
      %dma_start3A_257 = arith.constant 0 : i32
      %dma_start3A_258 = tpu.memref_slice %arg4[%add3A_23, %dma_start3A_257] : memref<2048x8192xf32, #tpu.memory_space<hbm>> -> memref<4x8192xf32, #tpu.memory_space<hbm>>
      %dma_start3A_259 = arith.constant 0 : i32
      %dma_start3A_260 = tpu.memref_slice %arg4[%add3A_23, %dma_start3A_259] : memref<2048x8192xf32, #tpu.memory_space<hbm>> -> memref<4x8192xf32, #tpu.memory_space<hbm>>
      tpu.enqueue_dma source(%arg6 : memref<4x8192xf32, #tpu.memory_space<vmem>>) target(%dma_start3A_260 : memref<4x8192xf32, #tpu.memory_space<hbm>>) target_semaphore(%run_scoped3A : memref<!tpu.dma_semaphore, #tpu.memory_space<semaphore_mem>>)
      %dma_wait3A_261 = arith.constant 0 : i32
      %dma_wait3A_262 = tpu.memref_slice %arg4[%add3A_23, %dma_wait3A_261] : memref<2048x8192xf32, #tpu.memory_space<hbm>> -> memref<4x8192xf32, #tpu.memory_space<hbm>>
      %dma_wait3A_263 = arith.constant 0 : i32
      %dma_wait3A_264 = tpu.memref_slice %arg4[%add3A_23, %dma_wait3A_263] : memref<2048x8192xf32, #tpu.memory_space<hbm>> -> memref<4x8192xf32, #tpu.memory_space<hbm>>
      tpu.wait_dma2 semaphore(%run_scoped3A : memref<!tpu.dma_semaphore, #tpu.memory_space<semaphore_mem>>) src(%arg6 : memref<4x8192xf32, #tpu.memory_space<vmem>>) dst(%dma_wait3A_264 : memref<4x8192xf32, #tpu.memory_space<hbm>>)
      tpu.yield
    }) : () -> ()
    %dma_start3A_24 = arith.constant 2 : i32
    %dma_start3A_25 = arith.constant 0 : i32
    %dma_start3A_26 = tpu.memref_slice %arg5[%dma_start3A_24, %dma_start3A_25] : memref<16x4xi32, #tpu.memory_space<vmem>> -> memref<1x4xi32, #tpu.memory_space<vmem>>
    %dma_start3A_27 = tpu.memref_squeeze %dma_start3A_26 : memref<1x4xi32, #tpu.memory_space<vmem>> -> memref<4xi32, #tpu.memory_space<vmem>>
    %dma_start3A_28 = arith.constant 0 : i32
    %dma_start3A_29 = arith.constant 0 : i32
    %dma_start3A_30 = tpu.memref_slice %arg2[%dma_start3A_28, %dma_start3A_29] : memref<1920x8192xf32, #tpu.memory_space<hbm>> -> memref<1920x8192xf32, #tpu.memory_space<hbm>>
    tpu.enqueue_indirect_dma source(%dma_start3A_30 : memref<1920x8192xf32, #tpu.memory_space<hbm>>) target(%arg6 : memref<4x8192xf32, #tpu.memory_space<vmem>>) offsets(%dma_start3A_27 : memref<4xi32, #tpu.memory_space<vmem>>) semaphore(%arg8 : memref<!tpu.dma_semaphore, #tpu.memory_space<semaphore_mem>>)
    %dma_wait3A_31 = arith.constant 1 : i32
    %dma_wait3A_32 = arith.constant 0 : i32
    %dma_wait3A_33 = tpu.memref_slice %arg5[%dma_wait3A_31, %dma_wait3A_32] : memref<16x4xi32, #tpu.memory_space<vmem>> -> memref<1x4xi32, #tpu.memory_space<vmem>>
    %dma_wait3A_34 = tpu.memref_squeeze %dma_wait3A_33 : memref<1x4xi32, #tpu.memory_space<vmem>> -> memref<4xi32, #tpu.memory_space<vmem>>
    %dma_wait3A_35 = arith.constant 0 : i32
    %dma_wait3A_36 = arith.constant 0 : i32
    %dma_wait3A_37 = tpu.memref_slice %arg2[%dma_wait3A_35, %dma_wait3A_36] : memref<1920x8192xf32, #tpu.memory_space<hbm>> -> memref<1920x8192xf32, #tpu.memory_space<hbm>>
    tpu.wait_indirect_dma semaphore(%arg9 : memref<!tpu.dma_semaphore, #tpu.memory_space<semaphore_mem>>) src(%dma_wait3A_37 : memref<1920x8192xf32, #tpu.memory_space<hbm>>) dst(%arg7 : memref<4x8192xf32, #tpu.memory_space<vmem>>)
    %add3A_38 = arith.constant 4 : i32
    %add3A_39 = arith.addi %mul3A_2, %add3A_38 : i32
    "tpu.region"() ({
      %run_scoped3A = tpu.sem_alloc : memref<!tpu.dma_semaphore, #tpu.memory_space<semaphore_mem>>
      %dma_start3A_257 = arith.constant 0 : i32
      %dma_start3A_258 = tpu.memref_slice %arg4[%add3A_39, %dma_start3A_257] : memref<2048x8192xf32, #tpu.memory_space<hbm>> -> memref<4x8192xf32, #tpu.memory_space<hbm>>
      %dma_start3A_259 = arith.constant 0 : i32
      %dma_start3A_260 = tpu.memref_slice %arg4[%add3A_39, %dma_start3A_259] : memref<2048x8192xf32, #tpu.memory_space<hbm>> -> memref<4x8192xf32, #tpu.memory_space<hbm>>
      tpu.enqueue_dma source(%arg7 : memref<4x8192xf32, #tpu.memory_space<vmem>>) target(%dma_start3A_260 : memref<4x8192xf32, #tpu.memory_space<hbm>>) target_semaphore(%run_scoped3A : memref<!tpu.dma_semaphore, #tpu.memory_space<semaphore_mem>>)
      %dma_wait3A_261 = arith.constant 0 : i32
      %dma_wait3A_262 = tpu.memref_slice %arg4[%add3A_39, %dma_wait3A_261] : memref<2048x8192xf32, #tpu.memory_space<hbm>> -> memref<4x8192xf32, #tpu.memory_space<hbm>>
      %dma_wait3A_263 = arith.constant 0 : i32
      %dma_wait3A_264 = tpu.memref_slice %arg4[%add3A_39, %dma_wait3A_263] : memref<2048x8192xf32, #tpu.memory_space<hbm>> -> memref<4x8192xf32, #tpu.memory_space<hbm>>
      tpu.wait_dma2 semaphore(%run_scoped3A : memref<!tpu.dma_semaphore, #tpu.memory_space<semaphore_mem>>) src(%arg7 : memref<4x8192xf32, #tpu.memory_space<vmem>>) dst(%dma_wait3A_264 : memref<4x8192xf32, #tpu.memory_space<hbm>>)
      tpu.yield
    }) : () -> ()
    %dma_start3A_40 = arith.constant 3 : i32
    %dma_start3A_41 = arith.constant 0 : i32
    %dma_start3A_42 = tpu.memref_slice %arg5[%dma_start3A_40, %dma_start3A_41] : memref<16x4xi32, #tpu.memory_space<vmem>> -> memref<1x4xi32, #tpu.memory_space<vmem>>
    %dma_start3A_43 = tpu.memref_squeeze %dma_start3A_42 : memref<1x4xi32, #tpu.memory_space<vmem>> -> memref<4xi32, #tpu.memory_space<vmem>>
    %dma_start3A_44 = arith.constant 0 : i32
    %dma_start3A_45 = arith.constant 0 : i32
    %dma_start3A_46 = tpu.memref_slice %arg2[%dma_start3A_44, %dma_start3A_45] : memref<1920x8192xf32, #tpu.memory_space<hbm>> -> memref<1920x8192xf32, #tpu.memory_space<hbm>>
    tpu.enqueue_indirect_dma source(%dma_start3A_46 : memref<1920x8192xf32, #tpu.memory_space<hbm>>) target(%arg7 : memref<4x8192xf32, #tpu.memory_space<vmem>>) offsets(%dma_start3A_43 : memref<4xi32, #tpu.memory_space<vmem>>) semaphore(%arg9 : memref<!tpu.dma_semaphore, #tpu.memory_space<semaphore_mem>>)
    %dma_wait3A_47 = arith.constant 2 : i32
    %dma_wait3A_48 = arith.constant 0 : i32
    %dma_wait3A_49 = tpu.memref_slice %arg5[%dma_wait3A_47, %dma_wait3A_48] : memref<16x4xi32, #tpu.memory_space<vmem>> -> memref<1x4xi32, #tpu.memory_space<vmem>>
    %dma_wait3A_50 = tpu.memref_squeeze %dma_wait3A_49 : memref<1x4xi32, #tpu.memory_space<vmem>> -> memref<4xi32, #tpu.memory_space<vmem>>
    %dma_wait3A_51 = arith.constant 0 : i32
    %dma_wait3A_52 = arith.constant 0 : i32
    %dma_wait3A_53 = tpu.memref_slice %arg2[%dma_wait3A_51, %dma_wait3A_52] : memref<1920x8192xf32, #tpu.memory_space<hbm>> -> memref<1920x8192xf32, #tpu.memory_space<hbm>>
    tpu.wait_indirect_dma semaphore(%arg8 : memref<!tpu.dma_semaphore, #tpu.memory_space<semaphore_mem>>) src(%dma_wait3A_53 : memref<1920x8192xf32, #tpu.memory_space<hbm>>) dst(%arg6 : memref<4x8192xf32, #tpu.memory_space<vmem>>)
    %add3A_54 = arith.constant 8 : i32
    %add3A_55 = arith.addi %mul3A_2, %add3A_54 : i32
    "tpu.region"() ({
      %run_scoped3A = tpu.sem_alloc : memref<!tpu.dma_semaphore, #tpu.memory_space<semaphore_mem>>
      %dma_start3A_257 = arith.constant 0 : i32
      %dma_start3A_258 = tpu.memref_slice %arg4[%add3A_55, %dma_start3A_257] : memref<2048x8192xf32, #tpu.memory_space<hbm>> -> memref<4x8192xf32, #tpu.memory_space<hbm>>
      %dma_start3A_259 = arith.constant 0 : i32
      %dma_start3A_260 = tpu.memref_slice %arg4[%add3A_55, %dma_start3A_259] : memref<2048x8192xf32, #tpu.memory_space<hbm>> -> memref<4x8192xf32, #tpu.memory_space<hbm>>
      tpu.enqueue_dma source(%arg6 : memref<4x8192xf32, #tpu.memory_space<vmem>>) target(%dma_start3A_260 : memref<4x8192xf32, #tpu.memory_space<hbm>>) target_semaphore(%run_scoped3A : memref<!tpu.dma_semaphore, #tpu.memory_space<semaphore_mem>>)
      %dma_wait3A_261 = arith.constant 0 : i32
      %dma_wait3A_262 = tpu.memref_slice %arg4[%add3A_55, %dma_wait3A_261] : memref<2048x8192xf32, #tpu.memory_space<hbm>> -> memref<4x8192xf32, #tpu.memory_space<hbm>>
      %dma_wait3A_263 = arith.constant 0 : i32
      %dma_wait3A_264 = tpu.memref_slice %arg4[%add3A_55, %dma_wait3A_263] : memref<2048x8192xf32, #tpu.memory_space<hbm>> -> memref<4x8192xf32, #tpu.memory_space<hbm>>
      tpu.wait_dma2 semaphore(%run_scoped3A : memref<!tpu.dma_semaphore, #tpu.memory_space<semaphore_mem>>) src(%arg6 : memref<4x8192xf32, #tpu.memory_space<vmem>>) dst(%dma_wait3A_264 : memref<4x8192xf32, #tpu.memory_space<hbm>>)
      tpu.yield
    }) : () -> ()
    %dma_start3A_56 = arith.constant 4 : i32
    %dma_start3A_57 = arith.constant 0 : i32
    %dma_start3A_58 = tpu.memref_slice %arg5[%dma_start3A_56, %dma_start3A_57] : memref<16x4xi32, #tpu.memory_space<vmem>> -> memref<1x4xi32, #tpu.memory_space<vmem>>
    %dma_start3A_59 = tpu.memref_squeeze %dma_start3A_58 : memref<1x4xi32, #tpu.memory_space<vmem>> -> memref<4xi32, #tpu.memory_space<vmem>>
    %dma_start3A_60 = arith.constant 0 : i32
    %dma_start3A_61 = arith.constant 0 : i32
    %dma_start3A_62 = tpu.memref_slice %arg2[%dma_start3A_60, %dma_start3A_61] : memref<1920x8192xf32, #tpu.memory_space<hbm>> -> memref<1920x8192xf32, #tpu.memory_space<hbm>>
    tpu.enqueue_indirect_dma source(%dma_start3A_62 : memref<1920x8192xf32, #tpu.memory_space<hbm>>) target(%arg6 : memref<4x8192xf32, #tpu.memory_space<vmem>>) offsets(%dma_start3A_59 : memref<4xi32, #tpu.memory_space<vmem>>) semaphore(%arg8 : memref<!tpu.dma_semaphore, #tpu.memory_space<semaphore_mem>>)
    %dma_wait3A_63 = arith.constant 3 : i32
    %dma_wait3A_64 = arith.constant 0 : i32
    %dma_wait3A_65 = tpu.memref_slice %arg5[%dma_wait3A_63, %dma_wait3A_64] : memref<16x4xi32, #tpu.memory_space<vmem>> -> memref<1x4xi32, #tpu.memory_space<vmem>>
    %dma_wait3A_66 = tpu.memref_squeeze %dma_wait3A_65 : memref<1x4xi32, #tpu.memory_space<vmem>> -> memref<4xi32, #tpu.memory_space<vmem>>
    %dma_wait3A_67 = arith.constant 0 : i32
    %dma_wait3A_68 = arith.constant 0 : i32
    %dma_wait3A_69 = tpu.memref_slice %arg2[%dma_wait3A_67, %dma_wait3A_68] : memref<1920x8192xf32, #tpu.memory_space<hbm>> -> memref<1920x8192xf32, #tpu.memory_space<hbm>>
    tpu.wait_indirect_dma semaphore(%arg9 : memref<!tpu.dma_semaphore, #tpu.memory_space<semaphore_mem>>) src(%dma_wait3A_69 : memref<1920x8192xf32, #tpu.memory_space<hbm>>) dst(%arg7 : memref<4x8192xf32, #tpu.memory_space<vmem>>)
    %add3A_70 = arith.constant 12 : i32
    %add3A_71 = arith.addi %mul3A_2, %add3A_70 : i32
    "tpu.region"() ({
      %run_scoped3A = tpu.sem_alloc : memref<!tpu.dma_semaphore, #tpu.memory_space<semaphore_mem>>
      %dma_start3A_257 = arith.constant 0 : i32
      %dma_start3A_258 = tpu.memref_slice %arg4[%add3A_71, %dma_start3A_257] : memref<2048x8192xf32, #tpu.memory_space<hbm>> -> memref<4x8192xf32, #tpu.memory_space<hbm>>
      %dma_start3A_259 = arith.constant 0 : i32
      %dma_start3A_260 = tpu.memref_slice %arg4[%add3A_71, %dma_start3A_259] : memref<2048x8192xf32, #tpu.memory_space<hbm>> -> memref<4x8192xf32, #tpu.memory_space<hbm>>
      tpu.enqueue_dma source(%arg7 : memref<4x8192xf32, #tpu.memory_space<vmem>>) target(%dma_start3A_260 : memref<4x8192xf32, #tpu.memory_space<hbm>>) target_semaphore(%run_scoped3A : memref<!tpu.dma_semaphore, #tpu.memory_space<semaphore_mem>>)
      %dma_wait3A_261 = arith.constant 0 : i32
      %dma_wait3A_262 = tpu.memref_slice %arg4[%add3A_71, %dma_wait3A_261] : memref<2048x8192xf32, #tpu.memory_space<hbm>> -> memref<4x8192xf32, #tpu.memory_space<hbm>>
      %dma_wait3A_263 = arith.constant 0 : i32
      %dma_wait3A_264 = tpu.memref_slice %arg4[%add3A_71, %dma_wait3A_263] : memref<2048x8192xf32, #tpu.memory_space<hbm>> -> memref<4x8192xf32, #tpu.memory_space<hbm>>
      tpu.wait_dma2 semaphore(%run_scoped3A : memref<!tpu.dma_semaphore, #tpu.memory_space<semaphore_mem>>) src(%arg7 : memref<4x8192xf32, #tpu.memory_space<vmem>>) dst(%dma_wait3A_264 : memref<4x8192xf32, #tpu.memory_space<hbm>>)
      tpu.yield
    }) : () -> ()
    %dma_start3A_72 = arith.constant 5 : i32
    %dma_start3A_73 = arith.constant 0 : i32
    %dma_start3A_74 = tpu.memref_slice %arg5[%dma_start3A_72, %dma_start3A_73] : memref<16x4xi32, #tpu.memory_space<vmem>> -> memref<1x4xi32, #tpu.memory_space<vmem>>
    %dma_start3A_75 = tpu.memref_squeeze %dma_start3A_74 : memref<1x4xi32, #tpu.memory_space<vmem>> -> memref<4xi32, #tpu.memory_space<vmem>>
    %dma_start3A_76 = arith.constant 0 : i32
    %dma_start3A_77 = arith.constant 0 : i32
    %dma_start3A_78 = tpu.memref_slice %arg2[%dma_start3A_76, %dma_start3A_77] : memref<1920x8192xf32, #tpu.memory_space<hbm>> -> memref<1920x8192xf32, #tpu.memory_space<hbm>>
    tpu.enqueue_indirect_dma source(%dma_start3A_78 : memref<1920x8192xf32, #tpu.memory_space<hbm>>) target(%arg7 : memref<4x8192xf32, #tpu.memory_space<vmem>>) offsets(%dma_start3A_75 : memref<4xi32, #tpu.memory_space<vmem>>) semaphore(%arg9 : memref<!tpu.dma_semaphore, #tpu.memory_space<semaphore_mem>>)
    %dma_wait3A_79 = arith.constant 4 : i32
    %dma_wait3A_80 = arith.constant 0 : i32
    %dma_wait3A_81 = tpu.memref_slice %arg5[%dma_wait3A_79, %dma_wait3A_80] : memref<16x4xi32, #tpu.memory_space<vmem>> -> memref<1x4xi32, #tpu.memory_space<vmem>>
    %dma_wait3A_82 = tpu.memref_squeeze %dma_wait3A_81 : memref<1x4xi32, #tpu.memory_space<vmem>> -> memref<4xi32, #tpu.memory_space<vmem>>
    %dma_wait3A_83 = arith.constant 0 : i32
    %dma_wait3A_84 = arith.constant 0 : i32
    %dma_wait3A_85 = tpu.memref_slice %arg2[%dma_wait3A_83, %dma_wait3A_84] : memref<1920x8192xf32, #tpu.memory_space<hbm>> -> memref<1920x8192xf32, #tpu.memory_space<hbm>>
    tpu.wait_indirect_dma semaphore(%arg8 : memref<!tpu.dma_semaphore, #tpu.memory_space<semaphore_mem>>) src(%dma_wait3A_85 : memref<1920x8192xf32, #tpu.memory_space<hbm>>) dst(%arg6 : memref<4x8192xf32, #tpu.memory_space<vmem>>)
    %add3A_86 = arith.constant 16 : i32
    %add3A_87 = arith.addi %mul3A_2, %add3A_86 : i32
    "tpu.region"() ({
      %run_scoped3A = tpu.sem_alloc : memref<!tpu.dma_semaphore, #tpu.memory_space<semaphore_mem>>
      %dma_start3A_257 = arith.constant 0 : i32
      %dma_start3A_258 = tpu.memref_slice %arg4[%add3A_87, %dma_start3A_257] : memref<2048x8192xf32, #tpu.memory_space<hbm>> -> memref<4x8192xf32, #tpu.memory_space<hbm>>
      %dma_start3A_259 = arith.constant 0 : i32
      %dma_start3A_260 = tpu.memref_slice %arg4[%add3A_87, %dma_start3A_259] : memref<2048x8192xf32, #tpu.memory_space<hbm>> -> memref<4x8192xf32, #tpu.memory_space<hbm>>
      tpu.enqueue_dma source(%arg6 : memref<4x8192xf32, #tpu.memory_space<vmem>>) target(%dma_start3A_260 : memref<4x8192xf32, #tpu.memory_space<hbm>>) target_semaphore(%run_scoped3A : memref<!tpu.dma_semaphore, #tpu.memory_space<semaphore_mem>>)
      %dma_wait3A_261 = arith.constant 0 : i32
      %dma_wait3A_262 = tpu.memref_slice %arg4[%add3A_87, %dma_wait3A_261] : memref<2048x8192xf32, #tpu.memory_space<hbm>> -> memref<4x8192xf32, #tpu.memory_space<hbm>>
      %dma_wait3A_263 = arith.constant 0 : i32
      %dma_wait3A_264 = tpu.memref_slice %arg4[%add3A_87, %dma_wait3A_263] : memref<2048x8192xf32, #tpu.memory_space<hbm>> -> memref<4x8192xf32, #tpu.memory_space<hbm>>
      tpu.wait_dma2 semaphore(%run_scoped3A : memref<!tpu.dma_semaphore, #tpu.memory_space<semaphore_mem>>) src(%arg6 : memref<4x8192xf32, #tpu.memory_space<vmem>>) dst(%dma_wait3A_264 : memref<4x8192xf32, #tpu.memory_space<hbm>>)
      tpu.yield
    }) : () -> ()
    %dma_start3A_88 = arith.constant 6 : i32
    %dma_start3A_89 = arith.constant 0 : i32
    %dma_start3A_90 = tpu.memref_slice %arg5[%dma_start3A_88, %dma_start3A_89] : memref<16x4xi32, #tpu.memory_space<vmem>> -> memref<1x4xi32, #tpu.memory_space<vmem>>
    %dma_start3A_91 = tpu.memref_squeeze %dma_start3A_90 : memref<1x4xi32, #tpu.memory_space<vmem>> -> memref<4xi32, #tpu.memory_space<vmem>>
    %dma_start3A_92 = arith.constant 0 : i32
    %dma_start3A_93 = arith.constant 0 : i32
    %dma_start3A_94 = tpu.memref_slice %arg2[%dma_start3A_92, %dma_start3A_93] : memref<1920x8192xf32, #tpu.memory_space<hbm>> -> memref<1920x8192xf32, #tpu.memory_space<hbm>>
    tpu.enqueue_indirect_dma source(%dma_start3A_94 : memref<1920x8192xf32, #tpu.memory_space<hbm>>) target(%arg6 : memref<4x8192xf32, #tpu.memory_space<vmem>>) offsets(%dma_start3A_91 : memref<4xi32, #tpu.memory_space<vmem>>) semaphore(%arg8 : memref<!tpu.dma_semaphore, #tpu.memory_space<semaphore_mem>>)
    %dma_wait3A_95 = arith.constant 5 : i32
    %dma_wait3A_96 = arith.constant 0 : i32
    %dma_wait3A_97 = tpu.memref_slice %arg5[%dma_wait3A_95, %dma_wait3A_96] : memref<16x4xi32, #tpu.memory_space<vmem>> -> memref<1x4xi32, #tpu.memory_space<vmem>>
    %dma_wait3A_98 = tpu.memref_squeeze %dma_wait3A_97 : memref<1x4xi32, #tpu.memory_space<vmem>> -> memref<4xi32, #tpu.memory_space<vmem>>
    %dma_wait3A_99 = arith.constant 0 : i32
    %dma_wait3A_100 = arith.constant 0 : i32
    %dma_wait3A_101 = tpu.memref_slice %arg2[%dma_wait3A_99, %dma_wait3A_100] : memref<1920x8192xf32, #tpu.memory_space<hbm>> -> memref<1920x8192xf32, #tpu.memory_space<hbm>>
    tpu.wait_indirect_dma semaphore(%arg9 : memref<!tpu.dma_semaphore, #tpu.memory_space<semaphore_mem>>) src(%dma_wait3A_101 : memref<1920x8192xf32, #tpu.memory_space<hbm>>) dst(%arg7 : memref<4x8192xf32, #tpu.memory_space<vmem>>)
    %add3A_102 = arith.constant 20 : i32
    %add3A_103 = arith.addi %mul3A_2, %add3A_102 : i32
    "tpu.region"() ({
      %run_scoped3A = tpu.sem_alloc : memref<!tpu.dma_semaphore, #tpu.memory_space<semaphore_mem>>
      %dma_start3A_257 = arith.constant 0 : i32
      %dma_start3A_258 = tpu.memref_slice %arg4[%add3A_103, %dma_start3A_257] : memref<2048x8192xf32, #tpu.memory_space<hbm>> -> memref<4x8192xf32, #tpu.memory_space<hbm>>
      %dma_start3A_259 = arith.constant 0 : i32
      %dma_start3A_260 = tpu.memref_slice %arg4[%add3A_103, %dma_start3A_259] : memref<2048x8192xf32, #tpu.memory_space<hbm>> -> memref<4x8192xf32, #tpu.memory_space<hbm>>
      tpu.enqueue_dma source(%arg7 : memref<4x8192xf32, #tpu.memory_space<vmem>>) target(%dma_start3A_260 : memref<4x8192xf32, #tpu.memory_space<hbm>>) target_semaphore(%run_scoped3A : memref<!tpu.dma_semaphore, #tpu.memory_space<semaphore_mem>>)
      %dma_wait3A_261 = arith.constant 0 : i32
      %dma_wait3A_262 = tpu.memref_slice %arg4[%add3A_103, %dma_wait3A_261] : memref<2048x8192xf32, #tpu.memory_space<hbm>> -> memref<4x8192xf32, #tpu.memory_space<hbm>>
      %dma_wait3A_263 = arith.constant 0 : i32
      %dma_wait3A_264 = tpu.memref_slice %arg4[%add3A_103, %dma_wait3A_263] : memref<2048x8192xf32, #tpu.memory_space<hbm>> -> memref<4x8192xf32, #tpu.memory_space<hbm>>
      tpu.wait_dma2 semaphore(%run_scoped3A : memref<!tpu.dma_semaphore, #tpu.memory_space<semaphore_mem>>) src(%arg7 : memref<4x8192xf32, #tpu.memory_space<vmem>>) dst(%dma_wait3A_264 : memref<4x8192xf32, #tpu.memory_space<hbm>>)
      tpu.yield
    }) : () -> ()
    %dma_start3A_104 = arith.constant 7 : i32
    %dma_start3A_105 = arith.constant 0 : i32
    %dma_start3A_106 = tpu.memref_slice %arg5[%dma_start3A_104, %dma_start3A_105] : memref<16x4xi32, #tpu.memory_space<vmem>> -> memref<1x4xi32, #tpu.memory_space<vmem>>
    %dma_start3A_107 = tpu.memref_squeeze %dma_start3A_106 : memref<1x4xi32, #tpu.memory_space<vmem>> -> memref<4xi32, #tpu.memory_space<vmem>>
    %dma_start3A_108 = arith.constant 0 : i32
    %dma_start3A_109 = arith.constant 0 : i32
    %dma_start3A_110 = tpu.memref_slice %arg2[%dma_start3A_108, %dma_start3A_109] : memref<1920x8192xf32, #tpu.memory_space<hbm>> -> memref<1920x8192xf32, #tpu.memory_space<hbm>>
    tpu.enqueue_indirect_dma source(%dma_start3A_110 : memref<1920x8192xf32, #tpu.memory_space<hbm>>) target(%arg7 : memref<4x8192xf32, #tpu.memory_space<vmem>>) offsets(%dma_start3A_107 : memref<4xi32, #tpu.memory_space<vmem>>) semaphore(%arg9 : memref<!tpu.dma_semaphore, #tpu.memory_space<semaphore_mem>>)
    %dma_wait3A_111 = arith.constant 6 : i32
    %dma_wait3A_112 = arith.constant 0 : i32
    %dma_wait3A_113 = tpu.memref_slice %arg5[%dma_wait3A_111, %dma_wait3A_112] : memref<16x4xi32, #tpu.memory_space<vmem>> -> memref<1x4xi32, #tpu.memory_space<vmem>>
    %dma_wait3A_114 = tpu.memref_squeeze %dma_wait3A_113 : memref<1x4xi32, #tpu.memory_space<vmem>> -> memref<4xi32, #tpu.memory_space<vmem>>
    %dma_wait3A_115 = arith.constant 0 : i32
    %dma_wait3A_116 = arith.constant 0 : i32
    %dma_wait3A_117 = tpu.memref_slice %arg2[%dma_wait3A_115, %dma_wait3A_116] : memref<1920x8192xf32, #tpu.memory_space<hbm>> -> memref<1920x8192xf32, #tpu.memory_space<hbm>>
    tpu.wait_indirect_dma semaphore(%arg8 : memref<!tpu.dma_semaphore, #tpu.memory_space<semaphore_mem>>) src(%dma_wait3A_117 : memref<1920x8192xf32, #tpu.memory_space<hbm>>) dst(%arg6 : memref<4x8192xf32, #tpu.memory_space<vmem>>)
    %add3A_118 = arith.constant 24 : i32
    %add3A_119 = arith.addi %mul3A_2, %add3A_118 : i32
    "tpu.region"() ({
      %run_scoped3A = tpu.sem_alloc : memref<!tpu.dma_semaphore, #tpu.memory_space<semaphore_mem>>
      %dma_start3A_257 = arith.constant 0 : i32
      %dma_start3A_258 = tpu.memref_slice %arg4[%add3A_119, %dma_start3A_257] : memref<2048x8192xf32, #tpu.memory_space<hbm>> -> memref<4x8192xf32, #tpu.memory_space<hbm>>
      %dma_start3A_259 = arith.constant 0 : i32
      %dma_start3A_260 = tpu.memref_slice %arg4[%add3A_119, %dma_start3A_259] : memref<2048x8192xf32, #tpu.memory_space<hbm>> -> memref<4x8192xf32, #tpu.memory_space<hbm>>
      tpu.enqueue_dma source(%arg6 : memref<4x8192xf32, #tpu.memory_space<vmem>>) target(%dma_start3A_260 : memref<4x8192xf32, #tpu.memory_space<hbm>>) target_semaphore(%run_scoped3A : memref<!tpu.dma_semaphore, #tpu.memory_space<semaphore_mem>>)
      %dma_wait3A_261 = arith.constant 0 : i32
      %dma_wait3A_262 = tpu.memref_slice %arg4[%add3A_119, %dma_wait3A_261] : memref<2048x8192xf32, #tpu.memory_space<hbm>> -> memref<4x8192xf32, #tpu.memory_space<hbm>>
      %dma_wait3A_263 = arith.constant 0 : i32
      %dma_wait3A_264 = tpu.memref_slice %arg4[%add3A_119, %dma_wait3A_263] : memref<2048x8192xf32, #tpu.memory_space<hbm>> -> memref<4x8192xf32, #tpu.memory_space<hbm>>
      tpu.wait_dma2 semaphore(%run_scoped3A : memref<!tpu.dma_semaphore, #tpu.memory_space<semaphore_mem>>) src(%arg6 : memref<4x8192xf32, #tpu.memory_space<vmem>>) dst(%dma_wait3A_264 : memref<4x8192xf32, #tpu.memory_space<hbm>>)
      tpu.yield
    }) : () -> ()
    %dma_start3A_120 = arith.constant 8 : i32
    %dma_start3A_121 = arith.constant 0 : i32
    %dma_start3A_122 = tpu.memref_slice %arg5[%dma_start3A_120, %dma_start3A_121] : memref<16x4xi32, #tpu.memory_space<vmem>> -> memref<1x4xi32, #tpu.memory_space<vmem>>
    %dma_start3A_123 = tpu.memref_squeeze %dma_start3A_122 : memref<1x4xi32, #tpu.memory_space<vmem>> -> memref<4xi32, #tpu.memory_space<vmem>>
    %dma_start3A_124 = arith.constant 0 : i32
    %dma_start3A_125 = arith.constant 0 : i32
    %dma_start3A_126 = tpu.memref_slice %arg2[%dma_start3A_124, %dma_start3A_125] : memref<1920x8192xf32, #tpu.memory_space<hbm>> -> memref<1920x8192xf32, #tpu.memory_space<hbm>>
    tpu.enqueue_indirect_dma source(%dma_start3A_126 : memref<1920x8192xf32, #tpu.memory_space<hbm>>) target(%arg6 : memref<4x8192xf32, #tpu.memory_space<vmem>>) offsets(%dma_start3A_123 : memref<4xi32, #tpu.memory_space<vmem>>) semaphore(%arg8 : memref<!tpu.dma_semaphore, #tpu.memory_space<semaphore_mem>>)
    %dma_wait3A_127 = arith.constant 7 : i32
    %dma_wait3A_128 = arith.constant 0 : i32
    %dma_wait3A_129 = tpu.memref_slice %arg5[%dma_wait3A_127, %dma_wait3A_128] : memref<16x4xi32, #tpu.memory_space<vmem>> -> memref<1x4xi32, #tpu.memory_space<vmem>>
    %dma_wait3A_130 = tpu.memref_squeeze %dma_wait3A_129 : memref<1x4xi32, #tpu.memory_space<vmem>> -> memref<4xi32, #tpu.memory_space<vmem>>
    %dma_wait3A_131 = arith.constant 0 : i32
    %dma_wait3A_132 = arith.constant 0 : i32
    %dma_wait3A_133 = tpu.memref_slice %arg2[%dma_wait3A_131, %dma_wait3A_132] : memref<1920x8192xf32, #tpu.memory_space<hbm>> -> memref<1920x8192xf32, #tpu.memory_space<hbm>>
    tpu.wait_indirect_dma semaphore(%arg9 : memref<!tpu.dma_semaphore, #tpu.memory_space<semaphore_mem>>) src(%dma_wait3A_133 : memref<1920x8192xf32, #tpu.memory_space<hbm>>) dst(%arg7 : memref<4x8192xf32, #tpu.memory_space<vmem>>)
    %add3A_134 = arith.constant 28 : i32
    %add3A_135 = arith.addi %mul3A_2, %add3A_134 : i32
    "tpu.region"() ({
      %run_scoped3A = tpu.sem_alloc : memref<!tpu.dma_semaphore, #tpu.memory_space<semaphore_mem>>
      %dma_start3A_257 = arith.constant 0 : i32
      %dma_start3A_258 = tpu.memref_slice %arg4[%add3A_135, %dma_start3A_257] : memref<2048x8192xf32, #tpu.memory_space<hbm>> -> memref<4x8192xf32, #tpu.memory_space<hbm>>
      %dma_start3A_259 = arith.constant 0 : i32
      %dma_start3A_260 = tpu.memref_slice %arg4[%add3A_135, %dma_start3A_259] : memref<2048x8192xf32, #tpu.memory_space<hbm>> -> memref<4x8192xf32, #tpu.memory_space<hbm>>
      tpu.enqueue_dma source(%arg7 : memref<4x8192xf32, #tpu.memory_space<vmem>>) target(%dma_start3A_260 : memref<4x8192xf32, #tpu.memory_space<hbm>>) target_semaphore(%run_scoped3A : memref<!tpu.dma_semaphore, #tpu.memory_space<semaphore_mem>>)
      %dma_wait3A_261 = arith.constant 0 : i32
      %dma_wait3A_262 = tpu.memref_slice %arg4[%add3A_135, %dma_wait3A_261] : memref<2048x8192xf32, #tpu.memory_space<hbm>> -> memref<4x8192xf32, #tpu.memory_space<hbm>>
      %dma_wait3A_263 = arith.constant 0 : i32
      %dma_wait3A_264 = tpu.memref_slice %arg4[%add3A_135, %dma_wait3A_263] : memref<2048x8192xf32, #tpu.memory_space<hbm>> -> memref<4x8192xf32, #tpu.memory_space<hbm>>
      tpu.wait_dma2 semaphore(%run_scoped3A : memref<!tpu.dma_semaphore, #tpu.memory_space<semaphore_mem>>) src(%arg7 : memref<4x8192xf32, #tpu.memory_space<vmem>>) dst(%dma_wait3A_264 : memref<4x8192xf32, #tpu.memory_space<hbm>>)
      tpu.yield
    }) : () -> ()
    %dma_start3A_136 = arith.constant 9 : i32
    %dma_start3A_137 = arith.constant 0 : i32
    %dma_start3A_138 = tpu.memref_slice %arg5[%dma_start3A_136, %dma_start3A_137] : memref<16x4xi32, #tpu.memory_space<vmem>> -> memref<1x4xi32, #tpu.memory_space<vmem>>
    %dma_start3A_139 = tpu.memref_squeeze %dma_start3A_138 : memref<1x4xi32, #tpu.memory_space<vmem>> -> memref<4xi32, #tpu.memory_space<vmem>>
    %dma_start3A_140 = arith.constant 0 : i32
    %dma_start3A_141 = arith.constant 0 : i32
    %dma_start3A_142 = tpu.memref_slice %arg2[%dma_start3A_140, %dma_start3A_141] : memref<1920x8192xf32, #tpu.memory_space<hbm>> -> memref<1920x8192xf32, #tpu.memory_space<hbm>>
    tpu.enqueue_indirect_dma source(%dma_start3A_142 : memref<1920x8192xf32, #tpu.memory_space<hbm>>) target(%arg7 : memref<4x8192xf32, #tpu.memory_space<vmem>>) offsets(%dma_start3A_139 : memref<4xi32, #tpu.memory_space<vmem>>) semaphore(%arg9 : memref<!tpu.dma_semaphore, #tpu.memory_space<semaphore_mem>>)
    %dma_wait3A_143 = arith.constant 8 : i32
    %dma_wait3A_144 = arith.constant 0 : i32
    %dma_wait3A_145 = tpu.memref_slice %arg5[%dma_wait3A_143, %dma_wait3A_144] : memref<16x4xi32, #tpu.memory_space<vmem>> -> memref<1x4xi32, #tpu.memory_space<vmem>>
    %dma_wait3A_146 = tpu.memref_squeeze %dma_wait3A_145 : memref<1x4xi32, #tpu.memory_space<vmem>> -> memref<4xi32, #tpu.memory_space<vmem>>
    %dma_wait3A_147 = arith.constant 0 : i32
    %dma_wait3A_148 = arith.constant 0 : i32
    %dma_wait3A_149 = tpu.memref_slice %arg2[%dma_wait3A_147, %dma_wait3A_148] : memref<1920x8192xf32, #tpu.memory_space<hbm>> -> memref<1920x8192xf32, #tpu.memory_space<hbm>>
    tpu.wait_indirect_dma semaphore(%arg8 : memref<!tpu.dma_semaphore, #tpu.memory_space<semaphore_mem>>) src(%dma_wait3A_149 : memref<1920x8192xf32, #tpu.memory_space<hbm>>) dst(%arg6 : memref<4x8192xf32, #tpu.memory_space<vmem>>)
    %add3A_150 = arith.constant 32 : i32
    %add3A_151 = arith.addi %mul3A_2, %add3A_150 : i32
    "tpu.region"() ({
      %run_scoped3A = tpu.sem_alloc : memref<!tpu.dma_semaphore, #tpu.memory_space<semaphore_mem>>
      %dma_start3A_257 = arith.constant 0 : i32
      %dma_start3A_258 = tpu.memref_slice %arg4[%add3A_151, %dma_start3A_257] : memref<2048x8192xf32, #tpu.memory_space<hbm>> -> memref<4x8192xf32, #tpu.memory_space<hbm>>
      %dma_start3A_259 = arith.constant 0 : i32
      %dma_start3A_260 = tpu.memref_slice %arg4[%add3A_151, %dma_start3A_259] : memref<2048x8192xf32, #tpu.memory_space<hbm>> -> memref<4x8192xf32, #tpu.memory_space<hbm>>
      tpu.enqueue_dma source(%arg6 : memref<4x8192xf32, #tpu.memory_space<vmem>>) target(%dma_start3A_260 : memref<4x8192xf32, #tpu.memory_space<hbm>>) target_semaphore(%run_scoped3A : memref<!tpu.dma_semaphore, #tpu.memory_space<semaphore_mem>>)
      %dma_wait3A_261 = arith.constant 0 : i32
      %dma_wait3A_262 = tpu.memref_slice %arg4[%add3A_151, %dma_wait3A_261] : memref<2048x8192xf32, #tpu.memory_space<hbm>> -> memref<4x8192xf32, #tpu.memory_space<hbm>>
      %dma_wait3A_263 = arith.constant 0 : i32
      %dma_wait3A_264 = tpu.memref_slice %arg4[%add3A_151, %dma_wait3A_263] : memref<2048x8192xf32, #tpu.memory_space<hbm>> -> memref<4x8192xf32, #tpu.memory_space<hbm>>
      tpu.wait_dma2 semaphore(%run_scoped3A : memref<!tpu.dma_semaphore, #tpu.memory_space<semaphore_mem>>) src(%arg6 : memref<4x8192xf32, #tpu.memory_space<vmem>>) dst(%dma_wait3A_264 : memref<4x8192xf32, #tpu.memory_space<hbm>>)
      tpu.yield
    }) : () -> ()
    %dma_start3A_152 = arith.constant 10 : i32
    %dma_start3A_153 = arith.constant 0 : i32
    %dma_start3A_154 = tpu.memref_slice %arg5[%dma_start3A_152, %dma_start3A_153] : memref<16x4xi32, #tpu.memory_space<vmem>> -> memref<1x4xi32, #tpu.memory_space<vmem>>
    %dma_start3A_155 = tpu.memref_squeeze %dma_start3A_154 : memref<1x4xi32, #tpu.memory_space<vmem>> -> memref<4xi32, #tpu.memory_space<vmem>>
    %dma_start3A_156 = arith.constant 0 : i32
    %dma_start3A_157 = arith.constant 0 : i32
    %dma_start3A_158 = tpu.memref_slice %arg2[%dma_start3A_156, %dma_start3A_157] : memref<1920x8192xf32, #tpu.memory_space<hbm>> -> memref<1920x8192xf32, #tpu.memory_space<hbm>>
    tpu.enqueue_indirect_dma source(%dma_start3A_158 : memref<1920x8192xf32, #tpu.memory_space<hbm>>) target(%arg6 : memref<4x8192xf32, #tpu.memory_space<vmem>>) offsets(%dma_start3A_155 : memref<4xi32, #tpu.memory_space<vmem>>) semaphore(%arg8 : memref<!tpu.dma_semaphore, #tpu.memory_space<semaphore_mem>>)
    %dma_wait3A_159 = arith.constant 9 : i32
    %dma_wait3A_160 = arith.constant 0 : i32
    %dma_wait3A_161 = tpu.memref_slice %arg5[%dma_wait3A_159, %dma_wait3A_160] : memref<16x4xi32, #tpu.memory_space<vmem>> -> memref<1x4xi32, #tpu.memory_space<vmem>>
    %dma_wait3A_162 = tpu.memref_squeeze %dma_wait3A_161 : memref<1x4xi32, #tpu.memory_space<vmem>> -> memref<4xi32, #tpu.memory_space<vmem>>
    %dma_wait3A_163 = arith.constant 0 : i32
    %dma_wait3A_164 = arith.constant 0 : i32
    %dma_wait3A_165 = tpu.memref_slice %arg2[%dma_wait3A_163, %dma_wait3A_164] : memref<1920x8192xf32, #tpu.memory_space<hbm>> -> memref<1920x8192xf32, #tpu.memory_space<hbm>>
    tpu.wait_indirect_dma semaphore(%arg9 : memref<!tpu.dma_semaphore, #tpu.memory_space<semaphore_mem>>) src(%dma_wait3A_165 : memref<1920x8192xf32, #tpu.memory_space<hbm>>) dst(%arg7 : memref<4x8192xf32, #tpu.memory_space<vmem>>)
    %add3A_166 = arith.constant 36 : i32
    %add3A_167 = arith.addi %mul3A_2, %add3A_166 : i32
    "tpu.region"() ({
      %run_scoped3A = tpu.sem_alloc : memref<!tpu.dma_semaphore, #tpu.memory_space<semaphore_mem>>
      %dma_start3A_257 = arith.constant 0 : i32
      %dma_start3A_258 = tpu.memref_slice %arg4[%add3A_167, %dma_start3A_257] : memref<2048x8192xf32, #tpu.memory_space<hbm>> -> memref<4x8192xf32, #tpu.memory_space<hbm>>
      %dma_start3A_259 = arith.constant 0 : i32
      %dma_start3A_260 = tpu.memref_slice %arg4[%add3A_167, %dma_start3A_259] : memref<2048x8192xf32, #tpu.memory_space<hbm>> -> memref<4x8192xf32, #tpu.memory_space<hbm>>
      tpu.enqueue_dma source(%arg7 : memref<4x8192xf32, #tpu.memory_space<vmem>>) target(%dma_start3A_260 : memref<4x8192xf32, #tpu.memory_space<hbm>>) target_semaphore(%run_scoped3A : memref<!tpu.dma_semaphore, #tpu.memory_space<semaphore_mem>>)
      %dma_wait3A_261 = arith.constant 0 : i32
      %dma_wait3A_262 = tpu.memref_slice %arg4[%add3A_167, %dma_wait3A_261] : memref<2048x8192xf32, #tpu.memory_space<hbm>> -> memref<4x8192xf32, #tpu.memory_space<hbm>>
      %dma_wait3A_263 = arith.constant 0 : i32
      %dma_wait3A_264 = tpu.memref_slice %arg4[%add3A_167, %dma_wait3A_263] : memref<2048x8192xf32, #tpu.memory_space<hbm>> -> memref<4x8192xf32, #tpu.memory_space<hbm>>
      tpu.wait_dma2 semaphore(%run_scoped3A : memref<!tpu.dma_semaphore, #tpu.memory_space<semaphore_mem>>) src(%arg7 : memref<4x8192xf32, #tpu.memory_space<vmem>>) dst(%dma_wait3A_264 : memref<4x8192xf32, #tpu.memory_space<hbm>>)
      tpu.yield
    }) : () -> ()
    %dma_start3A_168 = arith.constant 11 : i32
    %dma_start3A_169 = arith.constant 0 : i32
    %dma_start3A_170 = tpu.memref_slice %arg5[%dma_start3A_168, %dma_start3A_169] : memref<16x4xi32, #tpu.memory_space<vmem>> -> memref<1x4xi32, #tpu.memory_space<vmem>>
    %dma_start3A_171 = tpu.memref_squeeze %dma_start3A_170 : memref<1x4xi32, #tpu.memory_space<vmem>> -> memref<4xi32, #tpu.memory_space<vmem>>
    %dma_start3A_172 = arith.constant 0 : i32
    %dma_start3A_173 = arith.constant 0 : i32
    %dma_start3A_174 = tpu.memref_slice %arg2[%dma_start3A_172, %dma_start3A_173] : memref<1920x8192xf32, #tpu.memory_space<hbm>> -> memref<1920x8192xf32, #tpu.memory_space<hbm>>
    tpu.enqueue_indirect_dma source(%dma_start3A_174 : memref<1920x8192xf32, #tpu.memory_space<hbm>>) target(%arg7 : memref<4x8192xf32, #tpu.memory_space<vmem>>) offsets(%dma_start3A_171 : memref<4xi32, #tpu.memory_space<vmem>>) semaphore(%arg9 : memref<!tpu.dma_semaphore, #tpu.memory_space<semaphore_mem>>)
    %dma_wait3A_175 = arith.constant 10 : i32
    %dma_wait3A_176 = arith.constant 0 : i32
    %dma_wait3A_177 = tpu.memref_slice %arg5[%dma_wait3A_175, %dma_wait3A_176] : memref<16x4xi32, #tpu.memory_space<vmem>> -> memref<1x4xi32, #tpu.memory_space<vmem>>
    %dma_wait3A_178 = tpu.memref_squeeze %dma_wait3A_177 : memref<1x4xi32, #tpu.memory_space<vmem>> -> memref<4xi32, #tpu.memory_space<vmem>>
    %dma_wait3A_179 = arith.constant 0 : i32
    %dma_wait3A_180 = arith.constant 0 : i32
    %dma_wait3A_181 = tpu.memref_slice %arg2[%dma_wait3A_179, %dma_wait3A_180] : memref<1920x8192xf32, #tpu.memory_space<hbm>> -> memref<1920x8192xf32, #tpu.memory_space<hbm>>
    tpu.wait_indirect_dma semaphore(%arg8 : memref<!tpu.dma_semaphore, #tpu.memory_space<semaphore_mem>>) src(%dma_wait3A_181 : memref<1920x8192xf32, #tpu.memory_space<hbm>>) dst(%arg6 : memref<4x8192xf32, #tpu.memory_space<vmem>>)
    %add3A_182 = arith.constant 40 : i32
    %add3A_183 = arith.addi %mul3A_2, %add3A_182 : i32
    "tpu.region"() ({
      %run_scoped3A = tpu.sem_alloc : memref<!tpu.dma_semaphore, #tpu.memory_space<semaphore_mem>>
      %dma_start3A_257 = arith.constant 0 : i32
      %dma_start3A_258 = tpu.memref_slice %arg4[%add3A_183, %dma_start3A_257] : memref<2048x8192xf32, #tpu.memory_space<hbm>> -> memref<4x8192xf32, #tpu.memory_space<hbm>>
      %dma_start3A_259 = arith.constant 0 : i32
      %dma_start3A_260 = tpu.memref_slice %arg4[%add3A_183, %dma_start3A_259] : memref<2048x8192xf32, #tpu.memory_space<hbm>> -> memref<4x8192xf32, #tpu.memory_space<hbm>>
      tpu.enqueue_dma source(%arg6 : memref<4x8192xf32, #tpu.memory_space<vmem>>) target(%dma_start3A_260 : memref<4x8192xf32, #tpu.memory_space<hbm>>) target_semaphore(%run_scoped3A : memref<!tpu.dma_semaphore, #tpu.memory_space<semaphore_mem>>)
      %dma_wait3A_261 = arith.constant 0 : i32
      %dma_wait3A_262 = tpu.memref_slice %arg4[%add3A_183, %dma_wait3A_261] : memref<2048x8192xf32, #tpu.memory_space<hbm>> -> memref<4x8192xf32, #tpu.memory_space<hbm>>
      %dma_wait3A_263 = arith.constant 0 : i32
      %dma_wait3A_264 = tpu.memref_slice %arg4[%add3A_183, %dma_wait3A_263] : memref<2048x8192xf32, #tpu.memory_space<hbm>> -> memref<4x8192xf32, #tpu.memory_space<hbm>>
      tpu.wait_dma2 semaphore(%run_scoped3A : memref<!tpu.dma_semaphore, #tpu.memory_space<semaphore_mem>>) src(%arg6 : memref<4x8192xf32, #tpu.memory_space<vmem>>) dst(%dma_wait3A_264 : memref<4x8192xf32, #tpu.memory_space<hbm>>)
      tpu.yield
    }) : () -> ()
    %dma_start3A_184 = arith.constant 12 : i32
    %dma_start3A_185 = arith.constant 0 : i32
    %dma_start3A_186 = tpu.memref_slice %arg5[%dma_start3A_184, %dma_start3A_185] : memref<16x4xi32, #tpu.memory_space<vmem>> -> memref<1x4xi32, #tpu.memory_space<vmem>>
    %dma_start3A_187 = tpu.memref_squeeze %dma_start3A_186 : memref<1x4xi32, #tpu.memory_space<vmem>> -> memref<4xi32, #tpu.memory_space<vmem>>
    %dma_start3A_188 = arith.constant 0 : i32
    %dma_start3A_189 = arith.constant 0 : i32
    %dma_start3A_190 = tpu.memref_slice %arg2[%dma_start3A_188, %dma_start3A_189] : memref<1920x8192xf32, #tpu.memory_space<hbm>> -> memref<1920x8192xf32, #tpu.memory_space<hbm>>
    tpu.enqueue_indirect_dma source(%dma_start3A_190 : memref<1920x8192xf32, #tpu.memory_space<hbm>>) target(%arg6 : memref<4x8192xf32, #tpu.memory_space<vmem>>) offsets(%dma_start3A_187 : memref<4xi32, #tpu.memory_space<vmem>>) semaphore(%arg8 : memref<!tpu.dma_semaphore, #tpu.memory_space<semaphore_mem>>)
    %dma_wait3A_191 = arith.constant 11 : i32
    %dma_wait3A_192 = arith.constant 0 : i32
    %dma_wait3A_193 = tpu.memref_slice %arg5[%dma_wait3A_191, %dma_wait3A_192] : memref<16x4xi32, #tpu.memory_space<vmem>> -> memref<1x4xi32, #tpu.memory_space<vmem>>
    %dma_wait3A_194 = tpu.memref_squeeze %dma_wait3A_193 : memref<1x4xi32, #tpu.memory_space<vmem>> -> memref<4xi32, #tpu.memory_space<vmem>>
    %dma_wait3A_195 = arith.constant 0 : i32
    %dma_wait3A_196 = arith.constant 0 : i32
    %dma_wait3A_197 = tpu.memref_slice %arg2[%dma_wait3A_195, %dma_wait3A_196] : memref<1920x8192xf32, #tpu.memory_space<hbm>> -> memref<1920x8192xf32, #tpu.memory_space<hbm>>
    tpu.wait_indirect_dma semaphore(%arg9 : memref<!tpu.dma_semaphore, #tpu.memory_space<semaphore_mem>>) src(%dma_wait3A_197 : memref<1920x8192xf32, #tpu.memory_space<hbm>>) dst(%arg7 : memref<4x8192xf32, #tpu.memory_space<vmem>>)
    %add3A_198 = arith.constant 44 : i32
    %add3A_199 = arith.addi %mul3A_2, %add3A_198 : i32
    "tpu.region"() ({
      %run_scoped3A = tpu.sem_alloc : memref<!tpu.dma_semaphore, #tpu.memory_space<semaphore_mem>>
      %dma_start3A_257 = arith.constant 0 : i32
      %dma_start3A_258 = tpu.memref_slice %arg4[%add3A_199, %dma_start3A_257] : memref<2048x8192xf32, #tpu.memory_space<hbm>> -> memref<4x8192xf32, #tpu.memory_space<hbm>>
      %dma_start3A_259 = arith.constant 0 : i32
      %dma_start3A_260 = tpu.memref_slice %arg4[%add3A_199, %dma_start3A_259] : memref<2048x8192xf32, #tpu.memory_space<hbm>> -> memref<4x8192xf32, #tpu.memory_space<hbm>>
      tpu.enqueue_dma source(%arg7 : memref<4x8192xf32, #tpu.memory_space<vmem>>) target(%dma_start3A_260 : memref<4x8192xf32, #tpu.memory_space<hbm>>) target_semaphore(%run_scoped3A : memref<!tpu.dma_semaphore, #tpu.memory_space<semaphore_mem>>)
      %dma_wait3A_261 = arith.constant 0 : i32
      %dma_wait3A_262 = tpu.memref_slice %arg4[%add3A_199, %dma_wait3A_261] : memref<2048x8192xf32, #tpu.memory_space<hbm>> -> memref<4x8192xf32, #tpu.memory_space<hbm>>
      %dma_wait3A_263 = arith.constant 0 : i32
      %dma_wait3A_264 = tpu.memref_slice %arg4[%add3A_199, %dma_wait3A_263] : memref<2048x8192xf32, #tpu.memory_space<hbm>> -> memref<4x8192xf32, #tpu.memory_space<hbm>>
      tpu.wait_dma2 semaphore(%run_scoped3A : memref<!tpu.dma_semaphore, #tpu.memory_space<semaphore_mem>>) src(%arg7 : memref<4x8192xf32, #tpu.memory_space<vmem>>) dst(%dma_wait3A_264 : memref<4x8192xf32, #tpu.memory_space<hbm>>)
      tpu.yield
    }) : () -> ()
    %dma_start3A_200 = arith.constant 13 : i32
    %dma_start3A_201 = arith.constant 0 : i32
    %dma_start3A_202 = tpu.memref_slice %arg5[%dma_start3A_200, %dma_start3A_201] : memref<16x4xi32, #tpu.memory_space<vmem>> -> memref<1x4xi32, #tpu.memory_space<vmem>>
    %dma_start3A_203 = tpu.memref_squeeze %dma_start3A_202 : memref<1x4xi32, #tpu.memory_space<vmem>> -> memref<4xi32, #tpu.memory_space<vmem>>
    %dma_start3A_204 = arith.constant 0 : i32
    %dma_start3A_205 = arith.constant 0 : i32
    %dma_start3A_206 = tpu.memref_slice %arg2[%dma_start3A_204, %dma_start3A_205] : memref<1920x8192xf32, #tpu.memory_space<hbm>> -> memref<1920x8192xf32, #tpu.memory_space<hbm>>
    tpu.enqueue_indirect_dma source(%dma_start3A_206 : memref<1920x8192xf32, #tpu.memory_space<hbm>>) target(%arg7 : memref<4x8192xf32, #tpu.memory_space<vmem>>) offsets(%dma_start3A_203 : memref<4xi32, #tpu.memory_space<vmem>>) semaphore(%arg9 : memref<!tpu.dma_semaphore, #tpu.memory_space<semaphore_mem>>)
    %dma_wait3A_207 = arith.constant 12 : i32
    %dma_wait3A_208 = arith.constant 0 : i32
    %dma_wait3A_209 = tpu.memref_slice %arg5[%dma_wait3A_207, %dma_wait3A_208] : memref<16x4xi32, #tpu.memory_space<vmem>> -> memref<1x4xi32, #tpu.memory_space<vmem>>
    %dma_wait3A_210 = tpu.memref_squeeze %dma_wait3A_209 : memref<1x4xi32, #tpu.memory_space<vmem>> -> memref<4xi32, #tpu.memory_space<vmem>>
    %dma_wait3A_211 = arith.constant 0 : i32
    %dma_wait3A_212 = arith.constant 0 : i32
    %dma_wait3A_213 = tpu.memref_slice %arg2[%dma_wait3A_211, %dma_wait3A_212] : memref<1920x8192xf32, #tpu.memory_space<hbm>> -> memref<1920x8192xf32, #tpu.memory_space<hbm>>
    tpu.wait_indirect_dma semaphore(%arg8 : memref<!tpu.dma_semaphore, #tpu.memory_space<semaphore_mem>>) src(%dma_wait3A_213 : memref<1920x8192xf32, #tpu.memory_space<hbm>>) dst(%arg6 : memref<4x8192xf32, #tpu.memory_space<vmem>>)
    %add3A_214 = arith.constant 48 : i32
    %add3A_215 = arith.addi %mul3A_2, %add3A_214 : i32
    "tpu.region"() ({
      %run_scoped3A = tpu.sem_alloc : memref<!tpu.dma_semaphore, #tpu.memory_space<semaphore_mem>>
      %dma_start3A_257 = arith.constant 0 : i32
      %dma_start3A_258 = tpu.memref_slice %arg4[%add3A_215, %dma_start3A_257] : memref<2048x8192xf32, #tpu.memory_space<hbm>> -> memref<4x8192xf32, #tpu.memory_space<hbm>>
      %dma_start3A_259 = arith.constant 0 : i32
      %dma_start3A_260 = tpu.memref_slice %arg4[%add3A_215, %dma_start3A_259] : memref<2048x8192xf32, #tpu.memory_space<hbm>> -> memref<4x8192xf32, #tpu.memory_space<hbm>>
      tpu.enqueue_dma source(%arg6 : memref<4x8192xf32, #tpu.memory_space<vmem>>) target(%dma_start3A_260 : memref<4x8192xf32, #tpu.memory_space<hbm>>) target_semaphore(%run_scoped3A : memref<!tpu.dma_semaphore, #tpu.memory_space<semaphore_mem>>)
      %dma_wait3A_261 = arith.constant 0 : i32
      %dma_wait3A_262 = tpu.memref_slice %arg4[%add3A_215, %dma_wait3A_261] : memref<2048x8192xf32, #tpu.memory_space<hbm>> -> memref<4x8192xf32, #tpu.memory_space<hbm>>
      %dma_wait3A_263 = arith.constant 0 : i32
      %dma_wait3A_264 = tpu.memref_slice %arg4[%add3A_215, %dma_wait3A_263] : memref<2048x8192xf32, #tpu.memory_space<hbm>> -> memref<4x8192xf32, #tpu.memory_space<hbm>>
      tpu.wait_dma2 semaphore(%run_scoped3A : memref<!tpu.dma_semaphore, #tpu.memory_space<semaphore_mem>>) src(%arg6 : memref<4x8192xf32, #tpu.memory_space<vmem>>) dst(%dma_wait3A_264 : memref<4x8192xf32, #tpu.memory_space<hbm>>)
      tpu.yield
    }) : () -> ()
    %dma_start3A_216 = arith.constant 14 : i32
    %dma_start3A_217 = arith.constant 0 : i32
    %dma_start3A_218 = tpu.memref_slice %arg5[%dma_start3A_216, %dma_start3A_217] : memref<16x4xi32, #tpu.memory_space<vmem>> -> memref<1x4xi32, #tpu.memory_space<vmem>>
    %dma_start3A_219 = tpu.memref_squeeze %dma_start3A_218 : memref<1x4xi32, #tpu.memory_space<vmem>> -> memref<4xi32, #tpu.memory_space<vmem>>
    %dma_start3A_220 = arith.constant 0 : i32
    %dma_start3A_221 = arith.constant 0 : i32
    %dma_start3A_222 = tpu.memref_slice %arg2[%dma_start3A_220, %dma_start3A_221] : memref<1920x8192xf32, #tpu.memory_space<hbm>> -> memref<1920x8192xf32, #tpu.memory_space<hbm>>
    tpu.enqueue_indirect_dma source(%dma_start3A_222 : memref<1920x8192xf32, #tpu.memory_space<hbm>>) target(%arg6 : memref<4x8192xf32, #tpu.memory_space<vmem>>) offsets(%dma_start3A_219 : memref<4xi32, #tpu.memory_space<vmem>>) semaphore(%arg8 : memref<!tpu.dma_semaphore, #tpu.memory_space<semaphore_mem>>)
    %dma_wait3A_223 = arith.constant 13 : i32
    %dma_wait3A_224 = arith.constant 0 : i32
    %dma_wait3A_225 = tpu.memref_slice %arg5[%dma_wait3A_223, %dma_wait3A_224] : memref<16x4xi32, #tpu.memory_space<vmem>> -> memref<1x4xi32, #tpu.memory_space<vmem>>
    %dma_wait3A_226 = tpu.memref_squeeze %dma_wait3A_225 : memref<1x4xi32, #tpu.memory_space<vmem>> -> memref<4xi32, #tpu.memory_space<vmem>>
    %dma_wait3A_227 = arith.constant 0 : i32
    %dma_wait3A_228 = arith.constant 0 : i32
    %dma_wait3A_229 = tpu.memref_slice %arg2[%dma_wait3A_227, %dma_wait3A_228] : memref<1920x8192xf32, #tpu.memory_space<hbm>> -> memref<1920x8192xf32, #tpu.memory_space<hbm>>
    tpu.wait_indirect_dma semaphore(%arg9 : memref<!tpu.dma_semaphore, #tpu.memory_space<semaphore_mem>>) src(%dma_wait3A_229 : memref<1920x8192xf32, #tpu.memory_space<hbm>>) dst(%arg7 : memref<4x8192xf32, #tpu.memory_space<vmem>>)
    %add3A_230 = arith.constant 52 : i32
    %add3A_231 = arith.addi %mul3A_2, %add3A_230 : i32
    "tpu.region"() ({
      %run_scoped3A = tpu.sem_alloc : memref<!tpu.dma_semaphore, #tpu.memory_space<semaphore_mem>>
      %dma_start3A_257 = arith.constant 0 : i32
      %dma_start3A_258 = tpu.memref_slice %arg4[%add3A_231, %dma_start3A_257] : memref<2048x8192xf32, #tpu.memory_space<hbm>> -> memref<4x8192xf32, #tpu.memory_space<hbm>>
      %dma_start3A_259 = arith.constant 0 : i32
      %dma_start3A_260 = tpu.memref_slice %arg4[%add3A_231, %dma_start3A_259] : memref<2048x8192xf32, #tpu.memory_space<hbm>> -> memref<4x8192xf32, #tpu.memory_space<hbm>>
      tpu.enqueue_dma source(%arg7 : memref<4x8192xf32, #tpu.memory_space<vmem>>) target(%dma_start3A_260 : memref<4x8192xf32, #tpu.memory_space<hbm>>) target_semaphore(%run_scoped3A : memref<!tpu.dma_semaphore, #tpu.memory_space<semaphore_mem>>)
      %dma_wait3A_261 = arith.constant 0 : i32
      %dma_wait3A_262 = tpu.memref_slice %arg4[%add3A_231, %dma_wait3A_261] : memref<2048x8192xf32, #tpu.memory_space<hbm>> -> memref<4x8192xf32, #tpu.memory_space<hbm>>
      %dma_wait3A_263 = arith.constant 0 : i32
      %dma_wait3A_264 = tpu.memref_slice %arg4[%add3A_231, %dma_wait3A_263] : memref<2048x8192xf32, #tpu.memory_space<hbm>> -> memref<4x8192xf32, #tpu.memory_space<hbm>>
      tpu.wait_dma2 semaphore(%run_scoped3A : memref<!tpu.dma_semaphore, #tpu.memory_space<semaphore_mem>>) src(%arg7 : memref<4x8192xf32, #tpu.memory_space<vmem>>) dst(%dma_wait3A_264 : memref<4x8192xf32, #tpu.memory_space<hbm>>)
      tpu.yield
    }) : () -> ()
    %dma_start3A_232 = arith.constant 15 : i32
    %dma_start3A_233 = arith.constant 0 : i32
    %dma_start3A_234 = tpu.memref_slice %arg5[%dma_start3A_232, %dma_start3A_233] : memref<16x4xi32, #tpu.memory_space<vmem>> -> memref<1x4xi32, #tpu.memory_space<vmem>>
    %dma_start3A_235 = tpu.memref_squeeze %dma_start3A_234 : memref<1x4xi32, #tpu.memory_space<vmem>> -> memref<4xi32, #tpu.memory_space<vmem>>
    %dma_start3A_236 = arith.constant 0 : i32
    %dma_start3A_237 = arith.constant 0 : i32
    %dma_start3A_238 = tpu.memref_slice %arg2[%dma_start3A_236, %dma_start3A_237] : memref<1920x8192xf32, #tpu.memory_space<hbm>> -> memref<1920x8192xf32, #tpu.memory_space<hbm>>
    tpu.enqueue_indirect_dma source(%dma_start3A_238 : memref<1920x8192xf32, #tpu.memory_space<hbm>>) target(%arg7 : memref<4x8192xf32, #tpu.memory_space<vmem>>) offsets(%dma_start3A_235 : memref<4xi32, #tpu.memory_space<vmem>>) semaphore(%arg9 : memref<!tpu.dma_semaphore, #tpu.memory_space<semaphore_mem>>)
    %dma_wait3A_239 = arith.constant 14 : i32
    %dma_wait3A_240 = arith.constant 0 : i32
    %dma_wait3A_241 = tpu.memref_slice %arg5[%dma_wait3A_239, %dma_wait3A_240] : memref<16x4xi32, #tpu.memory_space<vmem>> -> memref<1x4xi32, #tpu.memory_space<vmem>>
    %dma_wait3A_242 = tpu.memref_squeeze %dma_wait3A_241 : memref<1x4xi32, #tpu.memory_space<vmem>> -> memref<4xi32, #tpu.memory_space<vmem>>
    %dma_wait3A_243 = arith.constant 0 : i32
    %dma_wait3A_244 = arith.constant 0 : i32
    %dma_wait3A_245 = tpu.memref_slice %arg2[%dma_wait3A_243, %dma_wait3A_244] : memref<1920x8192xf32, #tpu.memory_space<hbm>> -> memref<1920x8192xf32, #tpu.memory_space<hbm>>
    tpu.wait_indirect_dma semaphore(%arg8 : memref<!tpu.dma_semaphore, #tpu.memory_space<semaphore_mem>>) src(%dma_wait3A_245 : memref<1920x8192xf32, #tpu.memory_space<hbm>>) dst(%arg6 : memref<4x8192xf32, #tpu.memory_space<vmem>>)
    %add3A_246 = arith.constant 56 : i32
    %add3A_247 = arith.addi %mul3A_2, %add3A_246 : i32
    "tpu.region"() ({
      %run_scoped3A = tpu.sem_alloc : memref<!tpu.dma_semaphore, #tpu.memory_space<semaphore_mem>>
      %dma_start3A_257 = arith.constant 0 : i32
      %dma_start3A_258 = tpu.memref_slice %arg4[%add3A_247, %dma_start3A_257] : memref<2048x8192xf32, #tpu.memory_space<hbm>> -> memref<4x8192xf32, #tpu.memory_space<hbm>>
      %dma_start3A_259 = arith.constant 0 : i32
      %dma_start3A_260 = tpu.memref_slice %arg4[%add3A_247, %dma_start3A_259] : memref<2048x8192xf32, #tpu.memory_space<hbm>> -> memref<4x8192xf32, #tpu.memory_space<hbm>>
      tpu.enqueue_dma source(%arg6 : memref<4x8192xf32, #tpu.memory_space<vmem>>) target(%dma_start3A_260 : memref<4x8192xf32, #tpu.memory_space<hbm>>) target_semaphore(%run_scoped3A : memref<!tpu.dma_semaphore, #tpu.memory_space<semaphore_mem>>)
      %dma_wait3A_261 = arith.constant 0 : i32
      %dma_wait3A_262 = tpu.memref_slice %arg4[%add3A_247, %dma_wait3A_261] : memref<2048x8192xf32, #tpu.memory_space<hbm>> -> memref<4x8192xf32, #tpu.memory_space<hbm>>
      %dma_wait3A_263 = arith.constant 0 : i32
      %dma_wait3A_264 = tpu.memref_slice %arg4[%add3A_247, %dma_wait3A_263] : memref<2048x8192xf32, #tpu.memory_space<hbm>> -> memref<4x8192xf32, #tpu.memory_space<hbm>>
      tpu.wait_dma2 semaphore(%run_scoped3A : memref<!tpu.dma_semaphore, #tpu.memory_space<semaphore_mem>>) src(%arg6 : memref<4x8192xf32, #tpu.memory_space<vmem>>) dst(%dma_wait3A_264 : memref<4x8192xf32, #tpu.memory_space<hbm>>)
      tpu.yield
    }) : () -> ()
    %dma_wait3A_248 = arith.constant 15 : i32
    %dma_wait3A_249 = arith.constant 0 : i32
    %dma_wait3A_250 = tpu.memref_slice %arg5[%dma_wait3A_248, %dma_wait3A_249] : memref<16x4xi32, #tpu.memory_space<vmem>> -> memref<1x4xi32, #tpu.memory_space<vmem>>
    %dma_wait3A_251 = tpu.memref_squeeze %dma_wait3A_250 : memref<1x4xi32, #tpu.memory_space<vmem>> -> memref<4xi32, #tpu.memory_space<vmem>>
    %dma_wait3A_252 = arith.constant 0 : i32
    %dma_wait3A_253 = arith.constant 0 : i32
    %dma_wait3A_254 = tpu.memref_slice %arg2[%dma_wait3A_252, %dma_wait3A_253] : memref<1920x8192xf32, #tpu.memory_space<hbm>> -> memref<1920x8192xf32, #tpu.memory_space<hbm>>
    tpu.wait_indirect_dma semaphore(%arg9 : memref<!tpu.dma_semaphore, #tpu.memory_space<semaphore_mem>>) src(%dma_wait3A_254 : memref<1920x8192xf32, #tpu.memory_space<hbm>>) dst(%arg7 : memref<4x8192xf32, #tpu.memory_space<vmem>>)
    %add3A_255 = arith.constant 60 : i32
    %add3A_256 = arith.addi %mul3A_2, %add3A_255 : i32
    "tpu.region"() ({
      %run_scoped3A = tpu.sem_alloc : memref<!tpu.dma_semaphore, #tpu.memory_space<semaphore_mem>>
      %dma_start3A_257 = arith.constant 0 : i32
      %dma_start3A_258 = tpu.memref_slice %arg4[%add3A_256, %dma_start3A_257] : memref<2048x8192xf32, #tpu.memory_space<hbm>> -> memref<4x8192xf32, #tpu.memory_space<hbm>>
      %dma_start3A_259 = arith.constant 0 : i32
      %dma_start3A_260 = tpu.memref_slice %arg4[%add3A_256, %dma_start3A_259] : memref<2048x8192xf32, #tpu.memory_space<hbm>> -> memref<4x8192xf32, #tpu.memory_space<hbm>>
      tpu.enqueue_dma source(%arg7 : memref<4x8192xf32, #tpu.memory_space<vmem>>) target(%dma_start3A_260 : memref<4x8192xf32, #tpu.memory_space<hbm>>) target_semaphore(%run_scoped3A : memref<!tpu.dma_semaphore, #tpu.memory_space<semaphore_mem>>)
      %dma_wait3A_261 = arith.constant 0 : i32
      %dma_wait3A_262 = tpu.memref_slice %arg4[%add3A_256, %dma_wait3A_261] : memref<2048x8192xf32, #tpu.memory_space<hbm>> -> memref<4x8192xf32, #tpu.memory_space<hbm>>
      %dma_wait3A_263 = arith.constant 0 : i32
      %dma_wait3A_264 = tpu.memref_slice %arg4[%add3A_256, %dma_wait3A_263] : memref<2048x8192xf32, #tpu.memory_space<hbm>> -> memref<4x8192xf32, #tpu.memory_space<hbm>>
      tpu.wait_dma2 semaphore(%run_scoped3A : memref<!tpu.dma_semaphore, #tpu.memory_space<semaphore_mem>>) src(%arg7 : memref<4x8192xf32, #tpu.memory_space<vmem>>) dst(%dma_wait3A_264 : memref<4x8192xf32, #tpu.memory_space<hbm>>)
      tpu.yield
    }) : () -> ()
    return
  }
}

module attributes {stable_mosaic.version = 14 : i64} {
  func.func @_smooth_body(%arg0: i32, %arg1: memref<4x8x8192xf32, #tpu.memory_space<vmem>>, %arg2: memref<4x8x8192xf32, #tpu.memory_space<vmem>>, %arg3: memref<8x8x8192xf32, #tpu.memory_space<vmem>>) attributes {dimension_semantics = [#tpu.dimension_semantics<arbitrary>], iteration_bounds = array<i64: 61>, scalar_prefetch = 0 : i64, scratch_operands = 1 : i64, tpu.core_type = #tpu.core_type<tc>, window_params = [{transform_indices = @transform_0, window_bounds = array<i64: 4, 8, 8192>}, {transform_indices = @transform_1, window_bounds = array<i64: 4, 8, 8192>}]} {
    %mul3A = arith.constant 4 : i32
    %mul3A_0 = arith.muli %mul3A, %arg0 : i32
    %add3A = arith.constant 0 : i32
    %add3A_1 = arith.addi %mul3A_0, %add3A : i32
    %get3A = arith.constant 0 : index
    %get3A_2 = arith.constant 0 : index
    %get3A_3 = arith.constant 0 : index
    %get3A_4 = vector.load %arg1[%get3A, %get3A_2, %get3A_3] : memref<4x8x8192xf32, #tpu.memory_space<vmem>>, vector<1x8x8192xf32>
    %get3A_5 = vector.shape_cast %get3A_4 : vector<1x8x8192xf32> to vector<8x8192xf32>
    %mul3A_6 = arith.mulf %get3A_5, %get3A_5 : vector<8x8192xf32>
    %reduce_sum3A = vector.shape_cast %mul3A_6 : vector<8x8192xf32> to vector<1x8x8192xf32>
    %reduce_sum3A_7 = arith.constant dense<0.000000e+00> : vector<1xf32>
    %reduce_sum3A_8 = vector.multi_reduction <add>, %reduce_sum3A, %reduce_sum3A_7 [1, 2] : vector<1x8x8192xf32> to vector<1xf32>
    %reduce_sum3A_9 = vector.shape_cast %reduce_sum3A_8 : vector<1xf32> to vector<1x1x1xf32>
    %reduce_sum3A_10 = vector.extract %reduce_sum3A_9[0, 0, 0] : f32 from vector<1x1x1xf32>
    %sqrt3A = math.sqrt %reduce_sum3A_10 : f32
    %add3A_11 = arith.constant 1.000000e-07 : f32
    %add3A_12 = arith.addf %sqrt3A, %add3A_11 : f32
    %div3A = arith.constant 6.400000e+01 : f32
    %div3A_13 = arith.divf %div3A, %add3A_12 : f32
    %min3A = arith.constant 1.000000e+00 : f32
    %min3A_14 = arith.minimumf %min3A, %div3A_13 : f32
    %mul3A_15 = vector.broadcast %min3A_14 : f32 to vector<8x8192xf32>
    %mul3A_16 = arith.mulf %mul3A_15, %get3A_5 : vector<8x8192xf32>
    %sub3A = arith.constant 0 : i32
    %sub3A_17 = arith.subi %add3A_1, %sub3A : i32
    %add3A_18 = arith.constant 40 : i32
    %add3A_19 = arith.addi %sub3A_17, %add3A_18 : i32
    %rem3A = arith.constant 8 : i32
    %rem3A_20 = arith.remsi %add3A_19, %rem3A : i32
    %mul3A_21 = arith.constant 0.127068371 : f32
    %mul3A_22 = vector.broadcast %mul3A_21 : f32 to vector<8x8192xf32>
    %mul3A_23 = arith.mulf %mul3A_22, %mul3A_16 : vector<8x8192xf32>
    %broadcast_in_dim3A = vector.shape_cast %mul3A_23 : vector<8x8192xf32> to vector<1x8x8192xf32>
    %le3A = arith.constant 239 : i32
    %le3A_24 = arith.cmpi sle, %sub3A_17, %le3A : i32
    %convert_element_type3A = arith.extui %le3A_24 : i1 to i32
    %cond3A = arith.constant 0 : i32
    %cond3A_25 = arith.cmpi ne, %convert_element_type3A, %cond3A : i32
    scf.if %cond3A_25 {
      %swap3A = arith.index_cast %rem3A_20 : i32 to index
      %swap3A_433 = arith.constant 0 : index
      %swap3A_434 = arith.constant 0 : index
      %swap3A_435 = vector.load %arg3[%swap3A, %swap3A_433, %swap3A_434] : memref<8x8x8192xf32, #tpu.memory_space<vmem>>, vector<1x8x8192xf32>
      tpu.vector_store %arg3[%swap3A, %swap3A_433, %swap3A_434], %broadcast_in_dim3A {strides = array<i32>} : memref<8x8x8192xf32, #tpu.memory_space<vmem>>, vector<1x8x8192xf32>,
    } else {
    }
    %sub3A_26 = arith.constant 1 : i32
    %sub3A_27 = arith.subi %add3A_1, %sub3A_26 : i32
    %add3A_28 = arith.constant 40 : i32
    %add3A_29 = arith.addi %sub3A_27, %add3A_28 : i32
    %rem3A_30 = arith.constant 8 : i32
    %rem3A_31 = arith.remsi %add3A_29, %rem3A_30 : i32
    %mul3A_32 = arith.constant 0.231533661 : f32
    %mul3A_33 = vector.broadcast %mul3A_32 : f32 to vector<8x8192xf32>
    %mul3A_34 = arith.mulf %mul3A_33, %mul3A_16 : vector<8x8192xf32>
    %broadcast_in_dim3A_35 = vector.shape_cast %mul3A_34 : vector<8x8192xf32> to vector<1x8x8192xf32>
    %ge3A = arith.constant 0 : i32
    %ge3A_36 = arith.cmpi sge, %sub3A_27, %ge3A : i32
    %le3A_37 = arith.constant 239 : i32
    %le3A_38 = arith.cmpi sle, %sub3A_27, %le3A_37 : i32
    %and3A = arith.andi %ge3A_36, %le3A_38 : i1
    %convert_element_type3A_39 = arith.extui %and3A : i1 to i32
    %cond3A_40 = arith.constant 0 : i32
    %cond3A_41 = arith.cmpi ne, %convert_element_type3A_39, %cond3A_40 : i32
    scf.if %cond3A_41 {
      %get3A_433 = arith.index_cast %rem3A_31 : i32 to index
      %get3A_434 = arith.constant 0 : index
      %get3A_435 = arith.constant 0 : index
      %get3A_436 = vector.load %arg3[%get3A_433, %get3A_434, %get3A_435] : memref<8x8x8192xf32, #tpu.memory_space<vmem>>, vector<1x8x8192xf32>
      %add3A_437 = arith.addf %get3A_436, %broadcast_in_dim3A_35 : vector<1x8x8192xf32>
      %swap3A = arith.index_cast %rem3A_31 : i32 to index
      %swap3A_438 = arith.constant 0 : index
      %swap3A_439 = arith.constant 0 : index
      %swap3A_440 = vector.load %arg3[%swap3A, %swap3A_438, %swap3A_439] : memref<8x8x8192xf32, #tpu.memory_space<vmem>>, vector<1x8x8192xf32>
      tpu.vector_store %arg3[%swap3A, %swap3A_438, %swap3A_439], %add3A_437 {strides = array<i32>} : memref<8x8x8192xf32, #tpu.memory_space<vmem>>, vector<1x8x8192xf32>,
    } else {
    }
    %sub3A_42 = arith.constant 2 : i32
    %sub3A_43 = arith.subi %add3A_1, %sub3A_42 : i32
    %add3A_44 = arith.constant 40 : i32
    %add3A_45 = arith.addi %sub3A_43, %add3A_44 : i32
    %rem3A_46 = arith.constant 8 : i32
    %rem3A_47 = arith.remsi %add3A_45, %rem3A_46 : i32
    %mul3A_48 = arith.constant 0.282795876 : f32
    %mul3A_49 = vector.broadcast %mul3A_48 : f32 to vector<8x8192xf32>
    %mul3A_50 = arith.mulf %mul3A_49, %mul3A_16 : vector<8x8192xf32>
    %broadcast_in_dim3A_51 = vector.shape_cast %mul3A_50 : vector<8x8192xf32> to vector<1x8x8192xf32>
    %ge3A_52 = arith.constant 0 : i32
    %ge3A_53 = arith.cmpi sge, %sub3A_43, %ge3A_52 : i32
    %le3A_54 = arith.constant 239 : i32
    %le3A_55 = arith.cmpi sle, %sub3A_43, %le3A_54 : i32
    %and3A_56 = arith.andi %ge3A_53, %le3A_55 : i1
    %convert_element_type3A_57 = arith.extui %and3A_56 : i1 to i32
    %cond3A_58 = arith.constant 0 : i32
    %cond3A_59 = arith.cmpi ne, %convert_element_type3A_57, %cond3A_58 : i32
    scf.if %cond3A_59 {
      %get3A_433 = arith.index_cast %rem3A_47 : i32 to index
      %get3A_434 = arith.constant 0 : index
      %get3A_435 = arith.constant 0 : index
      %get3A_436 = vector.load %arg3[%get3A_433, %get3A_434, %get3A_435] : memref<8x8x8192xf32, #tpu.memory_space<vmem>>, vector<1x8x8192xf32>
      %add3A_437 = arith.addf %get3A_436, %broadcast_in_dim3A_51 : vector<1x8x8192xf32>
      %swap3A = arith.index_cast %rem3A_47 : i32 to index
      %swap3A_438 = arith.constant 0 : index
      %swap3A_439 = arith.constant 0 : index
      %swap3A_440 = vector.load %arg3[%swap3A, %swap3A_438, %swap3A_439] : memref<8x8x8192xf32, #tpu.memory_space<vmem>>, vector<1x8x8192xf32>
      tpu.vector_store %arg3[%swap3A, %swap3A_438, %swap3A_439], %add3A_437 {strides = array<i32>} : memref<8x8x8192xf32, #tpu.memory_space<vmem>>, vector<1x8x8192xf32>,
    } else {
    }
    %sub3A_60 = arith.constant 3 : i32
    %sub3A_61 = arith.subi %add3A_1, %sub3A_60 : i32
    %add3A_62 = arith.constant 40 : i32
    %add3A_63 = arith.addi %sub3A_61, %add3A_62 : i32
    %rem3A_64 = arith.constant 8 : i32
    %rem3A_65 = arith.remsi %add3A_63, %rem3A_64 : i32
    %mul3A_66 = arith.constant 0.231533661 : f32
    %mul3A_67 = vector.broadcast %mul3A_66 : f32 to vector<8x8192xf32>
    %mul3A_68 = arith.mulf %mul3A_67, %mul3A_16 : vector<8x8192xf32>
    %broadcast_in_dim3A_69 = vector.shape_cast %mul3A_68 : vector<8x8192xf32> to vector<1x8x8192xf32>
    %ge3A_70 = arith.constant 0 : i32
    %ge3A_71 = arith.cmpi sge, %sub3A_61, %ge3A_70 : i32
    %le3A_72 = arith.constant 239 : i32
    %le3A_73 = arith.cmpi sle, %sub3A_61, %le3A_72 : i32
    %and3A_74 = arith.andi %ge3A_71, %le3A_73 : i1
    %convert_element_type3A_75 = arith.extui %and3A_74 : i1 to i32
    %cond3A_76 = arith.constant 0 : i32
    %cond3A_77 = arith.cmpi ne, %convert_element_type3A_75, %cond3A_76 : i32
    scf.if %cond3A_77 {
      %get3A_433 = arith.index_cast %rem3A_65 : i32 to index
      %get3A_434 = arith.constant 0 : index
      %get3A_435 = arith.constant 0 : index
      %get3A_436 = vector.load %arg3[%get3A_433, %get3A_434, %get3A_435] : memref<8x8x8192xf32, #tpu.memory_space<vmem>>, vector<1x8x8192xf32>
      %add3A_437 = arith.addf %get3A_436, %broadcast_in_dim3A_69 : vector<1x8x8192xf32>
      %swap3A = arith.index_cast %rem3A_65 : i32 to index
      %swap3A_438 = arith.constant 0 : index
      %swap3A_439 = arith.constant 0 : index
      %swap3A_440 = vector.load %arg3[%swap3A, %swap3A_438, %swap3A_439] : memref<8x8x8192xf32, #tpu.memory_space<vmem>>, vector<1x8x8192xf32>
      tpu.vector_store %arg3[%swap3A, %swap3A_438, %swap3A_439], %add3A_437 {strides = array<i32>} : memref<8x8x8192xf32, #tpu.memory_space<vmem>>, vector<1x8x8192xf32>,
    } else {
    }
    %sub3A_78 = arith.constant 4 : i32
    %sub3A_79 = arith.subi %add3A_1, %sub3A_78 : i32
    %add3A_80 = arith.constant 40 : i32
    %add3A_81 = arith.addi %sub3A_79, %add3A_80 : i32
    %rem3A_82 = arith.constant 8 : i32
    %rem3A_83 = arith.remsi %add3A_81, %rem3A_82 : i32
    %mul3A_84 = arith.constant 0.127068371 : f32
    %mul3A_85 = vector.broadcast %mul3A_84 : f32 to vector<8x8192xf32>
    %mul3A_86 = arith.mulf %mul3A_85, %mul3A_16 : vector<8x8192xf32>
    %broadcast_in_dim3A_87 = vector.shape_cast %mul3A_86 : vector<8x8192xf32> to vector<1x8x8192xf32>
    %ge3A_88 = arith.constant 0 : i32
    %ge3A_89 = arith.cmpi sge, %sub3A_79, %ge3A_88 : i32
    %le3A_90 = arith.constant 239 : i32
    %le3A_91 = arith.cmpi sle, %sub3A_79, %le3A_90 : i32
    %and3A_92 = arith.andi %ge3A_89, %le3A_91 : i1
    %convert_element_type3A_93 = arith.extui %and3A_92 : i1 to i32
    %cond3A_94 = arith.constant 0 : i32
    %cond3A_95 = arith.cmpi ne, %convert_element_type3A_93, %cond3A_94 : i32
    scf.if %cond3A_95 {
      %get3A_433 = arith.index_cast %rem3A_83 : i32 to index
      %get3A_434 = arith.constant 0 : index
      %get3A_435 = arith.constant 0 : index
      %get3A_436 = vector.load %arg3[%get3A_433, %get3A_434, %get3A_435] : memref<8x8x8192xf32, #tpu.memory_space<vmem>>, vector<1x8x8192xf32>
      %add3A_437 = arith.addf %get3A_436, %broadcast_in_dim3A_87 : vector<1x8x8192xf32>
      %swap3A = arith.index_cast %rem3A_83 : i32 to index
      %swap3A_438 = arith.constant 0 : index
      %swap3A_439 = arith.constant 0 : index
      %swap3A_440 = vector.load %arg3[%swap3A, %swap3A_438, %swap3A_439] : memref<8x8x8192xf32, #tpu.memory_space<vmem>>, vector<1x8x8192xf32>
      tpu.vector_store %arg3[%swap3A, %swap3A_438, %swap3A_439], %add3A_437 {strides = array<i32>} : memref<8x8x8192xf32, #tpu.memory_space<vmem>>, vector<1x8x8192xf32>,
    } else {
    }
    %mul3A_96 = arith.constant 4 : i32
    %mul3A_97 = arith.muli %mul3A_96, %arg0 : i32
    %add3A_98 = arith.constant 1 : i32
    %add3A_99 = arith.addi %mul3A_97, %add3A_98 : i32
    %get3A_100 = arith.constant 1 : index
    %get3A_101 = arith.constant 0 : index
    %get3A_102 = arith.constant 0 : index
    %get3A_103 = vector.load %arg1[%get3A_100, %get3A_101, %get3A_102] : memref<4x8x8192xf32, #tpu.memory_space<vmem>>, vector<1x8x8192xf32>
    %get3A_104 = vector.shape_cast %get3A_103 : vector<1x8x8192xf32> to vector<8x8192xf32>
    %mul3A_105 = arith.mulf %get3A_104, %get3A_104 : vector<8x8192xf32>
    %reduce_sum3A_106 = vector.shape_cast %mul3A_105 : vector<8x8192xf32> to vector<1x8x8192xf32>
    %reduce_sum3A_107 = arith.constant dense<0.000000e+00> : vector<1xf32>
    %reduce_sum3A_108 = vector.multi_reduction <add>, %reduce_sum3A_106, %reduce_sum3A_107 [1, 2] : vector<1x8x8192xf32> to vector<1xf32>
    %reduce_sum3A_109 = vector.shape_cast %reduce_sum3A_108 : vector<1xf32> to vector<1x1x1xf32>
    %reduce_sum3A_110 = vector.extract %reduce_sum3A_109[0, 0, 0] : f32 from vector<1x1x1xf32>
    %sqrt3A_111 = math.sqrt %reduce_sum3A_110 : f32
    %add3A_112 = arith.constant 1.000000e-07 : f32
    %add3A_113 = arith.addf %sqrt3A_111, %add3A_112 : f32
    %div3A_114 = arith.constant 6.400000e+01 : f32
    %div3A_115 = arith.divf %div3A_114, %add3A_113 : f32
    %min3A_116 = arith.constant 1.000000e+00 : f32
    %min3A_117 = arith.minimumf %min3A_116, %div3A_115 : f32
    %mul3A_118 = vector.broadcast %min3A_117 : f32 to vector<8x8192xf32>
    %mul3A_119 = arith.mulf %mul3A_118, %get3A_104 : vector<8x8192xf32>
    %sub3A_120 = arith.constant 0 : i32
    %sub3A_121 = arith.subi %add3A_99, %sub3A_120 : i32
    %add3A_122 = arith.constant 40 : i32
    %add3A_123 = arith.addi %sub3A_121, %add3A_122 : i32
    %rem3A_124 = arith.constant 8 : i32
    %rem3A_125 = arith.remsi %add3A_123, %rem3A_124 : i32
    %mul3A_126 = arith.constant 0.127068371 : f32
    %mul3A_127 = vector.broadcast %mul3A_126 : f32 to vector<8x8192xf32>
    %mul3A_128 = arith.mulf %mul3A_127, %mul3A_119 : vector<8x8192xf32>
    %broadcast_in_dim3A_129 = vector.shape_cast %mul3A_128 : vector<8x8192xf32> to vector<1x8x8192xf32>
    %le3A_130 = arith.constant 239 : i32
    %le3A_131 = arith.cmpi sle, %sub3A_121, %le3A_130 : i32
    %convert_element_type3A_132 = arith.extui %le3A_131 : i1 to i32
    %cond3A_133 = arith.constant 0 : i32
    %cond3A_134 = arith.cmpi ne, %convert_element_type3A_132, %cond3A_133 : i32
    scf.if %cond3A_134 {
      %swap3A = arith.index_cast %rem3A_125 : i32 to index
      %swap3A_433 = arith.constant 0 : index
      %swap3A_434 = arith.constant 0 : index
      %swap3A_435 = vector.load %arg3[%swap3A, %swap3A_433, %swap3A_434] : memref<8x8x8192xf32, #tpu.memory_space<vmem>>, vector<1x8x8192xf32>
      tpu.vector_store %arg3[%swap3A, %swap3A_433, %swap3A_434], %broadcast_in_dim3A_129 {strides = array<i32>} : memref<8x8x8192xf32, #tpu.memory_space<vmem>>, vector<1x8x8192xf32>,
    } else {
    }
    %sub3A_135 = arith.constant 1 : i32
    %sub3A_136 = arith.subi %add3A_99, %sub3A_135 : i32
    %add3A_137 = arith.constant 40 : i32
    %add3A_138 = arith.addi %sub3A_136, %add3A_137 : i32
    %rem3A_139 = arith.constant 8 : i32
    %rem3A_140 = arith.remsi %add3A_138, %rem3A_139 : i32
    %mul3A_141 = arith.constant 0.231533661 : f32
    %mul3A_142 = vector.broadcast %mul3A_141 : f32 to vector<8x8192xf32>
    %mul3A_143 = arith.mulf %mul3A_142, %mul3A_119 : vector<8x8192xf32>
    %broadcast_in_dim3A_144 = vector.shape_cast %mul3A_143 : vector<8x8192xf32> to vector<1x8x8192xf32>
    %ge3A_145 = arith.constant 0 : i32
    %ge3A_146 = arith.cmpi sge, %sub3A_136, %ge3A_145 : i32
    %le3A_147 = arith.constant 239 : i32
    %le3A_148 = arith.cmpi sle, %sub3A_136, %le3A_147 : i32
    %and3A_149 = arith.andi %ge3A_146, %le3A_148 : i1
    %convert_element_type3A_150 = arith.extui %and3A_149 : i1 to i32
    %cond3A_151 = arith.constant 0 : i32
    %cond3A_152 = arith.cmpi ne, %convert_element_type3A_150, %cond3A_151 : i32
    scf.if %cond3A_152 {
      %get3A_433 = arith.index_cast %rem3A_140 : i32 to index
      %get3A_434 = arith.constant 0 : index
      %get3A_435 = arith.constant 0 : index
      %get3A_436 = vector.load %arg3[%get3A_433, %get3A_434, %get3A_435] : memref<8x8x8192xf32, #tpu.memory_space<vmem>>, vector<1x8x8192xf32>
      %add3A_437 = arith.addf %get3A_436, %broadcast_in_dim3A_144 : vector<1x8x8192xf32>
      %swap3A = arith.index_cast %rem3A_140 : i32 to index
      %swap3A_438 = arith.constant 0 : index
      %swap3A_439 = arith.constant 0 : index
      %swap3A_440 = vector.load %arg3[%swap3A, %swap3A_438, %swap3A_439] : memref<8x8x8192xf32, #tpu.memory_space<vmem>>, vector<1x8x8192xf32>
      tpu.vector_store %arg3[%swap3A, %swap3A_438, %swap3A_439], %add3A_437 {strides = array<i32>} : memref<8x8x8192xf32, #tpu.memory_space<vmem>>, vector<1x8x8192xf32>,
    } else {
    }
    %sub3A_153 = arith.constant 2 : i32
    %sub3A_154 = arith.subi %add3A_99, %sub3A_153 : i32
    %add3A_155 = arith.constant 40 : i32
    %add3A_156 = arith.addi %sub3A_154, %add3A_155 : i32
    %rem3A_157 = arith.constant 8 : i32
    %rem3A_158 = arith.remsi %add3A_156, %rem3A_157 : i32
    %mul3A_159 = arith.constant 0.282795876 : f32
    %mul3A_160 = vector.broadcast %mul3A_159 : f32 to vector<8x8192xf32>
    %mul3A_161 = arith.mulf %mul3A_160, %mul3A_119 : vector<8x8192xf32>
    %broadcast_in_dim3A_162 = vector.shape_cast %mul3A_161 : vector<8x8192xf32> to vector<1x8x8192xf32>
    %ge3A_163 = arith.constant 0 : i32
    %ge3A_164 = arith.cmpi sge, %sub3A_154, %ge3A_163 : i32
    %le3A_165 = arith.constant 239 : i32
    %le3A_166 = arith.cmpi sle, %sub3A_154, %le3A_165 : i32
    %and3A_167 = arith.andi %ge3A_164, %le3A_166 : i1
    %convert_element_type3A_168 = arith.extui %and3A_167 : i1 to i32
    %cond3A_169 = arith.constant 0 : i32
    %cond3A_170 = arith.cmpi ne, %convert_element_type3A_168, %cond3A_169 : i32
    scf.if %cond3A_170 {
      %get3A_433 = arith.index_cast %rem3A_158 : i32 to index
      %get3A_434 = arith.constant 0 : index
      %get3A_435 = arith.constant 0 : index
      %get3A_436 = vector.load %arg3[%get3A_433, %get3A_434, %get3A_435] : memref<8x8x8192xf32, #tpu.memory_space<vmem>>, vector<1x8x8192xf32>
      %add3A_437 = arith.addf %get3A_436, %broadcast_in_dim3A_162 : vector<1x8x8192xf32>
      %swap3A = arith.index_cast %rem3A_158 : i32 to index
      %swap3A_438 = arith.constant 0 : index
      %swap3A_439 = arith.constant 0 : index
      %swap3A_440 = vector.load %arg3[%swap3A, %swap3A_438, %swap3A_439] : memref<8x8x8192xf32, #tpu.memory_space<vmem>>, vector<1x8x8192xf32>
      tpu.vector_store %arg3[%swap3A, %swap3A_438, %swap3A_439], %add3A_437 {strides = array<i32>} : memref<8x8x8192xf32, #tpu.memory_space<vmem>>, vector<1x8x8192xf32>,
    } else {
    }
    %sub3A_171 = arith.constant 3 : i32
    %sub3A_172 = arith.subi %add3A_99, %sub3A_171 : i32
    %add3A_173 = arith.constant 40 : i32
    %add3A_174 = arith.addi %sub3A_172, %add3A_173 : i32
    %rem3A_175 = arith.constant 8 : i32
    %rem3A_176 = arith.remsi %add3A_174, %rem3A_175 : i32
    %mul3A_177 = arith.constant 0.231533661 : f32
    %mul3A_178 = vector.broadcast %mul3A_177 : f32 to vector<8x8192xf32>
    %mul3A_179 = arith.mulf %mul3A_178, %mul3A_119 : vector<8x8192xf32>
    %broadcast_in_dim3A_180 = vector.shape_cast %mul3A_179 : vector<8x8192xf32> to vector<1x8x8192xf32>
    %ge3A_181 = arith.constant 0 : i32
    %ge3A_182 = arith.cmpi sge, %sub3A_172, %ge3A_181 : i32
    %le3A_183 = arith.constant 239 : i32
    %le3A_184 = arith.cmpi sle, %sub3A_172, %le3A_183 : i32
    %and3A_185 = arith.andi %ge3A_182, %le3A_184 : i1
    %convert_element_type3A_186 = arith.extui %and3A_185 : i1 to i32
    %cond3A_187 = arith.constant 0 : i32
    %cond3A_188 = arith.cmpi ne, %convert_element_type3A_186, %cond3A_187 : i32
    scf.if %cond3A_188 {
      %get3A_433 = arith.index_cast %rem3A_176 : i32 to index
      %get3A_434 = arith.constant 0 : index
      %get3A_435 = arith.constant 0 : index
      %get3A_436 = vector.load %arg3[%get3A_433, %get3A_434, %get3A_435] : memref<8x8x8192xf32, #tpu.memory_space<vmem>>, vector<1x8x8192xf32>
      %add3A_437 = arith.addf %get3A_436, %broadcast_in_dim3A_180 : vector<1x8x8192xf32>
      %swap3A = arith.index_cast %rem3A_176 : i32 to index
      %swap3A_438 = arith.constant 0 : index
      %swap3A_439 = arith.constant 0 : index
      %swap3A_440 = vector.load %arg3[%swap3A, %swap3A_438, %swap3A_439] : memref<8x8x8192xf32, #tpu.memory_space<vmem>>, vector<1x8x8192xf32>
      tpu.vector_store %arg3[%swap3A, %swap3A_438, %swap3A_439], %add3A_437 {strides = array<i32>} : memref<8x8x8192xf32, #tpu.memory_space<vmem>>, vector<1x8x8192xf32>,
    } else {
    }
    %sub3A_189 = arith.constant 4 : i32
    %sub3A_190 = arith.subi %add3A_99, %sub3A_189 : i32
    %add3A_191 = arith.constant 40 : i32
    %add3A_192 = arith.addi %sub3A_190, %add3A_191 : i32
    %rem3A_193 = arith.constant 8 : i32
    %rem3A_194 = arith.remsi %add3A_192, %rem3A_193 : i32
    %mul3A_195 = arith.constant 0.127068371 : f32
    %mul3A_196 = vector.broadcast %mul3A_195 : f32 to vector<8x8192xf32>
    %mul3A_197 = arith.mulf %mul3A_196, %mul3A_119 : vector<8x8192xf32>
    %broadcast_in_dim3A_198 = vector.shape_cast %mul3A_197 : vector<8x8192xf32> to vector<1x8x8192xf32>
    %ge3A_199 = arith.constant 0 : i32
    %ge3A_200 = arith.cmpi sge, %sub3A_190, %ge3A_199 : i32
    %le3A_201 = arith.constant 239 : i32
    %le3A_202 = arith.cmpi sle, %sub3A_190, %le3A_201 : i32
    %and3A_203 = arith.andi %ge3A_200, %le3A_202 : i1
    %convert_element_type3A_204 = arith.extui %and3A_203 : i1 to i32
    %cond3A_205 = arith.constant 0 : i32
    %cond3A_206 = arith.cmpi ne, %convert_element_type3A_204, %cond3A_205 : i32
    scf.if %cond3A_206 {
      %get3A_433 = arith.index_cast %rem3A_194 : i32 to index
      %get3A_434 = arith.constant 0 : index
      %get3A_435 = arith.constant 0 : index
      %get3A_436 = vector.load %arg3[%get3A_433, %get3A_434, %get3A_435] : memref<8x8x8192xf32, #tpu.memory_space<vmem>>, vector<1x8x8192xf32>
      %add3A_437 = arith.addf %get3A_436, %broadcast_in_dim3A_198 : vector<1x8x8192xf32>
      %swap3A = arith.index_cast %rem3A_194 : i32 to index
      %swap3A_438 = arith.constant 0 : index
      %swap3A_439 = arith.constant 0 : index
      %swap3A_440 = vector.load %arg3[%swap3A, %swap3A_438, %swap3A_439] : memref<8x8x8192xf32, #tpu.memory_space<vmem>>, vector<1x8x8192xf32>
      tpu.vector_store %arg3[%swap3A, %swap3A_438, %swap3A_439], %add3A_437 {strides = array<i32>} : memref<8x8x8192xf32, #tpu.memory_space<vmem>>, vector<1x8x8192xf32>,
    } else {
    }
    %mul3A_207 = arith.constant 4 : i32
    %mul3A_208 = arith.muli %mul3A_207, %arg0 : i32
    %add3A_209 = arith.constant 2 : i32
    %add3A_210 = arith.addi %mul3A_208, %add3A_209 : i32
    %get3A_211 = arith.constant 2 : index
    %get3A_212 = arith.constant 0 : index
    %get3A_213 = arith.constant 0 : index
    %get3A_214 = vector.load %arg1[%get3A_211, %get3A_212, %get3A_213] : memref<4x8x8192xf32, #tpu.memory_space<vmem>>, vector<1x8x8192xf32>
    %get3A_215 = vector.shape_cast %get3A_214 : vector<1x8x8192xf32> to vector<8x8192xf32>
    %mul3A_216 = arith.mulf %get3A_215, %get3A_215 : vector<8x8192xf32>
    %reduce_sum3A_217 = vector.shape_cast %mul3A_216 : vector<8x8192xf32> to vector<1x8x8192xf32>
    %reduce_sum3A_218 = arith.constant dense<0.000000e+00> : vector<1xf32>
    %reduce_sum3A_219 = vector.multi_reduction <add>, %reduce_sum3A_217, %reduce_sum3A_218 [1, 2] : vector<1x8x8192xf32> to vector<1xf32>
    %reduce_sum3A_220 = vector.shape_cast %reduce_sum3A_219 : vector<1xf32> to vector<1x1x1xf32>
    %reduce_sum3A_221 = vector.extract %reduce_sum3A_220[0, 0, 0] : f32 from vector<1x1x1xf32>
    %sqrt3A_222 = math.sqrt %reduce_sum3A_221 : f32
    %add3A_223 = arith.constant 1.000000e-07 : f32
    %add3A_224 = arith.addf %sqrt3A_222, %add3A_223 : f32
    %div3A_225 = arith.constant 6.400000e+01 : f32
    %div3A_226 = arith.divf %div3A_225, %add3A_224 : f32
    %min3A_227 = arith.constant 1.000000e+00 : f32
    %min3A_228 = arith.minimumf %min3A_227, %div3A_226 : f32
    %mul3A_229 = vector.broadcast %min3A_228 : f32 to vector<8x8192xf32>
    %mul3A_230 = arith.mulf %mul3A_229, %get3A_215 : vector<8x8192xf32>
    %sub3A_231 = arith.constant 0 : i32
    %sub3A_232 = arith.subi %add3A_210, %sub3A_231 : i32
    %add3A_233 = arith.constant 40 : i32
    %add3A_234 = arith.addi %sub3A_232, %add3A_233 : i32
    %rem3A_235 = arith.constant 8 : i32
    %rem3A_236 = arith.remsi %add3A_234, %rem3A_235 : i32
    %mul3A_237 = arith.constant 0.127068371 : f32
    %mul3A_238 = vector.broadcast %mul3A_237 : f32 to vector<8x8192xf32>
    %mul3A_239 = arith.mulf %mul3A_238, %mul3A_230 : vector<8x8192xf32>
    %broadcast_in_dim3A_240 = vector.shape_cast %mul3A_239 : vector<8x8192xf32> to vector<1x8x8192xf32>
    %le3A_241 = arith.constant 239 : i32
    %le3A_242 = arith.cmpi sle, %sub3A_232, %le3A_241 : i32
    %convert_element_type3A_243 = arith.extui %le3A_242 : i1 to i32
    %cond3A_244 = arith.constant 0 : i32
    %cond3A_245 = arith.cmpi ne, %convert_element_type3A_243, %cond3A_244 : i32
    scf.if %cond3A_245 {
      %swap3A = arith.index_cast %rem3A_236 : i32 to index
      %swap3A_433 = arith.constant 0 : index
      %swap3A_434 = arith.constant 0 : index
      %swap3A_435 = vector.load %arg3[%swap3A, %swap3A_433, %swap3A_434] : memref<8x8x8192xf32, #tpu.memory_space<vmem>>, vector<1x8x8192xf32>
      tpu.vector_store %arg3[%swap3A, %swap3A_433, %swap3A_434], %broadcast_in_dim3A_240 {strides = array<i32>} : memref<8x8x8192xf32, #tpu.memory_space<vmem>>, vector<1x8x8192xf32>,
    } else {
    }
    %sub3A_246 = arith.constant 1 : i32
    %sub3A_247 = arith.subi %add3A_210, %sub3A_246 : i32
    %add3A_248 = arith.constant 40 : i32
    %add3A_249 = arith.addi %sub3A_247, %add3A_248 : i32
    %rem3A_250 = arith.constant 8 : i32
    %rem3A_251 = arith.remsi %add3A_249, %rem3A_250 : i32
    %mul3A_252 = arith.constant 0.231533661 : f32
    %mul3A_253 = vector.broadcast %mul3A_252 : f32 to vector<8x8192xf32>
    %mul3A_254 = arith.mulf %mul3A_253, %mul3A_230 : vector<8x8192xf32>
    %broadcast_in_dim3A_255 = vector.shape_cast %mul3A_254 : vector<8x8192xf32> to vector<1x8x8192xf32>
    %ge3A_256 = arith.constant 0 : i32
    %ge3A_257 = arith.cmpi sge, %sub3A_247, %ge3A_256 : i32
    %le3A_258 = arith.constant 239 : i32
    %le3A_259 = arith.cmpi sle, %sub3A_247, %le3A_258 : i32
    %and3A_260 = arith.andi %ge3A_257, %le3A_259 : i1
    %convert_element_type3A_261 = arith.extui %and3A_260 : i1 to i32
    %cond3A_262 = arith.constant 0 : i32
    %cond3A_263 = arith.cmpi ne, %convert_element_type3A_261, %cond3A_262 : i32
    scf.if %cond3A_263 {
      %get3A_433 = arith.index_cast %rem3A_251 : i32 to index
      %get3A_434 = arith.constant 0 : index
      %get3A_435 = arith.constant 0 : index
      %get3A_436 = vector.load %arg3[%get3A_433, %get3A_434, %get3A_435] : memref<8x8x8192xf32, #tpu.memory_space<vmem>>, vector<1x8x8192xf32>
      %add3A_437 = arith.addf %get3A_436, %broadcast_in_dim3A_255 : vector<1x8x8192xf32>
      %swap3A = arith.index_cast %rem3A_251 : i32 to index
      %swap3A_438 = arith.constant 0 : index
      %swap3A_439 = arith.constant 0 : index
      %swap3A_440 = vector.load %arg3[%swap3A, %swap3A_438, %swap3A_439] : memref<8x8x8192xf32, #tpu.memory_space<vmem>>, vector<1x8x8192xf32>
      tpu.vector_store %arg3[%swap3A, %swap3A_438, %swap3A_439], %add3A_437 {strides = array<i32>} : memref<8x8x8192xf32, #tpu.memory_space<vmem>>, vector<1x8x8192xf32>,
    } else {
    }
    %sub3A_264 = arith.constant 2 : i32
    %sub3A_265 = arith.subi %add3A_210, %sub3A_264 : i32
    %add3A_266 = arith.constant 40 : i32
    %add3A_267 = arith.addi %sub3A_265, %add3A_266 : i32
    %rem3A_268 = arith.constant 8 : i32
    %rem3A_269 = arith.remsi %add3A_267, %rem3A_268 : i32
    %mul3A_270 = arith.constant 0.282795876 : f32
    %mul3A_271 = vector.broadcast %mul3A_270 : f32 to vector<8x8192xf32>
    %mul3A_272 = arith.mulf %mul3A_271, %mul3A_230 : vector<8x8192xf32>
    %broadcast_in_dim3A_273 = vector.shape_cast %mul3A_272 : vector<8x8192xf32> to vector<1x8x8192xf32>
    %ge3A_274 = arith.constant 0 : i32
    %ge3A_275 = arith.cmpi sge, %sub3A_265, %ge3A_274 : i32
    %le3A_276 = arith.constant 239 : i32
    %le3A_277 = arith.cmpi sle, %sub3A_265, %le3A_276 : i32
    %and3A_278 = arith.andi %ge3A_275, %le3A_277 : i1
    %convert_element_type3A_279 = arith.extui %and3A_278 : i1 to i32
    %cond3A_280 = arith.constant 0 : i32
    %cond3A_281 = arith.cmpi ne, %convert_element_type3A_279, %cond3A_280 : i32
    scf.if %cond3A_281 {
      %get3A_433 = arith.index_cast %rem3A_269 : i32 to index
      %get3A_434 = arith.constant 0 : index
      %get3A_435 = arith.constant 0 : index
      %get3A_436 = vector.load %arg3[%get3A_433, %get3A_434, %get3A_435] : memref<8x8x8192xf32, #tpu.memory_space<vmem>>, vector<1x8x8192xf32>
      %add3A_437 = arith.addf %get3A_436, %broadcast_in_dim3A_273 : vector<1x8x8192xf32>
      %swap3A = arith.index_cast %rem3A_269 : i32 to index
      %swap3A_438 = arith.constant 0 : index
      %swap3A_439 = arith.constant 0 : index
      %swap3A_440 = vector.load %arg3[%swap3A, %swap3A_438, %swap3A_439] : memref<8x8x8192xf32, #tpu.memory_space<vmem>>, vector<1x8x8192xf32>
      tpu.vector_store %arg3[%swap3A, %swap3A_438, %swap3A_439], %add3A_437 {strides = array<i32>} : memref<8x8x8192xf32, #tpu.memory_space<vmem>>, vector<1x8x8192xf32>,
    } else {
    }
    %sub3A_282 = arith.constant 3 : i32
    %sub3A_283 = arith.subi %add3A_210, %sub3A_282 : i32
    %add3A_284 = arith.constant 40 : i32
    %add3A_285 = arith.addi %sub3A_283, %add3A_284 : i32
    %rem3A_286 = arith.constant 8 : i32
    %rem3A_287 = arith.remsi %add3A_285, %rem3A_286 : i32
    %mul3A_288 = arith.constant 0.231533661 : f32
    %mul3A_289 = vector.broadcast %mul3A_288 : f32 to vector<8x8192xf32>
    %mul3A_290 = arith.mulf %mul3A_289, %mul3A_230 : vector<8x8192xf32>
    %broadcast_in_dim3A_291 = vector.shape_cast %mul3A_290 : vector<8x8192xf32> to vector<1x8x8192xf32>
    %ge3A_292 = arith.constant 0 : i32
    %ge3A_293 = arith.cmpi sge, %sub3A_283, %ge3A_292 : i32
    %le3A_294 = arith.constant 239 : i32
    %le3A_295 = arith.cmpi sle, %sub3A_283, %le3A_294 : i32
    %and3A_296 = arith.andi %ge3A_293, %le3A_295 : i1
    %convert_element_type3A_297 = arith.extui %and3A_296 : i1 to i32
    %cond3A_298 = arith.constant 0 : i32
    %cond3A_299 = arith.cmpi ne, %convert_element_type3A_297, %cond3A_298 : i32
    scf.if %cond3A_299 {
      %get3A_433 = arith.index_cast %rem3A_287 : i32 to index
      %get3A_434 = arith.constant 0 : index
      %get3A_435 = arith.constant 0 : index
      %get3A_436 = vector.load %arg3[%get3A_433, %get3A_434, %get3A_435] : memref<8x8x8192xf32, #tpu.memory_space<vmem>>, vector<1x8x8192xf32>
      %add3A_437 = arith.addf %get3A_436, %broadcast_in_dim3A_291 : vector<1x8x8192xf32>
      %swap3A = arith.index_cast %rem3A_287 : i32 to index
      %swap3A_438 = arith.constant 0 : index
      %swap3A_439 = arith.constant 0 : index
      %swap3A_440 = vector.load %arg3[%swap3A, %swap3A_438, %swap3A_439] : memref<8x8x8192xf32, #tpu.memory_space<vmem>>, vector<1x8x8192xf32>
      tpu.vector_store %arg3[%swap3A, %swap3A_438, %swap3A_439], %add3A_437 {strides = array<i32>} : memref<8x8x8192xf32, #tpu.memory_space<vmem>>, vector<1x8x8192xf32>,
    } else {
    }
    %sub3A_300 = arith.constant 4 : i32
    %sub3A_301 = arith.subi %add3A_210, %sub3A_300 : i32
    %add3A_302 = arith.constant 40 : i32
    %add3A_303 = arith.addi %sub3A_301, %add3A_302 : i32
    %rem3A_304 = arith.constant 8 : i32
    %rem3A_305 = arith.remsi %add3A_303, %rem3A_304 : i32
    %mul3A_306 = arith.constant 0.127068371 : f32
    %mul3A_307 = vector.broadcast %mul3A_306 : f32 to vector<8x8192xf32>
    %mul3A_308 = arith.mulf %mul3A_307, %mul3A_230 : vector<8x8192xf32>
    %broadcast_in_dim3A_309 = vector.shape_cast %mul3A_308 : vector<8x8192xf32> to vector<1x8x8192xf32>
    %ge3A_310 = arith.constant 0 : i32
    %ge3A_311 = arith.cmpi sge, %sub3A_301, %ge3A_310 : i32
    %le3A_312 = arith.constant 239 : i32
    %le3A_313 = arith.cmpi sle, %sub3A_301, %le3A_312 : i32
    %and3A_314 = arith.andi %ge3A_311, %le3A_313 : i1
    %convert_element_type3A_315 = arith.extui %and3A_314 : i1 to i32
    %cond3A_316 = arith.constant 0 : i32
    %cond3A_317 = arith.cmpi ne, %convert_element_type3A_315, %cond3A_316 : i32
    scf.if %cond3A_317 {
      %get3A_433 = arith.index_cast %rem3A_305 : i32 to index
      %get3A_434 = arith.constant 0 : index
      %get3A_435 = arith.constant 0 : index
      %get3A_436 = vector.load %arg3[%get3A_433, %get3A_434, %get3A_435] : memref<8x8x8192xf32, #tpu.memory_space<vmem>>, vector<1x8x8192xf32>
      %add3A_437 = arith.addf %get3A_436, %broadcast_in_dim3A_309 : vector<1x8x8192xf32>
      %swap3A = arith.index_cast %rem3A_305 : i32 to index
      %swap3A_438 = arith.constant 0 : index
      %swap3A_439 = arith.constant 0 : index
      %swap3A_440 = vector.load %arg3[%swap3A, %swap3A_438, %swap3A_439] : memref<8x8x8192xf32, #tpu.memory_space<vmem>>, vector<1x8x8192xf32>
      tpu.vector_store %arg3[%swap3A, %swap3A_438, %swap3A_439], %add3A_437 {strides = array<i32>} : memref<8x8x8192xf32, #tpu.memory_space<vmem>>, vector<1x8x8192xf32>,
    } else {
    }
    %mul3A_318 = arith.constant 4 : i32
    %mul3A_319 = arith.muli %mul3A_318, %arg0 : i32
    %add3A_320 = arith.constant 3 : i32
    %add3A_321 = arith.addi %mul3A_319, %add3A_320 : i32
    %get3A_322 = arith.constant 3 : index
    %get3A_323 = arith.constant 0 : index
    %get3A_324 = arith.constant 0 : index
    %get3A_325 = vector.load %arg1[%get3A_322, %get3A_323, %get3A_324] : memref<4x8x8192xf32, #tpu.memory_space<vmem>>, vector<1x8x8192xf32>
    %get3A_326 = vector.shape_cast %get3A_325 : vector<1x8x8192xf32> to vector<8x8192xf32>
    %mul3A_327 = arith.mulf %get3A_326, %get3A_326 : vector<8x8192xf32>
    %reduce_sum3A_328 = vector.shape_cast %mul3A_327 : vector<8x8192xf32> to vector<1x8x8192xf32>
    %reduce_sum3A_329 = arith.constant dense<0.000000e+00> : vector<1xf32>
    %reduce_sum3A_330 = vector.multi_reduction <add>, %reduce_sum3A_328, %reduce_sum3A_329 [1, 2] : vector<1x8x8192xf32> to vector<1xf32>
    %reduce_sum3A_331 = vector.shape_cast %reduce_sum3A_330 : vector<1xf32> to vector<1x1x1xf32>
    %reduce_sum3A_332 = vector.extract %reduce_sum3A_331[0, 0, 0] : f32 from vector<1x1x1xf32>
    %sqrt3A_333 = math.sqrt %reduce_sum3A_332 : f32
    %add3A_334 = arith.constant 1.000000e-07 : f32
    %add3A_335 = arith.addf %sqrt3A_333, %add3A_334 : f32
    %div3A_336 = arith.constant 6.400000e+01 : f32
    %div3A_337 = arith.divf %div3A_336, %add3A_335 : f32
    %min3A_338 = arith.constant 1.000000e+00 : f32
    %min3A_339 = arith.minimumf %min3A_338, %div3A_337 : f32
    %mul3A_340 = vector.broadcast %min3A_339 : f32 to vector<8x8192xf32>
    %mul3A_341 = arith.mulf %mul3A_340, %get3A_326 : vector<8x8192xf32>
    %sub3A_342 = arith.constant 0 : i32
    %sub3A_343 = arith.subi %add3A_321, %sub3A_342 : i32
    %add3A_344 = arith.constant 40 : i32
    %add3A_345 = arith.addi %sub3A_343, %add3A_344 : i32
    %rem3A_346 = arith.constant 8 : i32
    %rem3A_347 = arith.remsi %add3A_345, %rem3A_346 : i32
    %mul3A_348 = arith.constant 0.127068371 : f32
    %mul3A_349 = vector.broadcast %mul3A_348 : f32 to vector<8x8192xf32>
    %mul3A_350 = arith.mulf %mul3A_349, %mul3A_341 : vector<8x8192xf32>
    %broadcast_in_dim3A_351 = vector.shape_cast %mul3A_350 : vector<8x8192xf32> to vector<1x8x8192xf32>
    %le3A_352 = arith.constant 239 : i32
    %le3A_353 = arith.cmpi sle, %sub3A_343, %le3A_352 : i32
    %convert_element_type3A_354 = arith.extui %le3A_353 : i1 to i32
    %cond3A_355 = arith.constant 0 : i32
    %cond3A_356 = arith.cmpi ne, %convert_element_type3A_354, %cond3A_355 : i32
    scf.if %cond3A_356 {
      %swap3A = arith.index_cast %rem3A_347 : i32 to index
      %swap3A_433 = arith.constant 0 : index
      %swap3A_434 = arith.constant 0 : index
      %swap3A_435 = vector.load %arg3[%swap3A, %swap3A_433, %swap3A_434] : memref<8x8x8192xf32, #tpu.memory_space<vmem>>, vector<1x8x8192xf32>
      tpu.vector_store %arg3[%swap3A, %swap3A_433, %swap3A_434], %broadcast_in_dim3A_351 {strides = array<i32>} : memref<8x8x8192xf32, #tpu.memory_space<vmem>>, vector<1x8x8192xf32>,
    } else {
    }
    %sub3A_357 = arith.constant 1 : i32
    %sub3A_358 = arith.subi %add3A_321, %sub3A_357 : i32
    %add3A_359 = arith.constant 40 : i32
    %add3A_360 = arith.addi %sub3A_358, %add3A_359 : i32
    %rem3A_361 = arith.constant 8 : i32
    %rem3A_362 = arith.remsi %add3A_360, %rem3A_361 : i32
    %mul3A_363 = arith.constant 0.231533661 : f32
    %mul3A_364 = vector.broadcast %mul3A_363 : f32 to vector<8x8192xf32>
    %mul3A_365 = arith.mulf %mul3A_364, %mul3A_341 : vector<8x8192xf32>
    %broadcast_in_dim3A_366 = vector.shape_cast %mul3A_365 : vector<8x8192xf32> to vector<1x8x8192xf32>
    %ge3A_367 = arith.constant 0 : i32
    %ge3A_368 = arith.cmpi sge, %sub3A_358, %ge3A_367 : i32
    %le3A_369 = arith.constant 239 : i32
    %le3A_370 = arith.cmpi sle, %sub3A_358, %le3A_369 : i32
    %and3A_371 = arith.andi %ge3A_368, %le3A_370 : i1
    %convert_element_type3A_372 = arith.extui %and3A_371 : i1 to i32
    %cond3A_373 = arith.constant 0 : i32
    %cond3A_374 = arith.cmpi ne, %convert_element_type3A_372, %cond3A_373 : i32
    scf.if %cond3A_374 {
      %get3A_433 = arith.index_cast %rem3A_362 : i32 to index
      %get3A_434 = arith.constant 0 : index
      %get3A_435 = arith.constant 0 : index
      %get3A_436 = vector.load %arg3[%get3A_433, %get3A_434, %get3A_435] : memref<8x8x8192xf32, #tpu.memory_space<vmem>>, vector<1x8x8192xf32>
      %add3A_437 = arith.addf %get3A_436, %broadcast_in_dim3A_366 : vector<1x8x8192xf32>
      %swap3A = arith.index_cast %rem3A_362 : i32 to index
      %swap3A_438 = arith.constant 0 : index
      %swap3A_439 = arith.constant 0 : index
      %swap3A_440 = vector.load %arg3[%swap3A, %swap3A_438, %swap3A_439] : memref<8x8x8192xf32, #tpu.memory_space<vmem>>, vector<1x8x8192xf32>
      tpu.vector_store %arg3[%swap3A, %swap3A_438, %swap3A_439], %add3A_437 {strides = array<i32>} : memref<8x8x8192xf32, #tpu.memory_space<vmem>>, vector<1x8x8192xf32>,
    } else {
    }
    %sub3A_375 = arith.constant 2 : i32
    %sub3A_376 = arith.subi %add3A_321, %sub3A_375 : i32
    %add3A_377 = arith.constant 40 : i32
    %add3A_378 = arith.addi %sub3A_376, %add3A_377 : i32
    %rem3A_379 = arith.constant 8 : i32
    %rem3A_380 = arith.remsi %add3A_378, %rem3A_379 : i32
    %mul3A_381 = arith.constant 0.282795876 : f32
    %mul3A_382 = vector.broadcast %mul3A_381 : f32 to vector<8x8192xf32>
    %mul3A_383 = arith.mulf %mul3A_382, %mul3A_341 : vector<8x8192xf32>
    %broadcast_in_dim3A_384 = vector.shape_cast %mul3A_383 : vector<8x8192xf32> to vector<1x8x8192xf32>
    %ge3A_385 = arith.constant 0 : i32
    %ge3A_386 = arith.cmpi sge, %sub3A_376, %ge3A_385 : i32
    %le3A_387 = arith.constant 239 : i32
    %le3A_388 = arith.cmpi sle, %sub3A_376, %le3A_387 : i32
    %and3A_389 = arith.andi %ge3A_386, %le3A_388 : i1
    %convert_element_type3A_390 = arith.extui %and3A_389 : i1 to i32
    %cond3A_391 = arith.constant 0 : i32
    %cond3A_392 = arith.cmpi ne, %convert_element_type3A_390, %cond3A_391 : i32
    scf.if %cond3A_392 {
      %get3A_433 = arith.index_cast %rem3A_380 : i32 to index
      %get3A_434 = arith.constant 0 : index
      %get3A_435 = arith.constant 0 : index
      %get3A_436 = vector.load %arg3[%get3A_433, %get3A_434, %get3A_435] : memref<8x8x8192xf32, #tpu.memory_space<vmem>>, vector<1x8x8192xf32>
      %add3A_437 = arith.addf %get3A_436, %broadcast_in_dim3A_384 : vector<1x8x8192xf32>
      %swap3A = arith.index_cast %rem3A_380 : i32 to index
      %swap3A_438 = arith.constant 0 : index
      %swap3A_439 = arith.constant 0 : index
      %swap3A_440 = vector.load %arg3[%swap3A, %swap3A_438, %swap3A_439] : memref<8x8x8192xf32, #tpu.memory_space<vmem>>, vector<1x8x8192xf32>
      tpu.vector_store %arg3[%swap3A, %swap3A_438, %swap3A_439], %add3A_437 {strides = array<i32>} : memref<8x8x8192xf32, #tpu.memory_space<vmem>>, vector<1x8x8192xf32>,
    } else {
    }
    %sub3A_393 = arith.constant 3 : i32
    %sub3A_394 = arith.subi %add3A_321, %sub3A_393 : i32
    %add3A_395 = arith.constant 40 : i32
    %add3A_396 = arith.addi %sub3A_394, %add3A_395 : i32
    %rem3A_397 = arith.constant 8 : i32
    %rem3A_398 = arith.remsi %add3A_396, %rem3A_397 : i32
    %mul3A_399 = arith.constant 0.231533661 : f32
    %mul3A_400 = vector.broadcast %mul3A_399 : f32 to vector<8x8192xf32>
    %mul3A_401 = arith.mulf %mul3A_400, %mul3A_341 : vector<8x8192xf32>
    %broadcast_in_dim3A_402 = vector.shape_cast %mul3A_401 : vector<8x8192xf32> to vector<1x8x8192xf32>
    %ge3A_403 = arith.constant 0 : i32
    %ge3A_404 = arith.cmpi sge, %sub3A_394, %ge3A_403 : i32
    %le3A_405 = arith.constant 239 : i32
    %le3A_406 = arith.cmpi sle, %sub3A_394, %le3A_405 : i32
    %and3A_407 = arith.andi %ge3A_404, %le3A_406 : i1
    %convert_element_type3A_408 = arith.extui %and3A_407 : i1 to i32
    %cond3A_409 = arith.constant 0 : i32
    %cond3A_410 = arith.cmpi ne, %convert_element_type3A_408, %cond3A_409 : i32
    scf.if %cond3A_410 {
      %get3A_433 = arith.index_cast %rem3A_398 : i32 to index
      %get3A_434 = arith.constant 0 : index
      %get3A_435 = arith.constant 0 : index
      %get3A_436 = vector.load %arg3[%get3A_433, %get3A_434, %get3A_435] : memref<8x8x8192xf32, #tpu.memory_space<vmem>>, vector<1x8x8192xf32>
      %add3A_437 = arith.addf %get3A_436, %broadcast_in_dim3A_402 : vector<1x8x8192xf32>
      %swap3A = arith.index_cast %rem3A_398 : i32 to index
      %swap3A_438 = arith.constant 0 : index
      %swap3A_439 = arith.constant 0 : index
      %swap3A_440 = vector.load %arg3[%swap3A, %swap3A_438, %swap3A_439] : memref<8x8x8192xf32, #tpu.memory_space<vmem>>, vector<1x8x8192xf32>
      tpu.vector_store %arg3[%swap3A, %swap3A_438, %swap3A_439], %add3A_437 {strides = array<i32>} : memref<8x8x8192xf32, #tpu.memory_space<vmem>>, vector<1x8x8192xf32>,
    } else {
    }
    %sub3A_411 = arith.constant 4 : i32
    %sub3A_412 = arith.subi %add3A_321, %sub3A_411 : i32
    %add3A_413 = arith.constant 40 : i32
    %add3A_414 = arith.addi %sub3A_412, %add3A_413 : i32
    %rem3A_415 = arith.constant 8 : i32
    %rem3A_416 = arith.remsi %add3A_414, %rem3A_415 : i32
    %mul3A_417 = arith.constant 0.127068371 : f32
    %mul3A_418 = vector.broadcast %mul3A_417 : f32 to vector<8x8192xf32>
    %mul3A_419 = arith.mulf %mul3A_418, %mul3A_341 : vector<8x8192xf32>
    %broadcast_in_dim3A_420 = vector.shape_cast %mul3A_419 : vector<8x8192xf32> to vector<1x8x8192xf32>
    %ge3A_421 = arith.constant 0 : i32
    %ge3A_422 = arith.cmpi sge, %sub3A_412, %ge3A_421 : i32
    %le3A_423 = arith.constant 239 : i32
    %le3A_424 = arith.cmpi sle, %sub3A_412, %le3A_423 : i32
    %and3A_425 = arith.andi %ge3A_422, %le3A_424 : i1
    %convert_element_type3A_426 = arith.extui %and3A_425 : i1 to i32
    %cond3A_427 = arith.constant 0 : i32
    %cond3A_428 = arith.cmpi ne, %convert_element_type3A_426, %cond3A_427 : i32
    scf.if %cond3A_428 {
      %get3A_433 = arith.index_cast %rem3A_416 : i32 to index
      %get3A_434 = arith.constant 0 : index
      %get3A_435 = arith.constant 0 : index
      %get3A_436 = vector.load %arg3[%get3A_433, %get3A_434, %get3A_435] : memref<8x8x8192xf32, #tpu.memory_space<vmem>>, vector<1x8x8192xf32>
      %add3A_437 = arith.addf %get3A_436, %broadcast_in_dim3A_420 : vector<1x8x8192xf32>
      %swap3A = arith.index_cast %rem3A_416 : i32 to index
      %swap3A_438 = arith.constant 0 : index
      %swap3A_439 = arith.constant 0 : index
      %swap3A_440 = vector.load %arg3[%swap3A, %swap3A_438, %swap3A_439] : memref<8x8x8192xf32, #tpu.memory_space<vmem>>, vector<1x8x8192xf32>
      tpu.vector_store %arg3[%swap3A, %swap3A_438, %swap3A_439], %add3A_437 {strides = array<i32>} : memref<8x8x8192xf32, #tpu.memory_space<vmem>>, vector<1x8x8192xf32>,
    } else {
    }
    %gt3A = arith.constant 0 : i32
    %gt3A_429 = arith.cmpi sgt, %arg0, %gt3A : i32
    %convert_element_type3A_430 = arith.extui %gt3A_429 : i1 to i32
    %cond3A_431 = arith.constant 0 : i32
    %cond3A_432 = arith.cmpi ne, %convert_element_type3A_430, %cond3A_431 : i32
    scf.if %cond3A_432 {
      %sub3A_433 = arith.constant 1 : i32
      %sub3A_434 = arith.subi %arg0, %sub3A_433 : i32
      %mul3A_435 = arith.constant 4 : i32
      %mul3A_436 = arith.muli %mul3A_435, %sub3A_434 : i32
      %add3A_437 = arith.constant 0 : i32
      %add3A_438 = arith.addi %mul3A_436, %add3A_437 : i32
      %rem3A_439 = arith.constant 8 : i32
      %rem3A_440 = arith.remsi %add3A_438, %rem3A_439 : i32
      %get3A_441 = arith.index_cast %rem3A_440 : i32 to index
      %get3A_442 = arith.constant 0 : index
      %get3A_443 = arith.constant 0 : index
      %get3A_444 = vector.load %arg3[%get3A_441, %get3A_442, %get3A_443] : memref<8x8x8192xf32, #tpu.memory_space<vmem>>, vector<1x8x8192xf32>
      %swap3A = arith.constant 0 : index
      %swap3A_445 = arith.constant 0 : index
      %swap3A_446 = arith.constant 0 : index
      %swap3A_447 = vector.load %arg2[%swap3A, %swap3A_445, %swap3A_446] : memref<4x8x8192xf32, #tpu.memory_space<vmem>>, vector<1x8x8192xf32>
      tpu.vector_store %arg2[%swap3A, %swap3A_445, %swap3A_446], %get3A_444 {strides = array<i32>} : memref<4x8x8192xf32, #tpu.memory_space<vmem>>, vector<1x8x8192xf32>,
      %sub3A_448 = arith.constant 1 : i32
      %sub3A_449 = arith.subi %arg0, %sub3A_448 : i32
      %mul3A_450 = arith.constant 4 : i32
      %mul3A_451 = arith.muli %mul3A_450, %sub3A_449 : i32
      %add3A_452 = arith.constant 1 : i32
      %add3A_453 = arith.addi %mul3A_451, %add3A_452 : i32
      %rem3A_454 = arith.constant 8 : i32
      %rem3A_455 = arith.remsi %add3A_453, %rem3A_454 : i32
      %get3A_456 = arith.index_cast %rem3A_455 : i32 to index
      %get3A_457 = arith.constant 0 : index
      %get3A_458 = arith.constant 0 : index
      %get3A_459 = vector.load %arg3[%get3A_456, %get3A_457, %get3A_458] : memref<8x8x8192xf32, #tpu.memory_space<vmem>>, vector<1x8x8192xf32>
      %swap3A_460 = arith.constant 1 : index
      %swap3A_461 = arith.constant 0 : index
      %swap3A_462 = arith.constant 0 : index
      %swap3A_463 = vector.load %arg2[%swap3A_460, %swap3A_461, %swap3A_462] : memref<4x8x8192xf32, #tpu.memory_space<vmem>>, vector<1x8x8192xf32>
      tpu.vector_store %arg2[%swap3A_460, %swap3A_461, %swap3A_462], %get3A_459 {strides = array<i32>} : memref<4x8x8192xf32, #tpu.memory_space<vmem>>, vector<1x8x8192xf32>,
      %sub3A_464 = arith.constant 1 : i32
      %sub3A_465 = arith.subi %arg0, %sub3A_464 : i32
      %mul3A_466 = arith.constant 4 : i32
      %mul3A_467 = arith.muli %mul3A_466, %sub3A_465 : i32
      %add3A_468 = arith.constant 2 : i32
      %add3A_469 = arith.addi %mul3A_467, %add3A_468 : i32
      %rem3A_470 = arith.constant 8 : i32
      %rem3A_471 = arith.remsi %add3A_469, %rem3A_470 : i32
      %get3A_472 = arith.index_cast %rem3A_471 : i32 to index
      %get3A_473 = arith.constant 0 : index
      %get3A_474 = arith.constant 0 : index
      %get3A_475 = vector.load %arg3[%get3A_472, %get3A_473, %get3A_474] : memref<8x8x8192xf32, #tpu.memory_space<vmem>>, vector<1x8x8192xf32>
      %swap3A_476 = arith.constant 2 : index
      %swap3A_477 = arith.constant 0 : index
      %swap3A_478 = arith.constant 0 : index
      %swap3A_479 = vector.load %arg2[%swap3A_476, %swap3A_477, %swap3A_478] : memref<4x8x8192xf32, #tpu.memory_space<vmem>>, vector<1x8x8192xf32>
      tpu.vector_store %arg2[%swap3A_476, %swap3A_477, %swap3A_478], %get3A_475 {strides = array<i32>} : memref<4x8x8192xf32, #tpu.memory_space<vmem>>, vector<1x8x8192xf32>,
      %sub3A_480 = arith.constant 1 : i32
      %sub3A_481 = arith.subi %arg0, %sub3A_480 : i32
      %mul3A_482 = arith.constant 4 : i32
      %mul3A_483 = arith.muli %mul3A_482, %sub3A_481 : i32
      %add3A_484 = arith.constant 3 : i32
      %add3A_485 = arith.addi %mul3A_483, %add3A_484 : i32
      %rem3A_486 = arith.constant 8 : i32
      %rem3A_487 = arith.remsi %add3A_485, %rem3A_486 : i32
      %get3A_488 = arith.index_cast %rem3A_487 : i32 to index
      %get3A_489 = arith.constant 0 : index
      %get3A_490 = arith.constant 0 : index
      %get3A_491 = vector.load %arg3[%get3A_488, %get3A_489, %get3A_490] : memref<8x8x8192xf32, #tpu.memory_space<vmem>>, vector<1x8x8192xf32>
      %swap3A_492 = arith.constant 3 : index
      %swap3A_493 = arith.constant 0 : index
      %swap3A_494 = arith.constant 0 : index
      %swap3A_495 = vector.load %arg2[%swap3A_492, %swap3A_493, %swap3A_494] : memref<4x8x8192xf32, #tpu.memory_space<vmem>>, vector<1x8x8192xf32>
      tpu.vector_store %arg2[%swap3A_492, %swap3A_493, %swap3A_494], %get3A_491 {strides = array<i32>} : memref<4x8x8192xf32, #tpu.memory_space<vmem>>, vector<1x8x8192xf32>,
    } else {
    }
    return
  }
  func.func @transform_0(%arg0: i32) -> (i32, i32, i32) {
    %c0_i32 = arith.constant 0 : i32
    %c0_i32_0 = arith.constant 0 : i32
    %c0_i32_1 = arith.constant 0 : i32
    return %arg0, %c0_i32, %c0_i32_0 : i32, i32, i32
  }
  func.func @transform_1(%arg0: i32) -> (i32, i32, i32) {
    %sub3A = arith.constant 1 : i32
    %sub3A_0 = arith.subi %arg0, %sub3A : i32
    %max3A = arith.constant 0 : i32
    %max3A_1 = arith.maxsi %sub3A_0, %max3A : i32
    %c0_i32 = arith.constant 0 : i32
    %c0_i32_2 = arith.constant 0 : i32
    %c0_i32_3 = arith.constant 0 : i32
    return %max3A_1, %c0_i32, %c0_i32_2 : i32, i32, i32
  }
}

</mosaic_0001>

<sc_bundles>
// kernel: kernel.4.cloned.1.call-start
scs
__scs_entry_jumppad:
0x0: {  	(pc) =	sbr.rel $0x88, $3  }
0x1: {  	(tag) =	ssettag $0x0;
	lr =	simm.s32 $0x1  }
0x2: {  	[smem:$0x3F9F] =	sst lr;
	_ =	strace $0xD0000000  }
0x3: {  	_ = 	snop  }
0x4: {  	_ = 	snop  }
0x5: {  	_ = 	snop  }
0x6: {  	_ = 	snop  }
0x7: {  	_ = 	snop  }
__scs_overlays_trampoline_lowered:
0x8: {  	[smem:$0x3FAE] =	sst s0  }
0x9: {  	[smem:$0x3FAF] =	sst s1  }
0xa: {  	[smem:$0x3FB0] =	sst s2  }
0xb: {  	[smem:$0x3FB1] =	sst s3  }
0xc: {  	[smem:$0x3FB2] =	sst s4  }
0xd: {  	[smem:$0x3FB3] =	sst s5  }
0xe: {  	[smem:$0x3FB4] =	sst s6  }
0xf: {  	[smem:$0x3FB5] =	sst s7  }
0x10: {  	[smem:$0x3FB6] =	sst s8  }
0x11: {  	[smem:$0x3FB7] =	sst s9;
	s0 =	simm.s32 @!p0 $0x0  }
0x12: {  	s1 =	sld [smem:$0x3F9D];
	s0 =	simm.s32 @p0 $0x1  }
0x13: {  	[smem:$0x3FB8] =	sst s0;
	s0 =	simm.s32 @!p1 $0x0  }
0x14: {  	s2 =	sld [smem:$0x3F9C];
	s0 =	simm.s32 @p1 $0x1  }
0x15: {  	[smem:$0x3FB9] =	sst s0;
	s0 =	simm.s32 @!p2 $0x0  }
0x16: {  	s3 =	sld [smem:$0x3FDB];
	s0 =	simm.s32 @p2 $0x1  }
0x17: {  	s4 =	simm.s32 $0x1BF5;
	[smem:$0x3FBB] =	sst s0  }
0x18: {  	s0 =	sld [smem:$0x3F9E];
	_ =	swait.ge [sflag:s4], $0x0  }
0x19: {  	s7 =	sld [smem:$0x3F9F]  }
0x1a: {  	s8 =	sadd.s32 $0xFFFFE003, lr  }
0x1b: {  	s9 =	sadd.s32 $0xFFFFFEF7, lr;
	s5 =	simm.s32 $0xFFFFFFFF;
	p2 =	slt.u32 s8, $0xFFFFF086  }
0x1c: {  	p1 =	slt.u32 s9, $0xF7A;
	s5 =	simm.s32 @!p2 $0x0  }
0x1d: {  	s5 =	simm.s32 @p1 $0x1;
	p0 =	seq.s32 s7, s2  }
0x1e: {  	s7 =	smul.u32 @!p0 $0xF7A, s2;
	p2 =	seq.s32 @!p0 s5, $0x0  }
0x1f: {  	s9 =	smul.u32 $0xF7A, s1;
	s8 =	simm.s32 @!p0 $0x1BF5;
	p2 =	por !p2, p0  }
0x20: {  	[sflag:s8] =	ssyncset.s32 @!p0 $0xFFFFF086;
	s6 =	sadd.s32 @!p0 s3, s7;
	s7 =	simm.s32 @!p0 $0x108  }
0x21: {  	s3 =	sadd.s32 s3, s9;
	s6 =	sadd.s32 @!p0 $0x88, s6;
	s7 =	simm.s32 @p2 $0x1082  }
0x22: {  	[simem:s7], [sflag:s8] =	dma.local @!p0 [hbm:s6], $0xF7A  }
0x23: {  	s9 =	sor.u32 $0xD0000000, s2;
	s6 =	simm.s32 $0x108;
	_ =	swait.ge @!p0 [sflag:s8], $0x0  }
0x24: {  	s3 =	sadd.s32 $0x88, s3;
	s6 =	simm.s32 @!p1 $0x1082;
	[sflag:s4] =	ssyncset.s32 $0xFFFFF086  }
0x25: {  	[simem:s6], [sflag:s4] =	dma.local [hbm:s3], $0xF7A  }
0x26: {  	[smem:$0x3F9F] =	sst s1;
	(tag) =	ssettag s2;
	_ =	strace s9  }
0x27: {  	s1 =	sld [smem:$0x3FAF]  }
0x28: {  	s2 =	sld [smem:$0x3FB0]  }
0x29: {  	s4 =	sld [smem:$0x3FB2]  }
0x2a: {  	p0 =	seq.s32 s5, $0x0;
	s5 =	sld [smem:$0x3FB3]  }
0x2b: {  	s6 =	sld [smem:$0x3FB4]  }
0x2c: {  	s7 =	sld [smem:$0x3FB5]  }
0x2d: {  	s3 =	simm.s32 $0x108;
	s8 =	sld [smem:$0x3FB6]  }
0x2e: {  	s3 =	simm.s32 @!p0 $0x1082;
	s9 =	sld [smem:$0x3FB7]  }
0x2f: {  	lr =	sadd.s32 s0, s3;
	s0 =	sld [smem:$0x3FAE]  }
0x30: {  	s3 =	sld [smem:$0x3FB1]  }
0x31: {  	[smem:$0x3FBA] =	sst s10  }
0x32: {  	s10 =	sld [smem:$0x3FB8];
	_ =	sdelay $0x3  }
0x33: {  	p0 =	seq.s32 s10, $0x1;
	s10 =	sld [smem:$0x3FBA];
	_ =	sdelay $0x3  }
0x34: {  	[smem:$0x3FBA] =	sst s10  }
0x35: {  	s10 =	sld [smem:$0x3FB9];
	_ =	sdelay $0x3  }
0x36: {  	p1 =	seq.s32 s10, $0x1;
	s10 =	sld [smem:$0x3FBA];
	_ =	sdelay $0x3  }
0x37: {  	[smem:$0x3FBA] =	sst s10  }
0x38: {  	s10 =	sld [smem:$0x3FBB]  }
0x39: {  	_ = 	snop;
	(pc) =	sbr.ind lr, $3  }
0x3a: {  	_ = 	snop  }
0x3b: {  	_ = 	snop  }
0x3c: {  	p2 =	seq.s32 s10, $0x1;
	s10 =	sld [smem:$0x3FBA]  }
0x3d: {  	_ =	shalt  }
0x3e: {  	_ =	shalt  }
0x3f: {  	_ =	shalt  }
0x40: {  	_ =	shalt  }
0x41: {  	_ =	shalt  }
0x42: {  	_ =	shalt  }
0x43: {  	_ =	shalt  }
0x44: {  	_ =	shalt  }
0x45: {  	_ =	shalt  }
0x46: {  	_ =	shalt  }
0x47: {  	_ =	shalt  }
0x48: {  	_ =	shalt  }
0x49: {  	_ =	shalt  }
0x4a: {  	_ =	shalt  }
0x4b: {  	_ =	shalt  }
0x4c: {  	_ =	shalt  }
0x4d: {  	_ =	shalt  }
0x4e: {  	_ =	shalt  }
0x4f: {  	_ =	shalt  }
0x50: {  	_ =	shalt  }
0x51: {  	_ =	shalt  }
0x52: {  	_ =	shalt  }
0x53: {  	_ =	shalt  }
0x54: {  	_ =	shalt  }
0x55: {  	_ =	shalt  }
0x56: {  	_ =	shalt  }
0x57: {  	_ =	shalt  }
0x58: {  	_ =	shalt  }
0x59: {  	_ =	shalt  }
0x5a: {  	_ =	shalt  }
0x5b: {  	_ =	shalt  }
0x5c: {  	_ =	shalt  }
0x5d: {  	_ =	shalt  }
0x5e: {  	_ =	shalt  }
0x5f: {  	_ =	shalt  }
0x60: {  	_ =	shalt  }
0x61: {  	_ =	shalt  }
0x62: {  	_ =	shalt  }
0x63: {  	_ =	shalt  }
0x64: {  	_ =	shalt  }
0x65: {  	_ =	shalt  }
0x66: {  	_ =	shalt  }
0x67: {  	_ =	shalt  }
0x68: {  	_ =	shalt  }
0x69: {  	_ =	shalt  }
0x6a: {  	_ =	shalt  }
0x6b: {  	_ =	shalt  }
0x6c: {  	_ =	shalt  }
0x6d: {  	_ =	shalt  }
0x6e: {  	_ =	shalt  }
0x6f: {  	_ =	shalt  }
0x70: {  	_ =	shalt  }
0x71: {  	_ =	shalt  }
0x72: {  	_ =	shalt  }
0x73: {  	_ =	shalt  }
0x74: {  	_ =	shalt  }
0x75: {  	_ =	shalt  }
0x76: {  	_ =	shalt  }
0x77: {  	_ =	shalt  }
0x78: {  	_ =	shalt  }
0x79: {  	_ =	shalt  }
0x7a: {  	_ =	shalt  }
0x7b: {  	_ =	shalt  }
0x7c: {  	_ =	shalt  }
0x7d: {  	_ =	shalt  }
0x7e: {  	_ =	shalt  }
0x7f: {  	_ =	shalt  }
0x80: {  	_ =	shalt  }
0x81: {  	_ =	shalt  }
0x82: {  	_ =	shalt  }
0x83: {  	_ =	shalt  }
0x84: {  	_ =	shalt  }
0x85: {  	_ =	shalt  }
0x86: {  	_ =	shalt  }
0x87: {  	_ =	shalt  }
.Lfunc_end0:
.L_simem_size_0:
called_computation.2_lowered:
.L_overlay_start_0:
0x88: {  	s2 =	sld [smem:$0x3FD9]  }
0x89: {  	s3 =	sld [smem:$0x3FFE];
	_ =	sdelay $0x1  }
0x8a: {  	s1 =	srdreg.scid  }
0x8b: {  	s0 =	sand.u32 $0x1, s1  }
0x8c: {  	s17 =	sshll.u32 s0, $0xA;
	s2 =	sadd.s32 s3, s2  }
0x8d: {  	s2 =	sadd.s32 s2, s17  }
0x8e: {  	[smem:$0x3FC6] =	sst s2  }
0x8f: {  	_ = 	snop  }
0x90: {  	s2 =	sld [smem:$0x3FD0];
	(tm) =	ssettm $0x1  }
0x91: {  	s18 =	sld [smem:$0x3FFB];
	_ =	sdelay $0x3  }
0x92: {  	_ =	strace s18  }
0x93: {  	s3 =	sld [smem:$0x3FFC];
	_ =	sdelay $0x3  }
0x94: {  	_ =	strace s3  }
0x95: {  	s3 =	sld [smem:$0x3FFD];
	_ =	sdelay $0x3  }
0x96: {  	_ =	strace s3  }
0x97: {  	_ =	strace $0x8FFFFFFF  }
0x98: {  	s19 =	sld [smem:$0x3FDB];
	_ =	sdelay $0x1  }
0x99: {  	s4 =	simm.s32 $_scs_section_size  }
0x9a: {  	s5 =	simm.s32 $_size__tile_overlayer_lowered;
	s6 =	simm.s32 $_tile_overlayer_lowered  }
0x9b: {  	s22 =	simm.s32 $0x1BFF;
	s21 =	sshll.u32 s6, $0x1;
	s3 =	sadd.s32 s4, s19  }
0x9c: {  	s7 =	simm.s32 $0x0;
	s20 =	sshll.u32 s5, $0x1;
	s5 =	sadd.s32 s21, s3  }
0x9d: {  	[timem:s7], [sflag:s22] =	dma.local [hbm:s5], s20  }
0x9e: {  	_ =	swait.ge [sflag:s22], s20  }
0x9f: {  	s4 =	ssub.s32 $0x0, s20;
	[sflag:s22] =	ssyncset.done $0x0  }
0xa0: {  	[sflag:s22] =	ssyncadd.s32 s4;
	_ =	sdelay $0x1  }
0xa1: {  	s23 =	simm.s32 $0x1B8B  }
0xa2: {  	_ =	swait.ge [sflag:s23], $0x1  }
0xa3: {  	[sflag:s23] =	ssyncset.done $0x0  }
0xa4: {  	s25 =	simm.s32 $0x1B8E;
	s24 =	sld [smem:$0x3FFE];
	[sflag:s23] =	ssyncadd.s32 $0xFFFFFFFF  }
0xa5: {  	s26 =	simm.s32 $execute0_lowered;
	[smem:$0x3FD2] =	sst s25  }
0xa6: {  	s5 =	sshll.u32 s26, $0x1;
	_ =	strace $0x80000049;
	[dreg:$0x1] =	wrdreg $0xFFFFFFFF  }
0xa7: {  	s28 =	simm.s32 $_size_execute0_lowered;
	s3 =	sadd.s32 s3, s5;
	[dreg:$0x0] =	wrdreg $0x0  }
0xa8: {  	s5 =	sshll.u32 s28, $0x1;
	[dreg:$0x2] =	wrdreg s3  }
0xa9: {  	[dreg:$0x3] =	wrdreg s5  }
0xaa: {  	[dreg:$0x4] =	wrdreg $0xC0  }
0xab: {  	_ =	task [dreg:s7], $0x5FFFF  }
0xac: {  	[dreg:$0x1] =	wrdreg $0xFFFFFFFF  }
0xad: {  	[dreg:$0x0] =	wrdreg $0x60  }
0xae: {  	[dreg:$0x2] =	wrdreg s24  }
0xaf: {  	[dreg:$0x3] =	wrdreg s2  }
0xb0: {  	[dreg:$0x4] =	wrdreg $0x9  }
0xb1: {  	_ =	task.clear_ibuf [dreg:s7], $0x5FFFF;
	_ =	strace $0x90000049  }
0xb2: {  	s29 =	simm.s32 $0x9;
	_ =	strace $0x8000004B  }
0xb3: {  	_ =	swait.ge [sflag:s29], $0x1  }
0xb4: {  	[sflag:s29] =	ssyncadd.s32 $0xFFFFFFFF  }
0xb5: {  	_ =	strace $0x9000004B  }
0xb6: {  	_ =	sfence  }
0xb7: {  	s30 =	sld [smem:$0x0];
	_ =	sdelay $0x2  }
0xb8: {  	s31 =	sshll.u32 s1, $0xD;
	s1 =	sshrl.u32 s1, $0x2  }
0xb9: {  	s3 =	sand.u32 $0x4000, s31;
	s1 =	sadd.s32 s1, s30  }
0xba: {  	s0 =	sor.u32 s3, s0;
	s1 =	sshll.u32 s1, $0x11  }
0xbb: {  	s0 =	sor.u32 s1, s0  }
0xbc: {  	s0 =	sadd.s32 $0x8F2B, s0  }
0xbd: {  	[sflag:s0] =	ssyncadd.remote.s32 $0x1  }
0xbe: {  	_ =	sfence.sel $0xFFFF  }
0xbf: {  	[dreg:$0x0] =	wrdreg $0xFFFFFFFF;
	(pc) =	sbr.abs _section_cstart, $3  }
0xc0: {  	[dreg:$0x1] =	wrdreg $0xFFFFFFFF  }
0xc1: {  	_ =	task.clear_ibuf [dreg:s7], $0x2FFFF;
	_ =	strace $0x9FFFFFFF  }
0xc2: {  	(tm) =	ssettm $0x7FFFFFFF  }
0xc3: {  	_ =	shalt  }
tec
execute0_lowered:
.L_overlay_start_1:
0x0: {  	(tag) =	ssettag $0x1  }
0x1: {  	s0 =	rddreg [dreg:$0x0]  }
0x2: {  	s1 =	rddreg [dreg:$0x1]  }
0x3: {  	s3 =	srdreg.scid;
	s5 =	stileid.u32  }
0x4: {  	s2 =	simm.s32 $0x0;
	s4 =	sand.u32 $0x1, s3;
	s15 =	sshll.u32 s5, $0x1  }
0x5: {  	[smem:$0x7FF] =	sst s2;
	s5 =	sor.u32 s4, s15  }
0x6: {  	s3 =	sadd.s32 $0x1EAE00, s0;
	s6 =	sshll.u32 s5, $0x8;
	s5 =	sshll.u32 s5, $0x10  }
0x7: {  	s8 =	sadd.s32 $0x1EB600, s0;
	s6 =	sadd.s32 s6, s0;
	s20 =	sadd.s32 s1, s5  }
0x8: {  	_ =	strace $0x8000004A;
	s6 =	sadd.s32 $0xE00, s6;
	[dreg:$0x13] =	wrdreg s20  }
0x9: {  	s9 =	sadd.s32 $0x1EB800, s0;
	s1 =	sadd.s32 $0x40, s20;
	[dreg:$0x3] =	wrdreg s6  }
0xa: {  	s10 =	sadd.s32 $0x1EBA00, s0;
	s16 =	sadd.s32 $0x2000, s20;
	[dreg:$0x4] =	wrdreg s1  }
0xb: {  	s11 =	sadd.s32 $0x1EBC00, s0;
	s17 =	sadd.s32 $0x2040, s20;
	[dreg:$0x5] =	wrdreg s16  }
0xc: {  	s12 =	sadd.s32 $0x1EBE00, s0;
	s18 =	sadd.s32 $0x4000, s20;
	[dreg:$0x6] =	wrdreg s17  }
0xd: {  	s13 =	sadd.s32 $0x1EC000, s0;
	s19 =	sadd.s32 $0x4040, s20;
	[dreg:$0x7] =	wrdreg s18  }
0xe: {  	s14 =	sadd.s32 $0x1EC200, s0;
	s21 =	sadd.s32 $0x6000, s20;
	[dreg:$0x8] =	wrdreg s19  }
0xf: {  	s4 =	ssub.s32 $0x2, s4;
	s22 =	sadd.s32 $0x6040, s20;
	[dreg:$0x9] =	wrdreg s21  }
0x10: {  	s15 =	sadd.s32 $0x1EC400, s0;
	s23 =	sadd.s32 $0x8000, s20;
	[dreg:$0xa] =	wrdreg s22  }
0x11: {  	s7 =	sshrl.u32 s4, $0x1;
	s24 =	sadd.s32 $0x8040, s20;
	[dreg:$0xb] =	wrdreg s23  }
0x12: {  	s4 =	ssub.s32 s4, s7;
	s25 =	sadd.s32 $0xA000, s20;
	[dreg:$0xc] =	wrdreg s24  }
0x13: {  	s5 =	sadd.s32 $0x1EB000, s0;
	s26 =	sadd.s32 $0xA040, s20;
	[dreg:$0xd] =	wrdreg s25  }
0x14: {  	s7 =	sadd.s32 $0x1EB400, s0;
	s28 =	sadd.s32 $0xC000, s20;
	[dreg:$0xe] =	wrdreg s26  }
0x15: {  	s29 =	sadd.s32 $0xC040, s20;
	s30 =	sadd.s32 $0xE000, s20;
	[dreg:$0xf] =	wrdreg s28  }
0x16: {  	s31 =	sadd.s32 $0xE040, s20;
	s6 =	sadd.s32 $0x1EB200, s0;
	[dreg:$0x10] =	wrdreg s29  }
0x17: {  	s16 =	sadd.s32 $0x1EC600, s0;
	s17 =	sadd.s32 $0x1EC800, s0;
	[dreg:$0x11] =	wrdreg s30  }
0x18: {  	v0 =	vlaneseq.u32;
	s18 =	sadd.s32 $0x1ECA00, s0;
	s19 =	sadd.s32 $0x1ECC00, s0;
	[dreg:$0x12] =	wrdreg s31  }
0x19: {  	v1 =	vshrl.u32 v0, $0x2;
	s0 =	smax.u32 s4, $0x1;
	s21 =	simm.s32 $0x3;
	s4 =	simm.s32 $0x1  }
0x1a: {  	vm0 =	vmmov $0xffff;
	v0 =	vand.u32 $0x3, v0;
	v1 =	vmul.u32 $0x8, v1;
	s25 =	simm.s32 $0x2;
	s24 =	simm.s32 $0x200;
	s23 =	simm.s32 $0x400  }
.LBB2_1:
0x1b: {  	[dreg:$0x14] =	wrdreg s0  }
0x1c: {  	s26 =	rddreg [dreg:$0x3]  }
0x1d: {  	[tilespmem:s2], [sflag:$0x3] =	stream.linear.gather [hbm4b:s26+s2], $0x800, $0x38;
	[tilespmem:$0x10800] =	vst v63  }
0x1e: {  	_ =	swait.ge [sflag:s21], $0x800  }
0x1f: {  	[sflag:s21] =	ssyncset.done $0x0  }
0x20: {  	[sflag:s21] =	ssyncadd.s32 $0xFFFFF800  }
0x21: {  	v2 =	vld.msk [tilespmem:$0x0], $0xf;
	_ =	sdelay $0x4  }
0x22: {  	v3 =	vshll.u32 v2, $0x6  }
0x23: {  	v2 =	vand.u32 $0x7, v2;
	v3 =	vand.u32 $0xFFFFFE00, v3  }
0x24: {  	v2 =	vor.u32 v2, v3  }
0x25: {  	v2 =	vperm.xlane v2, v0;
	_ =	sdelay $0x1  }
0x26: {  	v2 =	vadd.s32 v1, v2;
	_ =	sdelay $0x3  }
0x27: {  	s20 =	simm.s32 $0x800  }
0x28: {  	[tilespmem:s20], [sflag:$0x1] =	stream.indirect_vreg.gather [hbm4b:s3+s2], $0x80, v2, vm0, $0xb8;
	[tilespmem:$0x10800] =	vst v63  }
0x29: {  	s22 =	simm.s32 $0x1000  }
0x2a: {  	[tilespmem:s22], [sflag:$0x1] =	stream.indirect_vreg.gather [hbm4b:s5+s2], $0x80, v2, vm0, $0xb8;
	[tilespmem:$0x10800] =	vst v63  }
0x2b: {  	s26 =	simm.s32 $0x1800  }
0x2c: {  	[tilespmem:s26], [sflag:$0x1] =	stream.indirect_vreg.gather [hbm4b:s6+s2], $0x80, v2, vm0, $0xb8;
	[tilespmem:$0x10800] =	vst v63  }
0x2d: {  	s28 =	simm.s32 $0x2000  }
0x2e: {  	[tilespmem:s28], [sflag:$0x1] =	stream.indirect_vreg.gather [hbm4b:s7+s2], $0x80, v2, vm0, $0xb8;
	[tilespmem:$0x10800] =	vst v63  }
0x2f: {  	s29 =	simm.s32 $0x2800  }
0x30: {  	[tilespmem:s29], [sflag:$0x1] =	stream.indirect_vreg.gather [hbm4b:s8+s2], $0x80, v2, vm0, $0xb8;
	[tilespmem:$0x10800] =	vst v63  }
0x31: {  	s30 =	simm.s32 $0x3000  }
0x32: {  	[tilespmem:s30], [sflag:$0x1] =	stream.indirect_vreg.gather [hbm4b:s9+s2], $0x80, v2, vm0, $0xb8;
	[tilespmem:$0x10800] =	vst v63  }
0x33: {  	s31 =	simm.s32 $0x3800  }
0x34: {  	[tilespmem:s31], [sflag:$0x1] =	stream.indirect_vreg.gather [hbm4b:s10+s2], $0x80, v2, vm0, $0xb8;
	[tilespmem:$0x10800] =	vst v63  }
0x35: {  	s1 =	simm.s32 $0x4000  }
0x36: {  	[tilespmem:s1], [sflag:$0x1] =	stream.indirect_vreg.gather [hbm4b:s11+s2], $0x80, v2, vm0, $0xb8;
	[tilespmem:$0x10800] =	vst v63  }
0x37: {  	s20 =	simm.s32 $0x4800  }
0x38: {  	[tilespmem:s20], [sflag:$0x1] =	stream.indirect_vreg.gather [hbm4b:s12+s2], $0x80, v2, vm0, $0xb8;
	[tilespmem:$0x10800] =	vst v63  }
0x39: {  	s22 =	simm.s32 $0x5000  }
0x3a: {  	[tilespmem:s22], [sflag:$0x1] =	stream.indirect_vreg.gather [hbm4b:s13+s2], $0x80, v2, vm0, $0xb8;
	[tilespmem:$0x10800] =	vst v63  }
0x3b: {  	s26 =	simm.s32 $0x5800  }
0x3c: {  	[tilespmem:s26], [sflag:$0x1] =	stream.indirect_vreg.gather [hbm4b:s14+s2], $0x80, v2, vm0, $0xb8;
	[tilespmem:$0x10800] =	vst v63  }
0x3d: {  	s28 =	simm.s32 $0x6000  }
0x3e: {  	[tilespmem:s28], [sflag:$0x1] =	stream.indirect_vreg.gather [hbm4b:s15+s2], $0x80, v2, vm0, $0xb8;
	[tilespmem:$0x10800] =	vst v63  }
0x3f: {  	s29 =	simm.s32 $0x6800  }
0x40: {  	[tilespmem:s29], [sflag:$0x1] =	stream.indirect_vreg.gather [hbm4b:s16+s2], $0x80, v2, vm0, $0xb8;
	[tilespmem:$0x10800] =	vst v63  }
0x41: {  	s30 =	simm.s32 $0x7000  }
0x42: {  	[tilespmem:s30], [sflag:$0x1] =	stream.indirect_vreg.gather [hbm4b:s17+s2], $0x80, v2, vm0, $0xb8;
	[tilespmem:$0x10800] =	vst v63  }
0x43: {  	s31 =	simm.s32 $0x7800  }
0x44: {  	[tilespmem:s31], [sflag:$0x1] =	stream.indirect_vreg.gather [hbm4b:s18+s2], $0x80, v2, vm0, $0xb8;
	[tilespmem:$0x10800] =	vst v63  }
0x45: {  	s1 =	simm.s32 $0x8000  }
0x46: {  	[tilespmem:s1], [sflag:$0x1] =	stream.indirect_vreg.gather [hbm4b:s19+s2], $0x80, v2, vm0, $0xb8;
	[tilespmem:$0x10800] =	vst v63  }
0x47: {  	v2 =	vld.msk [tilespmem:$0x80], $0xf;
	_ =	sdelay $0x4  }
0x48: {  	v3 =	vshll.u32 v2, $0x6  }
0x49: {  	v2 =	vand.u32 $0x7, v2;
	v3 =	vand.u32 $0xFFFFFE00, v3  }
0x4a: {  	v2 =	vor.u32 v2, v3  }
0x4b: {  	v2 =	vperm.xlane v2, v0;
	_ =	sdelay $0x1  }
0x4c: {  	v2 =	vadd.s32 v1, v2;
	_ =	sdelay $0x3  }
0x4d: {  	s20 =	simm.s32 $0x8800  }
0x4e: {  	[tilespmem:s20], [sflag:$0x2] =	stream.indirect_vreg.gather [hbm4b:s3+s2], $0x80, v2, vm0, $0xb8;
	[tilespmem:$0x10800] =	vst v63  }
0x4f: {  	s22 =	simm.s32 $0x9000  }
0x50: {  	[tilespmem:s22], [sflag:$0x2] =	stream.indirect_vreg.gather [hbm4b:s5+s2], $0x80, v2, vm0, $0xb8;
	[tilespmem:$0x10800] =	vst v63  }
0x51: {  	s28 =	simm.s32 $0x9800  }
0x52: {  	[tilespmem:s28], [sflag:$0x2] =	stream.indirect_vreg.gather [hbm4b:s6+s2], $0x80, v2, vm0, $0xb8;
	[tilespmem:$0x10800] =	vst v63  }
0x53: {  	s29 =	simm.s32 $0xA000  }
0x54: {  	[tilespmem:s29], [sflag:$0x2] =	stream.indirect_vreg.gather [hbm4b:s7+s2], $0x80, v2, vm0, $0xb8;
	[tilespmem:$0x10800] =	vst v63  }
0x55: {  	s30 =	simm.s32 $0xA800  }
0x56: {  	[tilespmem:s30], [sflag:$0x2] =	stream.indirect_vreg.gather [hbm4b:s8+s2], $0x80, v2, vm0, $0xb8;
	[tilespmem:$0x10800] =	vst v63  }
0x57: {  	s31 =	simm.s32 $0xB000  }
0x58: {  	[tilespmem:s31], [sflag:$0x2] =	stream.indirect_vreg.gather [hbm4b:s9+s2], $0x80, v2, vm0, $0xb8;
	[tilespmem:$0x10800] =	vst v63  }
0x59: {  	s0 =	simm.s32 $0xB800  }
0x5a: {  	[tilespmem:s0], [sflag:$0x2] =	stream.indirect_vreg.gather [hbm4b:s10+s2], $0x80, v2, vm0, $0xb8;
	[tilespmem:$0x10800] =	vst v63  }
0x5b: {  	s1 =	simm.s32 $0xC000  }
0x5c: {  	[tilespmem:s1], [sflag:$0x2] =	stream.indirect_vreg.gather [hbm4b:s11+s2], $0x80, v2, vm0, $0xb8;
	[tilespmem:$0x10800] =	vst v63  }
0x5d: {  	s20 =	simm.s32 $0xC800  }
0x5e: {  	[tilespmem:s20], [sflag:$0x2] =	stream.indirect_vreg.gather [hbm4b:s12+s2], $0x80, v2, vm0, $0xb8;
	[tilespmem:$0x10800] =	vst v63  }
0x5f: {  	s22 =	simm.s32 $0xD000  }
0x60: {  	[tilespmem:s22], [sflag:$0x2] =	stream.indirect_vreg.gather [hbm4b:s13+s2], $0x80, v2, vm0, $0xb8;
	[tilespmem:$0x10800] =	vst v63  }
0x61: {  	s28 =	simm.s32 $0xD800  }
0x62: {  	[tilespmem:s28], [sflag:$0x2] =	stream.indirect_vreg.gather [hbm4b:s14+s2], $0x80, v2, vm0, $0xb8;
	[tilespmem:$0x10800] =	vst v63  }
0x63: {  	s29 =	simm.s32 $0xE000  }
0x64: {  	[tilespmem:s29], [sflag:$0x2] =	stream.indirect_vreg.gather [hbm4b:s15+s2], $0x80, v2, vm0, $0xb8;
	[tilespmem:$0x10800] =	vst v63  }
0x65: {  	s30 =	simm.s32 $0xE800  }
0x66: {  	[tilespmem:s30], [sflag:$0x2] =	stream.indirect_vreg.gather [hbm4b:s16+s2], $0x80, v2, vm0, $0xb8;
	[tilespmem:$0x10800] =	vst v63  }
0x67: {  	s31 =	simm.s32 $0xF000  }
0x68: {  	[tilespmem:s31], [sflag:$0x2] =	stream.indirect_vreg.gather [hbm4b:s17+s2], $0x80, v2, vm0, $0xb8;
	[tilespmem:$0x10800] =	vst v63  }
0x69: {  	s0 =	simm.s32 $0xF800  }
0x6a: {  	[tilespmem:s0], [sflag:$0x2] =	stream.indirect_vreg.gather [hbm4b:s18+s2], $0x80, v2, vm0, $0xb8;
	[tilespmem:$0x10800] =	vst v63  }
0x6b: {  	s1 =	simm.s32 $0x10000  }
0x6c: {  	[tilespmem:s1], [sflag:$0x2] =	stream.indirect_vreg.gather [hbm4b:s19+s2], $0x80, v2, vm0, $0xb8;
	[tilespmem:$0x10800] =	vst v63  }
0x6d: {  	_ =	swait.ge [sflag:s4], $0x8000  }
0x6e: {  	[sflag:s4] =	ssyncset.done $0x0  }
0x6f: {  	s22 =	simm.s32 $0x800;
	s20 =	rddreg [dreg:$0x13];
	[sflag:s4] =	ssyncadd.s32 $0xFFFF8000  }
0x70: {  	[hbm4b:s20+s24] =	stream.strided.scatter [tilespmem:s22], [sflag:$0x3], $0x8000, s23, s24, $0x38;
	[tilespmem:$0x10800] =	vst v63  }
0x71: {  	_ =	swait.ge [sflag:s21], $0x8000  }
0x72: {  	[sflag:s21] =	ssyncset.done $0x0  }
0x73: {  	[sflag:s21] =	ssyncadd.s32 $0xFFFF8000  }
0x74: {  	v2 =	vld.msk [tilespmem:$0x100], $0xf;
	_ =	sdelay $0x4  }
0x75: {  	v3 =	vshll.u32 v2, $0x6  }
0x76: {  	v2 =	vand.u32 $0x7, v2;
	v3 =	vand.u32 $0xFFFFFE00, v3  }
0x77: {  	v2 =	vor.u32 v2, v3  }
0x78: {  	v2 =	vperm.xlane v2, v0;
	_ =	sdelay $0x1  }
0x79: {  	v2 =	vadd.s32 v1, v2;
	_ =	sdelay $0x4  }
0x7a: {  	[tilespmem:s22], [sflag:$0x1] =	stream.indirect_vreg.gather [hbm4b:s3+s2], $0x80, v2, vm0, $0xb8;
	[tilespmem:$0x10800] =	vst v63  }
0x7b: {  	s28 =	simm.s32 $0x1000  }
0x7c: {  	[tilespmem:s28], [sflag:$0x1] =	stream.indirect_vreg.gather [hbm4b:s5+s2], $0x80, v2, vm0, $0xb8;
	[tilespmem:$0x10800] =	vst v63  }
0x7d: {  	s29 =	simm.s32 $0x1800  }
0x7e: {  	[tilespmem:s29], [sflag:$0x1] =	stream.indirect_vreg.gather [hbm4b:s6+s2], $0x80, v2, vm0, $0xb8;
	[tilespmem:$0x10800] =	vst v63  }
0x7f: {  	s30 =	simm.s32 $0x2000  }
0x80: {  	[tilespmem:s30], [sflag:$0x1] =	stream.indirect_vreg.gather [hbm4b:s7+s2], $0x80, v2, vm0, $0xb8;
	[tilespmem:$0x10800] =	vst v63  }
0x81: {  	s31 =	simm.s32 $0x2800  }
0x82: {  	[tilespmem:s31], [sflag:$0x1] =	stream.indirect_vreg.gather [hbm4b:s8+s2], $0x80, v2, vm0, $0xb8;
	[tilespmem:$0x10800] =	vst v63  }
0x83: {  	s1 =	simm.s32 $0x3000  }
0x84: {  	[tilespmem:s1], [sflag:$0x1] =	stream.indirect_vreg.gather [hbm4b:s9+s2], $0x80, v2, vm0, $0xb8;
	[tilespmem:$0x10800] =	vst v63  }
0x85: {  	s20 =	simm.s32 $0x3800  }
0x86: {  	[tilespmem:s20], [sflag:$0x1] =	stream.indirect_vreg.gather [hbm4b:s10+s2], $0x80, v2, vm0, $0xb8;
	[tilespmem:$0x10800] =	vst v63  }
0x87: {  	s22 =	simm.s32 $0x4000  }
0x88: {  	[tilespmem:s22], [sflag:$0x1] =	stream.indirect_vreg.gather [hbm4b:s11+s2], $0x80, v2, vm0, $0xb8;
	[tilespmem:$0x10800] =	vst v63  }
0x89: {  	s1 =	simm.s32 $0x4800  }
0x8a: {  	[tilespmem:s1], [sflag:$0x1] =	stream.indirect_vreg.gather [hbm4b:s12+s2], $0x80, v2, vm0, $0xb8;
	[tilespmem:$0x10800] =	vst v63  }
0x8b: {  	s20 =	simm.s32 $0x5000  }
0x8c: {  	[tilespmem:s20], [sflag:$0x1] =	stream.indirect_vreg.gather [hbm4b:s13+s2], $0x80, v2, vm0, $0xb8;
	[tilespmem:$0x10800] =	vst v63  }
0x8d: {  	s22 =	simm.s32 $0x5800  }
0x8e: {  	[tilespmem:s22], [sflag:$0x1] =	stream.indirect_vreg.gather [hbm4b:s14+s2], $0x80, v2, vm0, $0xb8;
	[tilespmem:$0x10800] =	vst v63  }
0x8f: {  	s28 =	simm.s32 $0x6000  }
0x90: {  	[tilespmem:s28], [sflag:$0x1] =	stream.indirect_vreg.gather [hbm4b:s15+s2], $0x80, v2, vm0, $0xb8;
	[tilespmem:$0x10800] =	vst v63  }
0x91: {  	s29 =	simm.s32 $0x6800  }
0x92: {  	[tilespmem:s29], [sflag:$0x1] =	stream.indirect_vreg.gather [hbm4b:s16+s2], $0x80, v2, vm0, $0xb8;
	[tilespmem:$0x10800] =	vst v63  }
0x93: {  	s30 =	simm.s32 $0x7000  }
0x94: {  	[tilespmem:s30], [sflag:$0x1] =	stream.indirect_vreg.gather [hbm4b:s17+s2], $0x80, v2, vm0, $0xb8;
	[tilespmem:$0x10800] =	vst v63  }
0x95: {  	s31 =	simm.s32 $0x7800  }
0x96: {  	[tilespmem:s31], [sflag:$0x1] =	stream.indirect_vreg.gather [hbm4b:s18+s2], $0x80, v2, vm0, $0xb8;
	[tilespmem:$0x10800] =	vst v63  }
0x97: {  	s26 =	simm.s32 $0x8000  }
0x98: {  	[tilespmem:s26], [sflag:$0x1] =	stream.indirect_vreg.gather [hbm4b:s19+s2], $0x80, v2, vm0, $0xb8;
	[tilespmem:$0x10800] =	vst v63  }
0x99: {  	_ =	swait.ge [sflag:s25], $0x8000  }
0x9a: {  	[sflag:s25] =	ssyncset.done $0x0  }
0x9b: {  	s0 =	simm.s32 $0x8800;
	s26 =	rddreg [dreg:$0x4];
	[sflag:s25] =	ssyncadd.s32 $0xFFFF8000  }
0x9c: {  	[hbm4b:s26+s24] =	stream.strided.scatter [tilespmem:s0], [sflag:$0x3], $0x8000, s23, s24, $0x38;
	[tilespmem:$0x10800] =	vst v63  }
0x9d: {  	_ =	swait.ge [sflag:s21], $0x8000  }
0x9e: {  	[sflag:s21] =	ssyncset.done $0x0  }
0x9f: {  	[sflag:s21] =	ssyncadd.s32 $0xFFFF8000  }
0xa0: {  	v2 =	vld.msk [tilespmem:$0x180], $0xf;
	_ =	sdelay $0x4  }
0xa1: {  	v3 =	vshll.u32 v2, $0x6  }
0xa2: {  	v2 =	vand.u32 $0x7, v2;
	v3 =	vand.u32 $0xFFFFFE00, v3  }
0xa3: {  	v2 =	vor.u32 v2, v3  }
0xa4: {  	v2 =	vperm.xlane v2, v0;
	_ =	sdelay $0x1  }
0xa5: {  	v2 =	vadd.s32 v1, v2;
	_ =	sdelay $0x4  }
0xa6: {  	[tilespmem:s0], [sflag:$0x2] =	stream.indirect_vreg.gather [hbm4b:s3+s2], $0x80, v2, vm0, $0xb8;
	[tilespmem:$0x10800] =	vst v63  }
0xa7: {  	s26 =	simm.s32 $0x9000  }
0xa8: {  	[tilespmem:s26], [sflag:$0x2] =	stream.indirect_vreg.gather [hbm4b:s5+s2], $0x80, v2, vm0, $0xb8;
	[tilespmem:$0x10800] =	vst v63  }
0xa9: {  	s26 =	simm.s32 $0x9800  }
0xaa: {  	[tilespmem:s26], [sflag:$0x2] =	stream.indirect_vreg.gather [hbm4b:s6+s2], $0x80, v2, vm0, $0xb8;
	[tilespmem:$0x10800] =	vst v63  }
0xab: {  	s26 =	simm.s32 $0xA000  }
0xac: {  	[tilespmem:s26], [sflag:$0x2] =	stream.indirect_vreg.gather [hbm4b:s7+s2], $0x80, v2, vm0, $0xb8;
	[tilespmem:$0x10800] =	vst v63  }
0xad: {  	s26 =	simm.s32 $0xA800  }
0xae: {  	[tilespmem:s26], [sflag:$0x2] =	stream.indirect_vreg.gather [hbm4b:s8+s2], $0x80, v2, vm0, $0xb8;
	[tilespmem:$0x10800] =	vst v63  }
0xaf: {  	s26 =	simm.s32 $0xB000  }
0xb0: {  	[tilespmem:s26], [sflag:$0x2] =	stream.indirect_vreg.gather [hbm4b:s9+s2], $0x80, v2, vm0, $0xb8;
	[tilespmem:$0x10800] =	vst v63  }
0xb1: {  	s26 =	simm.s32 $0xB800  }
0xb2: {  	[tilespmem:s26], [sflag:$0x2] =	stream.indirect_vreg.gather [hbm4b:s10+s2], $0x80, v2, vm0, $0xb8;
	[tilespmem:$0x10800] =	vst v63  }
0xb3: {  	s26 =	simm.s32 $0xC000  }
0xb4: {  	[tilespmem:s26], [sflag:$0x2] =	stream.indirect_vreg.gather [hbm4b:s11+s2], $0x80, v2, vm0, $0xb8;
	[tilespmem:$0x10800] =	vst v63  }
0xb5: {  	s26 =	simm.s32 $0xC800  }
0xb6: {  	[tilespmem:s26], [sflag:$0x2] =	stream.indirect_vreg.gather [hbm4b:s12+s2], $0x80, v2, vm0, $0xb8;
	[tilespmem:$0x10800] =	vst v63  }
0xb7: {  	s26 =	simm.s32 $0xD000  }
0xb8: {  	[tilespmem:s26], [sflag:$0x2] =	stream.indirect_vreg.gather [hbm4b:s13+s2], $0x80, v2, vm0, $0xb8;
	[tilespmem:$0x10800] =	vst v63  }
0xb9: {  	s26 =	simm.s32 $0xD800  }
0xba: {  	[tilespmem:s26], [sflag:$0x2] =	stream.indirect_vreg.gather [hbm4b:s14+s2], $0x80, v2, vm0, $0xb8;
	[tilespmem:$0x10800] =	vst v63  }
0xbb: {  	s26 =	simm.s32 $0xE000  }
0xbc: {  	[tilespmem:s26], [sflag:$0x2] =	stream.indirect_vreg.gather [hbm4b:s15+s2], $0x80, v2, vm0, $0xb8;
	[tilespmem:$0x10800] =	vst v63  }
0xbd: {  	s26 =	simm.s32 $0xE800  }
0xbe: {  	[tilespmem:s26], [sflag:$0x2] =	stream.indirect_vreg.gather [hbm4b:s16+s2], $0x80, v2, vm0, $0xb8;
	[tilespmem:$0x10800] =	vst v63  }
0xbf: {  	s26 =	simm.s32 $0xF000  }
0xc0: {  	[tilespmem:s26], [sflag:$0x2] =	stream.indirect_vreg.gather [hbm4b:s17+s2], $0x80, v2, vm0, $0xb8;
	[tilespmem:$0x10800] =	vst v63  }
0xc1: {  	s26 =	simm.s32 $0xF800  }
0xc2: {  	[tilespmem:s26], [sflag:$0x2] =	stream.indirect_vreg.gather [hbm4b:s18+s2], $0x80, v2, vm0, $0xb8;
	[tilespmem:$0x10800] =	vst v63  }
0xc3: {  	s26 =	simm.s32 $0x10000  }
0xc4: {  	[tilespmem:s26], [sflag:$0x2] =	stream.indirect_vreg.gather [hbm4b:s19+s2], $0x80, v2, vm0, $0xb8;
	[tilespmem:$0x10800] =	vst v63  }
0xc5: {  	_ =	swait.ge [sflag:s4], $0x8000  }
0xc6: {  	[sflag:s4] =	ssyncset.done $0x0  }
0xc7: {  	s0 =	simm.s32 $0x800;
	s26 =	rddreg [dreg:$0x5];
	[sflag:s4] =	ssyncadd.s32 $0xFFFF8000  }
0xc8: {  	[hbm4b:s26+s24] =	stream.strided.scatter [tilespmem:s0], [sflag:$0x3], $0x8000, s23, s24, $0x38;
	[tilespmem:$0x10800] =	vst v63  }
0xc9: {  	_ =	swait.ge [sflag:s21], $0x8000  }
0xca: {  	[sflag:s21] =	ssyncset.done $0x0  }
0xcb: {  	[sflag:s21] =	ssyncadd.s32 $0xFFFF8000  }
0xcc: {  	v2 =	vld.msk [tilespmem:$0x200], $0xf;
	_ =	sdelay $0x4  }
0xcd: {  	v3 =	vshll.u32 v2, $0x6  }
0xce: {  	v2 =	vand.u32 $0x7, v2;
	v3 =	vand.u32 $0xFFFFFE00, v3  }
0xcf: {  	v2 =	vor.u32 v2, v3  }
0xd0: {  	v2 =	vperm.xlane v2, v0;
	_ =	sdelay $0x1  }
0xd1: {  	v2 =	vadd.s32 v1, v2;
	_ =	sdelay $0x4  }
0xd2: {  	[tilespmem:s0], [sflag:$0x1] =	stream.indirect_vreg.gather [hbm4b:s3+s2], $0x80, v2, vm0, $0xb8;
	[tilespmem:$0x10800] =	vst v63  }
0xd3: {  	s26 =	simm.s32 $0x1000  }
0xd4: {  	[tilespmem:s26], [sflag:$0x1] =	stream.indirect_vreg.gather [hbm4b:s5+s2], $0x80, v2, vm0, $0xb8;
	[tilespmem:$0x10800] =	vst v63  }
0xd5: {  	s26 =	simm.s32 $0x1800  }
0xd6: {  	[tilespmem:s26], [sflag:$0x1] =	stream.indirect_vreg.gather [hbm4b:s6+s2], $0x80, v2, vm0, $0xb8;
	[tilespmem:$0x10800] =	vst v63  }
0xd7: {  	s26 =	simm.s32 $0x2000  }
0xd8: {  	[tilespmem:s26], [sflag:$0x1] =	stream.indirect_vreg.gather [hbm4b:s7+s2], $0x80, v2, vm0, $0xb8;
	[tilespmem:$0x10800] =	vst v63  }
0xd9: {  	s26 =	simm.s32 $0x2800  }
0xda: {  	[tilespmem:s26], [sflag:$0x1] =	stream.indirect_vreg.gather [hbm4b:s8+s2], $0x80, v2, vm0, $0xb8;
	[tilespmem:$0x10800] =	vst v63  }
0xdb: {  	s26 =	simm.s32 $0x3000  }
0xdc: {  	[tilespmem:s26], [sflag:$0x1] =	stream.indirect_vreg.gather [hbm4b:s9+s2], $0x80, v2, vm0, $0xb8;
	[tilespmem:$0x10800] =	vst v63  }
0xdd: {  	s26 =	simm.s32 $0x3800  }
0xde: {  	[tilespmem:s26], [sflag:$0x1] =	stream.indirect_vreg.gather [hbm4b:s10+s2], $0x80, v2, vm0, $0xb8;
	[tilespmem:$0x10800] =	vst v63  }
0xdf: {  	s26 =	simm.s32 $0x4000  }
0xe0: {  	[tilespmem:s26], [sflag:$0x1] =	stream.indirect_vreg.gather [hbm4b:s11+s2], $0x80, v2, vm0, $0xb8;
	[tilespmem:$0x10800] =	vst v63  }
0xe1: {  	_ = 	snop  }
0xe2: {  	[tilespmem:s1], [sflag:$0x1] =	stream.indirect_vreg.gather [hbm4b:s12+s2], $0x80, v2, vm0, $0xb8;
	[tilespmem:$0x10800] =	vst v63  }
0xe3: {  	_ = 	snop  }
0xe4: {  	[tilespmem:s20], [sflag:$0x1] =	stream.indirect_vreg.gather [hbm4b:s13+s2], $0x80, v2, vm0, $0xb8;
	[tilespmem:$0x10800] =	vst v63  }
0xe5: {  	_ = 	snop  }
0xe6: {  	[tilespmem:s22], [sflag:$0x1] =	stream.indirect_vreg.gather [hbm4b:s14+s2], $0x80, v2, vm0, $0xb8;
	[tilespmem:$0x10800] =	vst v63  }
0xe7: {  	_ = 	snop  }
0xe8: {  	[tilespmem:s28], [sflag:$0x1] =	stream.indirect_vreg.gather [hbm4b:s15+s2], $0x80, v2, vm0, $0xb8;
	[tilespmem:$0x10800] =	vst v63  }
0xe9: {  	_ = 	snop  }
0xea: {  	[tilespmem:s29], [sflag:$0x1] =	stream.indirect_vreg.gather [hbm4b:s16+s2], $0x80, v2, vm0, $0xb8;
	[tilespmem:$0x10800] =	vst v63  }
0xeb: {  	_ = 	snop  }
0xec: {  	[tilespmem:s30], [sflag:$0x1] =	stream.indirect_vreg.gather [hbm4b:s17+s2], $0x80, v2, vm0, $0xb8;
	[tilespmem:$0x10800] =	vst v63  }
0xed: {  	_ = 	snop  }
0xee: {  	[tilespmem:s31], [sflag:$0x1] =	stream.indirect_vreg.gather [hbm4b:s18+s2], $0x80, v2, vm0, $0xb8;
	[tilespmem:$0x10800] =	vst v63  }
0xef: {  	s28 =	simm.s32 $0x8000  }
0xf0: {  	[tilespmem:s28], [sflag:$0x1] =	stream.indirect_vreg.gather [hbm4b:s19+s2], $0x80, v2, vm0, $0xb8;
	[tilespmem:$0x10800] =	vst v63  }
0xf1: {  	_ =	swait.ge [sflag:s25], $0x8000  }
0xf2: {  	[sflag:s25] =	ssyncset.done $0x0  }
0xf3: {  	s30 =	simm.s32 $0x8800;
	s29 =	rddreg [dreg:$0x6];
	[sflag:s25] =	ssyncadd.s32 $0xFFFF8000  }
0xf4: {  	[hbm4b:s29+s24] =	stream.strided.scatter [tilespmem:s30], [sflag:$0x3], $0x8000, s23, s24, $0x38;
	[tilespmem:$0x10800] =	vst v63  }
0xf5: {  	_ =	swait.ge [sflag:s21], $0x8000  }
0xf6: {  	[sflag:s21] =	ssyncset.done $0x0  }
0xf7: {  	[sflag:s21] =	ssyncadd.s32 $0xFFFF8000  }
0xf8: {  	v2 =	vld.msk [tilespmem:$0x280], $0xf;
	_ =	sdelay $0x4  }
0xf9: {  	v3 =	vshll.u32 v2, $0x6  }
0xfa: {  	v2 =	vand.u32 $0x7, v2;
	v3 =	vand.u32 $0xFFFFFE00, v3  }
0xfb: {  	v2 =	vor.u32 v2, v3  }
0xfc: {  	v2 =	vperm.xlane v2, v0;
	_ =	sdelay $0x1  }
0xfd: {  	v2 =	vadd.s32 v1, v2;
	_ =	sdelay $0x4  }
0xfe: {  	[tilespmem:s30], [sflag:$0x2] =	stream.indirect_vreg.gather [hbm4b:s3+s2], $0x80, v2, vm0, $0xb8;
	[tilespmem:$0x10800] =	vst v63  }
0xff: {  	s1 =	simm.s32 $0x9000  }
0x100: {  	[tilespmem:s1], [sflag:$0x2] =	stream.indirect_vreg.gather [hbm4b:s5+s2], $0x80, v2, vm0, $0xb8;
	[tilespmem:$0x10800] =	vst v63  }
0x101: {  	s20 =	simm.s32 $0x9800  }
0x102: {  	[tilespmem:s20], [sflag:$0x2] =	stream.indirect_vreg.gather [hbm4b:s6+s2], $0x80, v2, vm0, $0xb8;
	[tilespmem:$0x10800] =	vst v63  }
0x103: {  	s22 =	simm.s32 $0xA000  }
0x104: {  	[tilespmem:s22], [sflag:$0x2] =	stream.indirect_vreg.gather [hbm4b:s7+s2], $0x80, v2, vm0, $0xb8;
	[tilespmem:$0x10800] =	vst v63  }
0x105: {  	s28 =	simm.s32 $0xA800  }
0x106: {  	[tilespmem:s28], [sflag:$0x2] =	stream.indirect_vreg.gather [hbm4b:s8+s2], $0x80, v2, vm0, $0xb8;
	[tilespmem:$0x10800] =	vst v63  }
0x107: {  	s29 =	simm.s32 $0xB000  }
0x108: {  	[tilespmem:s29], [sflag:$0x2] =	stream.indirect_vreg.gather [hbm4b:s9+s2], $0x80, v2, vm0, $0xb8;
	[tilespmem:$0x10800] =	vst v63  }
0x109: {  	s30 =	simm.s32 $0xB800  }
0x10a: {  	[tilespmem:s30], [sflag:$0x2] =	stream.indirect_vreg.gather [hbm4b:s10+s2], $0x80, v2, vm0, $0xb8;
	[tilespmem:$0x10800] =	vst v63  }
0x10b: {  	s31 =	simm.s32 $0xC000  }
0x10c: {  	[tilespmem:s31], [sflag:$0x2] =	stream.indirect_vreg.gather [hbm4b:s11+s2], $0x80, v2, vm0, $0xb8;
	[tilespmem:$0x10800] =	vst v63  }
0x10d: {  	s31 =	simm.s32 $0xC800  }
0x10e: {  	[tilespmem:s31], [sflag:$0x2] =	stream.indirect_vreg.gather [hbm4b:s12+s2], $0x80, v2, vm0, $0xb8;
	[tilespmem:$0x10800] =	vst v63  }
0x10f: {  	s26 =	simm.s32 $0xD000  }
0x110: {  	[tilespmem:s26], [sflag:$0x2] =	stream.indirect_vreg.gather [hbm4b:s13+s2], $0x80, v2, vm0, $0xb8;
	[tilespmem:$0x10800] =	vst v63  }
0x111: {  	s26 =	simm.s32 $0xD800  }
0x112: {  	[tilespmem:s26], [sflag:$0x2] =	stream.indirect_vreg.gather [hbm4b:s14+s2], $0x80, v2, vm0, $0xb8;
	[tilespmem:$0x10800] =	vst v63  }
0x113: {  	s26 =	simm.s32 $0xE000  }
0x114: {  	[tilespmem:s26], [sflag:$0x2] =	stream.indirect_vreg.gather [hbm4b:s15+s2], $0x80, v2, vm0, $0xb8;
	[tilespmem:$0x10800] =	vst v63  }
0x115: {  	s26 =	simm.s32 $0xE800  }
0x116: {  	[tilespmem:s26], [sflag:$0x2] =	stream.indirect_vreg.gather [hbm4b:s16+s2], $0x80, v2, vm0, $0xb8;
	[tilespmem:$0x10800] =	vst v63  }
0x117: {  	s26 =	simm.s32 $0xF000  }
0x118: {  	[tilespmem:s26], [sflag:$0x2] =	stream.indirect_vreg.gather [hbm4b:s17+s2], $0x80, v2, vm0, $0xb8;
	[tilespmem:$0x10800] =	vst v63  }
0x119: {  	s26 =	simm.s32 $0xF800  }
0x11a: {  	[tilespmem:s26], [sflag:$0x2] =	stream.indirect_vreg.gather [hbm4b:s18+s2], $0x80, v2, vm0, $0xb8;
	[tilespmem:$0x10800] =	vst v63  }
0x11b: {  	s26 =	simm.s32 $0x10000  }
0x11c: {  	[tilespmem:s26], [sflag:$0x2] =	stream.indirect_vreg.gather [hbm4b:s19+s2], $0x80, v2, vm0, $0xb8;
	[tilespmem:$0x10800] =	vst v63  }
0x11d: {  	_ =	swait.ge [sflag:s4], $0x8000  }
0x11e: {  	[sflag:s4] =	ssyncset.done $0x0  }
0x11f: {  	s0 =	simm.s32 $0x800;
	s26 =	rddreg [dreg:$0x7];
	[sflag:s4] =	ssyncadd.s32 $0xFFFF8000  }
0x120: {  	[hbm4b:s26+s24] =	stream.strided.scatter [tilespmem:s0], [sflag:$0x3], $0x8000, s23, s24, $0x38;
	[tilespmem:$0x10800] =	vst v63  }
0x121: {  	_ =	swait.ge [sflag:s21], $0x8000  }
0x122: {  	[sflag:s21] =	ssyncset.done $0x0  }
0x123: {  	[sflag:s21] =	ssyncadd.s32 $0xFFFF8000  }
0x124: {  	v2 =	vld.msk [tilespmem:$0x300], $0xf;
	_ =	sdelay $0x4  }
0x125: {  	v3 =	vshll.u32 v2, $0x6  }
0x126: {  	v2 =	vand.u32 $0x7, v2;
	v3 =	vand.u32 $0xFFFFFE00, v3  }
0x127: {  	v2 =	vor.u32 v2, v3  }
0x128: {  	v2 =	vperm.xlane v2, v0;
	_ =	sdelay $0x1  }
0x129: {  	v2 =	vadd.s32 v1, v2;
	_ =	sdelay $0x4  }
0x12a: {  	[tilespmem:s0], [sflag:$0x1] =	stream.indirect_vreg.gather [hbm4b:s3+s2], $0x80, v2, vm0, $0xb8;
	[tilespmem:$0x10800] =	vst v63  }
0x12b: {  	s26 =	simm.s32 $0x1000  }
0x12c: {  	[tilespmem:s26], [sflag:$0x1] =	stream.indirect_vreg.gather [hbm4b:s5+s2], $0x80, v2, vm0, $0xb8;
	[tilespmem:$0x10800] =	vst v63  }
0x12d: {  	s26 =	simm.s32 $0x1800  }
0x12e: {  	[tilespmem:s26], [sflag:$0x1] =	stream.indirect_vreg.gather [hbm4b:s6+s2], $0x80, v2, vm0, $0xb8;
	[tilespmem:$0x10800] =	vst v63  }
0x12f: {  	s26 =	simm.s32 $0x2000  }
0x130: {  	[tilespmem:s26], [sflag:$0x1] =	stream.indirect_vreg.gather [hbm4b:s7+s2], $0x80, v2, vm0, $0xb8;
	[tilespmem:$0x10800] =	vst v63  }
0x131: {  	s26 =	simm.s32 $0x2800  }
0x132: {  	[tilespmem:s26], [sflag:$0x1] =	stream.indirect_vreg.gather [hbm4b:s8+s2], $0x80, v2, vm0, $0xb8;
	[tilespmem:$0x10800] =	vst v63  }
0x133: {  	s26 =	simm.s32 $0x3000  }
0x134: {  	[tilespmem:s26], [sflag:$0x1] =	stream.indirect_vreg.gather [hbm4b:s9+s2], $0x80, v2, vm0, $0xb8;
	[tilespmem:$0x10800] =	vst v63  }
0x135: {  	s26 =	simm.s32 $0x3800  }
0x136: {  	[tilespmem:s26], [sflag:$0x1] =	stream.indirect_vreg.gather [hbm4b:s10+s2], $0x80, v2, vm0, $0xb8;
	[tilespmem:$0x10800] =	vst v63  }
0x137: {  	s26 =	simm.s32 $0x4000  }
0x138: {  	[tilespmem:s26], [sflag:$0x1] =	stream.indirect_vreg.gather [hbm4b:s11+s2], $0x80, v2, vm0, $0xb8;
	[tilespmem:$0x10800] =	vst v63  }
0x139: {  	s26 =	simm.s32 $0x4800  }
0x13a: {  	[tilespmem:s26], [sflag:$0x1] =	stream.indirect_vreg.gather [hbm4b:s12+s2], $0x80, v2, vm0, $0xb8;
	[tilespmem:$0x10800] =	vst v63  }
0x13b: {  	s26 =	simm.s32 $0x5000  }
0x13c: {  	[tilespmem:s26], [sflag:$0x1] =	stream.indirect_vreg.gather [hbm4b:s13+s2], $0x80, v2, vm0, $0xb8;
	[tilespmem:$0x10800] =	vst v63  }
0x13d: {  	s26 =	simm.s32 $0x5800  }
0x13e: {  	[tilespmem:s26], [sflag:$0x1] =	stream.indirect_vreg.gather [hbm4b:s14+s2], $0x80, v2, vm0, $0xb8;
	[tilespmem:$0x10800] =	vst v63  }
0x13f: {  	s26 =	simm.s32 $0x6000  }
0x140: {  	[tilespmem:s26], [sflag:$0x1] =	stream.indirect_vreg.gather [hbm4b:s15+s2], $0x80, v2, vm0, $0xb8;
	[tilespmem:$0x10800] =	vst v63  }
0x141: {  	s26 =	simm.s32 $0x6800  }
0x142: {  	[tilespmem:s26], [sflag:$0x1] =	stream.indirect_vreg.gather [hbm4b:s16+s2], $0x80, v2, vm0, $0xb8;
	[tilespmem:$0x10800] =	vst v63  }
0x143: {  	s26 =	simm.s32 $0x7000  }
0x144: {  	[tilespmem:s26], [sflag:$0x1] =	stream.indirect_vreg.gather [hbm4b:s17+s2], $0x80, v2, vm0, $0xb8;
	[tilespmem:$0x10800] =	vst v63  }
0x145: {  	s26 =	simm.s32 $0x7800  }
0x146: {  	[tilespmem:s26], [sflag:$0x1] =	stream.indirect_vreg.gather [hbm4b:s18+s2], $0x80, v2, vm0, $0xb8;
	[tilespmem:$0x10800] =	vst v63  }
0x147: {  	s26 =	simm.s32 $0x8000  }
0x148: {  	[tilespmem:s26], [sflag:$0x1] =	stream.indirect_vreg.gather [hbm4b:s19+s2], $0x80, v2, vm0, $0xb8;
	[tilespmem:$0x10800] =	vst v63  }
0x149: {  	_ =	swait.ge [sflag:s25], $0x8000  }
0x14a: {  	[sflag:s25] =	ssyncset.done $0x0  }
0x14b: {  	s0 =	simm.s32 $0x8800;
	s26 =	rddreg [dreg:$0x8];
	[sflag:s25] =	ssyncadd.s32 $0xFFFF8000  }
0x14c: {  	[hbm4b:s26+s24] =	stream.strided.scatter [tilespmem:s0], [sflag:$0x3], $0x8000, s23, s24, $0x38;
	[tilespmem:$0x10800] =	vst v63  }
0x14d: {  	_ =	swait.ge [sflag:s21], $0x8000  }
0x14e: {  	[sflag:s21] =	ssyncset.done $0x0  }
0x14f: {  	[sflag:s21] =	ssyncadd.s32 $0xFFFF8000  }
0x150: {  	v2 =	vld.msk [tilespmem:$0x380], $0xf;
	_ =	sdelay $0x4  }
0x151: {  	v3 =	vshll.u32 v2, $0x6  }
0x152: {  	v2 =	vand.u32 $0x7, v2;
	v3 =	vand.u32 $0xFFFFFE00, v3  }
0x153: {  	v2 =	vor.u32 v2, v3  }
0x154: {  	v2 =	vperm.xlane v2, v0;
	_ =	sdelay $0x1  }
0x155: {  	v2 =	vadd.s32 v1, v2;
	_ =	sdelay $0x4  }
0x156: {  	[tilespmem:s0], [sflag:$0x2] =	stream.indirect_vreg.gather [hbm4b:s3+s2], $0x80, v2, vm0, $0xb8;
	[tilespmem:$0x10800] =	vst v63  }
0x157: {  	_ = 	snop  }
0x158: {  	[tilespmem:s1], [sflag:$0x2] =	stream.indirect_vreg.gather [hbm4b:s5+s2], $0x80, v2, vm0, $0xb8;
	[tilespmem:$0x10800] =	vst v63  }
0x159: {  	_ = 	snop  }
0x15a: {  	[tilespmem:s20], [sflag:$0x2] =	stream.indirect_vreg.gather [hbm4b:s6+s2], $0x80, v2, vm0, $0xb8;
	[tilespmem:$0x10800] =	vst v63  }
0x15b: {  	_ = 	snop  }
0x15c: {  	[tilespmem:s22], [sflag:$0x2] =	stream.indirect_vreg.gather [hbm4b:s7+s2], $0x80, v2, vm0, $0xb8;
	[tilespmem:$0x10800] =	vst v63  }
0x15d: {  	_ = 	snop  }
0x15e: {  	[tilespmem:s28], [sflag:$0x2] =	stream.indirect_vreg.gather [hbm4b:s8+s2], $0x80, v2, vm0, $0xb8;
	[tilespmem:$0x10800] =	vst v63  }
0x15f: {  	_ = 	snop  }
0x160: {  	[tilespmem:s29], [sflag:$0x2] =	stream.indirect_vreg.gather [hbm4b:s9+s2], $0x80, v2, vm0, $0xb8;
	[tilespmem:$0x10800] =	vst v63  }
0x161: {  	_ = 	snop  }
0x162: {  	[tilespmem:s30], [sflag:$0x2] =	stream.indirect_vreg.gather [hbm4b:s10+s2], $0x80, v2, vm0, $0xb8;
	[tilespmem:$0x10800] =	vst v63  }
0x163: {  	s1 =	simm.s32 $0xC000  }
0x164: {  	[tilespmem:s1], [sflag:$0x2] =	stream.indirect_vreg.gather [hbm4b:s11+s2], $0x80, v2, vm0, $0xb8;
	[tilespmem:$0x10800] =	vst v63  }
0x165: {  	_ = 	snop  }
0x166: {  	[tilespmem:s31], [sflag:$0x2] =	stream.indirect_vreg.gather [hbm4b:s12+s2], $0x80, v2, vm0, $0xb8;
	[tilespmem:$0x10800] =	vst v63  }
0x167: {  	s20 =	simm.s32 $0xD000  }
0x168: {  	[tilespmem:s20], [sflag:$0x2] =	stream.indirect_vreg.gather [hbm4b:s13+s2], $0x80, v2, vm0, $0xb8;
	[tilespmem:$0x10800] =	vst v63  }
0x169: {  	s22 =	simm.s32 $0xD800  }
0x16a: {  	[tilespmem:s22], [sflag:$0x2] =	stream.indirect_vreg.gather [hbm4b:s14+s2], $0x80, v2, vm0, $0xb8;
	[tilespmem:$0x10800] =	vst v63  }
0x16b: {  	s26 =	simm.s32 $0xE000  }
0x16c: {  	[tilespmem:s26], [sflag:$0x2] =	stream.indirect_vreg.gather [hbm4b:s15+s2], $0x80, v2, vm0, $0xb8;
	[tilespmem:$0x10800] =	vst v63  }
0x16d: {  	s28 =	simm.s32 $0xE800  }
0x16e: {  	[tilespmem:s28], [sflag:$0x2] =	stream.indirect_vreg.gather [hbm4b:s16+s2], $0x80, v2, vm0, $0xb8;
	[tilespmem:$0x10800] =	vst v63  }
0x16f: {  	s29 =	simm.s32 $0xF000  }
0x170: {  	[tilespmem:s29], [sflag:$0x2] =	stream.indirect_vreg.gather [hbm4b:s17+s2], $0x80, v2, vm0, $0xb8;
	[tilespmem:$0x10800] =	vst v63  }
0x171: {  	s30 =	simm.s32 $0xF800  }
0x172: {  	[tilespmem:s30], [sflag:$0x2] =	stream.indirect_vreg.gather [hbm4b:s18+s2], $0x80, v2, vm0, $0xb8;
	[tilespmem:$0x10800] =	vst v63  }
0x173: {  	s31 =	simm.s32 $0x10000  }
0x174: {  	[tilespmem:s31], [sflag:$0x2] =	stream.indirect_vreg.gather [hbm4b:s19+s2], $0x80, v2, vm0, $0xb8;
	[tilespmem:$0x10800] =	vst v63  }
0x175: {  	_ =	swait.ge [sflag:s4], $0x8000  }
0x176: {  	[sflag:s4] =	ssyncset.done $0x0  }
0x177: {  	s1 =	simm.s32 $0x800;
	s0 =	rddreg [dreg:$0x9];
	[sflag:s4] =	ssyncadd.s32 $0xFFFF8000  }
0x178: {  	[hbm4b:s0+s24] =	stream.strided.scatter [tilespmem:s1], [sflag:$0x3], $0x8000, s23, s24, $0x38;
	[tilespmem:$0x10800] =	vst v63  }
0x179: {  	_ =	swait.ge [sflag:s21], $0x8000  }
0x17a: {  	[sflag:s21] =	ssyncset.done $0x0  }
0x17b: {  	[sflag:s21] =	ssyncadd.s32 $0xFFFF8000  }
0x17c: {  	v2 =	vld.msk [tilespmem:$0x400], $0xf;
	_ =	sdelay $0x4  }
0x17d: {  	v3 =	vshll.u32 v2, $0x6  }
0x17e: {  	v2 =	vand.u32 $0x7, v2;
	v3 =	vand.u32 $0xFFFFFE00, v3  }
0x17f: {  	v2 =	vor.u32 v2, v3  }
0x180: {  	v2 =	vperm.xlane v2, v0;
	_ =	sdelay $0x1  }
0x181: {  	v2 =	vadd.s32 v1, v2;
	_ =	sdelay $0x4  }
0x182: {  	[tilespmem:s1], [sflag:$0x1] =	stream.indirect_vreg.gather [hbm4b:s3+s2], $0x80, v2, vm0, $0xb8;
	[tilespmem:$0x10800] =	vst v63  }
0x183: {  	s20 =	simm.s32 $0x1000  }
0x184: {  	[tilespmem:s20], [sflag:$0x1] =	stream.indirect_vreg.gather [hbm4b:s5+s2], $0x80, v2, vm0, $0xb8;
	[tilespmem:$0x10800] =	vst v63  }
0x185: {  	s22 =	simm.s32 $0x1800  }
0x186: {  	[tilespmem:s22], [sflag:$0x1] =	stream.indirect_vreg.gather [hbm4b:s6+s2], $0x80, v2, vm0, $0xb8;
	[tilespmem:$0x10800] =	vst v63  }
0x187: {  	s20 =	simm.s32 $0x2000  }
0x188: {  	[tilespmem:s20], [sflag:$0x1] =	stream.indirect_vreg.gather [hbm4b:s7+s2], $0x80, v2, vm0, $0xb8;
	[tilespmem:$0x10800] =	vst v63  }
0x189: {  	s22 =	simm.s32 $0x2800  }
0x18a: {  	[tilespmem:s22], [sflag:$0x1] =	stream.indirect_vreg.gather [hbm4b:s8+s2], $0x80, v2, vm0, $0xb8;
	[tilespmem:$0x10800] =	vst v63  }
0x18b: {  	s28 =	simm.s32 $0x3000  }
0x18c: {  	[tilespmem:s28], [sflag:$0x1] =	stream.indirect_vreg.gather [hbm4b:s9+s2], $0x80, v2, vm0, $0xb8;
	[tilespmem:$0x10800] =	vst v63  }
0x18d: {  	s29 =	simm.s32 $0x3800  }
0x18e: {  	[tilespmem:s29], [sflag:$0x1] =	stream.indirect_vreg.gather [hbm4b:s10+s2], $0x80, v2, vm0, $0xb8;
	[tilespmem:$0x10800] =	vst v63  }
0x18f: {  	s30 =	simm.s32 $0x4000  }
0x190: {  	[tilespmem:s30], [sflag:$0x1] =	stream.indirect_vreg.gather [hbm4b:s11+s2], $0x80, v2, vm0, $0xb8;
	[tilespmem:$0x10800] =	vst v63  }
0x191: {  	s31 =	simm.s32 $0x4800  }
0x192: {  	[tilespmem:s31], [sflag:$0x1] =	stream.indirect_vreg.gather [hbm4b:s12+s2], $0x80, v2, vm0, $0xb8;
	[tilespmem:$0x10800] =	vst v63  }
0x193: {  	s26 =	simm.s32 $0x5000  }
0x194: {  	[tilespmem:s26], [sflag:$0x1] =	stream.indirect_vreg.gather [hbm4b:s13+s2], $0x80, v2, vm0, $0xb8;
	[tilespmem:$0x10800] =	vst v63  }
0x195: {  	s1 =	simm.s32 $0x5800  }
0x196: {  	[tilespmem:s1], [sflag:$0x1] =	stream.indirect_vreg.gather [hbm4b:s14+s2], $0x80, v2, vm0, $0xb8;
	[tilespmem:$0x10800] =	vst v63  }
0x197: {  	s26 =	simm.s32 $0x6000  }
0x198: {  	[tilespmem:s26], [sflag:$0x1] =	stream.indirect_vreg.gather [hbm4b:s15+s2], $0x80, v2, vm0, $0xb8;
	[tilespmem:$0x10800] =	vst v63  }
0x199: {  	s1 =	simm.s32 $0x6800  }
0x19a: {  	[tilespmem:s1], [sflag:$0x1] =	stream.indirect_vreg.gather [hbm4b:s16+s2], $0x80, v2, vm0, $0xb8;
	[tilespmem:$0x10800] =	vst v63  }
0x19b: {  	s26 =	simm.s32 $0x7000  }
0x19c: {  	[tilespmem:s26], [sflag:$0x1] =	stream.indirect_vreg.gather [hbm4b:s17+s2], $0x80, v2, vm0, $0xb8;
	[tilespmem:$0x10800] =	vst v63  }
0x19d: {  	s1 =	simm.s32 $0x7800  }
0x19e: {  	[tilespmem:s1], [sflag:$0x1] =	stream.indirect_vreg.gather [hbm4b:s18+s2], $0x80, v2, vm0, $0xb8;
	[tilespmem:$0x10800] =	vst v63  }
0x19f: {  	s26 =	simm.s32 $0x8000  }
0x1a0: {  	[tilespmem:s26], [sflag:$0x1] =	stream.indirect_vreg.gather [hbm4b:s19+s2], $0x80, v2, vm0, $0xb8;
	[tilespmem:$0x10800] =	vst v63  }
0x1a1: {  	_ =	swait.ge [sflag:s25], $0x8000  }
0x1a2: {  	[sflag:s25] =	ssyncset.done $0x0  }
0x1a3: {  	s1 =	simm.s32 $0x8800;
	s0 =	rddreg [dreg:$0xa];
	[sflag:s25] =	ssyncadd.s32 $0xFFFF8000  }
0x1a4: {  	[hbm4b:s0+s24] =	stream.strided.scatter [tilespmem:s1], [sflag:$0x3], $0x8000, s23, s24, $0x38;
	[tilespmem:$0x10800] =	vst v63  }
0x1a5: {  	_ =	swait.ge [sflag:s21], $0x8000  }
0x1a6: {  	[sflag:s21] =	ssyncset.done $0x0  }
0x1a7: {  	[sflag:s21] =	ssyncadd.s32 $0xFFFF8000  }
0x1a8: {  	v2 =	vld.msk [tilespmem:$0x480], $0xf;
	_ =	sdelay $0x4  }
0x1a9: {  	v3 =	vshll.u32 v2, $0x6  }
0x1aa: {  	v2 =	vand.u32 $0x7, v2;
	v3 =	vand.u32 $0xFFFFFE00, v3  }
0x1ab: {  	v2 =	vor.u32 v2, v3  }
0x1ac: {  	v2 =	vperm.xlane v2, v0;
	_ =	sdelay $0x1  }
0x1ad: {  	v2 =	vadd.s32 v1, v2;
	_ =	sdelay $0x4  }
0x1ae: {  	[tilespmem:s1], [sflag:$0x2] =	stream.indirect_vreg.gather [hbm4b:s3+s2], $0x80, v2, vm0, $0xb8;
	[tilespmem:$0x10800] =	vst v63  }
0x1af: {  	s1 =	simm.s32 $0x9000  }
0x1b0: {  	[tilespmem:s1], [sflag:$0x2] =	stream.indirect_vreg.gather [hbm4b:s5+s2], $0x80, v2, vm0, $0xb8;
	[tilespmem:$0x10800] =	vst v63  }
0x1b1: {  	s26 =	simm.s32 $0x9800  }
0x1b2: {  	[tilespmem:s26], [sflag:$0x2] =	stream.indirect_vreg.gather [hbm4b:s6+s2], $0x80, v2, vm0, $0xb8;
	[tilespmem:$0x10800] =	vst v63  }
0x1b3: {  	s26 =	simm.s32 $0xA000  }
0x1b4: {  	[tilespmem:s26], [sflag:$0x2] =	stream.indirect_vreg.gather [hbm4b:s7+s2], $0x80, v2, vm0, $0xb8;
	[tilespmem:$0x10800] =	vst v63  }
0x1b5: {  	s26 =	simm.s32 $0xA800  }
0x1b6: {  	[tilespmem:s26], [sflag:$0x2] =	stream.indirect_vreg.gather [hbm4b:s8+s2], $0x80, v2, vm0, $0xb8;
	[tilespmem:$0x10800] =	vst v63  }
0x1b7: {  	s26 =	simm.s32 $0xB000  }
0x1b8: {  	[tilespmem:s26], [sflag:$0x2] =	stream.indirect_vreg.gather [hbm4b:s9+s2], $0x80, v2, vm0, $0xb8;
	[tilespmem:$0x10800] =	vst v63  }
0x1b9: {  	s26 =	simm.s32 $0xB800  }
0x1ba: {  	[tilespmem:s26], [sflag:$0x2] =	stream.indirect_vreg.gather [hbm4b:s10+s2], $0x80, v2, vm0, $0xb8;
	[tilespmem:$0x10800] =	vst v63  }
0x1bb: {  	s26 =	simm.s32 $0xC000  }
0x1bc: {  	[tilespmem:s26], [sflag:$0x2] =	stream.indirect_vreg.gather [hbm4b:s11+s2], $0x80, v2, vm0, $0xb8;
	[tilespmem:$0x10800] =	vst v63  }
0x1bd: {  	s26 =	simm.s32 $0xC800  }
0x1be: {  	[tilespmem:s26], [sflag:$0x2] =	stream.indirect_vreg.gather [hbm4b:s12+s2], $0x80, v2, vm0, $0xb8;
	[tilespmem:$0x10800] =	vst v63  }
0x1bf: {  	s26 =	simm.s32 $0xD000  }
0x1c0: {  	[tilespmem:s26], [sflag:$0x2] =	stream.indirect_vreg.gather [hbm4b:s13+s2], $0x80, v2, vm0, $0xb8;
	[tilespmem:$0x10800] =	vst v63  }
0x1c1: {  	s26 =	simm.s32 $0xD800  }
0x1c2: {  	[tilespmem:s26], [sflag:$0x2] =	stream.indirect_vreg.gather [hbm4b:s14+s2], $0x80, v2, vm0, $0xb8;
	[tilespmem:$0x10800] =	vst v63  }
0x1c3: {  	s26 =	simm.s32 $0xE000  }
0x1c4: {  	[tilespmem:s26], [sflag:$0x2] =	stream.indirect_vreg.gather [hbm4b:s15+s2], $0x80, v2, vm0, $0xb8;
	[tilespmem:$0x10800] =	vst v63  }
0x1c5: {  	s26 =	simm.s32 $0xE800  }
0x1c6: {  	[tilespmem:s26], [sflag:$0x2] =	stream.indirect_vreg.gather [hbm4b:s16+s2], $0x80, v2, vm0, $0xb8;
	[tilespmem:$0x10800] =	vst v63  }
0x1c7: {  	s26 =	simm.s32 $0xF000  }
0x1c8: {  	[tilespmem:s26], [sflag:$0x2] =	stream.indirect_vreg.gather [hbm4b:s17+s2], $0x80, v2, vm0, $0xb8;
	[tilespmem:$0x10800] =	vst v63  }
0x1c9: {  	s26 =	simm.s32 $0xF800  }
0x1ca: {  	[tilespmem:s26], [sflag:$0x2] =	stream.indirect_vreg.gather [hbm4b:s18+s2], $0x80, v2, vm0, $0xb8;
	[tilespmem:$0x10800] =	vst v63  }
0x1cb: {  	s26 =	simm.s32 $0x10000  }
0x1cc: {  	[tilespmem:s26], [sflag:$0x2] =	stream.indirect_vreg.gather [hbm4b:s19+s2], $0x80, v2, vm0, $0xb8;
	[tilespmem:$0x10800] =	vst v63  }
0x1cd: {  	_ =	swait.ge [sflag:s4], $0x8000  }
0x1ce: {  	[sflag:s4] =	ssyncset.done $0x0  }
0x1cf: {  	s0 =	simm.s32 $0x800;
	s26 =	rddreg [dreg:$0xb];
	[sflag:s4] =	ssyncadd.s32 $0xFFFF8000  }
0x1d0: {  	[hbm4b:s26+s24] =	stream.strided.scatter [tilespmem:s0], [sflag:$0x3], $0x8000, s23, s24, $0x38;
	[tilespmem:$0x10800] =	vst v63  }
0x1d1: {  	_ =	swait.ge [sflag:s21], $0x8000  }
0x1d2: {  	[sflag:s21] =	ssyncset.done $0x0  }
0x1d3: {  	[sflag:s21] =	ssyncadd.s32 $0xFFFF8000  }
0x1d4: {  	v2 =	vld.msk [tilespmem:$0x500], $0xf;
	_ =	sdelay $0x4  }
0x1d5: {  	v3 =	vshll.u32 v2, $0x6  }
0x1d6: {  	v2 =	vand.u32 $0x7, v2;
	v3 =	vand.u32 $0xFFFFFE00, v3  }
0x1d7: {  	v2 =	vor.u32 v2, v3  }
0x1d8: {  	v2 =	vperm.xlane v2, v0;
	_ =	sdelay $0x1  }
0x1d9: {  	v2 =	vadd.s32 v1, v2;
	_ =	sdelay $0x4  }
0x1da: {  	[tilespmem:s0], [sflag:$0x1] =	stream.indirect_vreg.gather [hbm4b:s3+s2], $0x80, v2, vm0, $0xb8;
	[tilespmem:$0x10800] =	vst v63  }
0x1db: {  	s26 =	simm.s32 $0x1000  }
0x1dc: {  	[tilespmem:s26], [sflag:$0x1] =	stream.indirect_vreg.gather [hbm4b:s5+s2], $0x80, v2, vm0, $0xb8;
	[tilespmem:$0x10800] =	vst v63  }
0x1dd: {  	s26 =	simm.s32 $0x1800  }
0x1de: {  	[tilespmem:s26], [sflag:$0x1] =	stream.indirect_vreg.gather [hbm4b:s6+s2], $0x80, v2, vm0, $0xb8;
	[tilespmem:$0x10800] =	vst v63  }
0x1df: {  	_ = 	snop  }
0x1e0: {  	[tilespmem:s20], [sflag:$0x1] =	stream.indirect_vreg.gather [hbm4b:s7+s2], $0x80, v2, vm0, $0xb8;
	[tilespmem:$0x10800] =	vst v63  }
0x1e1: {  	_ = 	snop  }
0x1e2: {  	[tilespmem:s22], [sflag:$0x1] =	stream.indirect_vreg.gather [hbm4b:s8+s2], $0x80, v2, vm0, $0xb8;
	[tilespmem:$0x10800] =	vst v63  }
0x1e3: {  	_ = 	snop  }
0x1e4: {  	[tilespmem:s28], [sflag:$0x1] =	stream.indirect_vreg.gather [hbm4b:s9+s2], $0x80, v2, vm0, $0xb8;
	[tilespmem:$0x10800] =	vst v63  }
0x1e5: {  	_ = 	snop  }
0x1e6: {  	[tilespmem:s29], [sflag:$0x1] =	stream.indirect_vreg.gather [hbm4b:s10+s2], $0x80, v2, vm0, $0xb8;
	[tilespmem:$0x10800] =	vst v63  }
0x1e7: {  	_ = 	snop  }
0x1e8: {  	[tilespmem:s30], [sflag:$0x1] =	stream.indirect_vreg.gather [hbm4b:s11+s2], $0x80, v2, vm0, $0xb8;
	[tilespmem:$0x10800] =	vst v63  }
0x1e9: {  	_ = 	snop  }
0x1ea: {  	[tilespmem:s31], [sflag:$0x1] =	stream.indirect_vreg.gather [hbm4b:s12+s2], $0x80, v2, vm0, $0xb8;
	[tilespmem:$0x10800] =	vst v63  }
0x1eb: {  	s30 =	simm.s32 $0x5000  }
0x1ec: {  	[tilespmem:s30], [sflag:$0x1] =	stream.indirect_vreg.gather [hbm4b:s13+s2], $0x80, v2, vm0, $0xb8;
	[tilespmem:$0x10800] =	vst v63  }
0x1ed: {  	s31 =	simm.s32 $0x5800  }
0x1ee: {  	[tilespmem:s31], [sflag:$0x1] =	stream.indirect_vreg.gather [hbm4b:s14+s2], $0x80, v2, vm0, $0xb8;
	[tilespmem:$0x10800] =	vst v63  }
0x1ef: {  	s20 =	simm.s32 $0x6000  }
0x1f0: {  	[tilespmem:s20], [sflag:$0x1] =	stream.indirect_vreg.gather [hbm4b:s15+s2], $0x80, v2, vm0, $0xb8;
	[tilespmem:$0x10800] =	vst v63  }
0x1f1: {  	s22 =	simm.s32 $0x6800  }
0x1f2: {  	[tilespmem:s22], [sflag:$0x1] =	stream.indirect_vreg.gather [hbm4b:s16+s2], $0x80, v2, vm0, $0xb8;
	[tilespmem:$0x10800] =	vst v63  }
0x1f3: {  	s26 =	simm.s32 $0x7000  }
0x1f4: {  	[tilespmem:s26], [sflag:$0x1] =	stream.indirect_vreg.gather [hbm4b:s17+s2], $0x80, v2, vm0, $0xb8;
	[tilespmem:$0x10800] =	vst v63  }
0x1f5: {  	s28 =	simm.s32 $0x7800  }
0x1f6: {  	[tilespmem:s28], [sflag:$0x1] =	stream.indirect_vreg.gather [hbm4b:s18+s2], $0x80, v2, vm0, $0xb8;
	[tilespmem:$0x10800] =	vst v63  }
0x1f7: {  	s29 =	simm.s32 $0x8000  }
0x1f8: {  	[tilespmem:s29], [sflag:$0x1] =	stream.indirect_vreg.gather [hbm4b:s19+s2], $0x80, v2, vm0, $0xb8;
	[tilespmem:$0x10800] =	vst v63  }
0x1f9: {  	_ =	swait.ge [sflag:s25], $0x8000  }
0x1fa: {  	[sflag:s25] =	ssyncset.done $0x0  }
0x1fb: {  	s31 =	simm.s32 $0x8800;
	s30 =	rddreg [dreg:$0xc];
	[sflag:s25] =	ssyncadd.s32 $0xFFFF8000  }
0x1fc: {  	[hbm4b:s30+s24] =	stream.strided.scatter [tilespmem:s31], [sflag:$0x3], $0x8000, s23, s24, $0x38;
	[tilespmem:$0x10800] =	vst v63  }
0x1fd: {  	_ =	swait.ge [sflag:s21], $0x8000  }
0x1fe: {  	[sflag:s21] =	ssyncset.done $0x0  }
0x1ff: {  	[sflag:s21] =	ssyncadd.s32 $0xFFFF8000  }
0x200: {  	v2 =	vld.msk [tilespmem:$0x580], $0xf;
	_ =	sdelay $0x4  }
0x201: {  	v3 =	vshll.u32 v2, $0x6  }
0x202: {  	v2 =	vand.u32 $0x7, v2;
	v3 =	vand.u32 $0xFFFFFE00, v3  }
0x203: {  	v2 =	vor.u32 v2, v3  }
0x204: {  	v2 =	vperm.xlane v2, v0;
	_ =	sdelay $0x1  }
0x205: {  	v2 =	vadd.s32 v1, v2;
	_ =	sdelay $0x4  }
0x206: {  	[tilespmem:s31], [sflag:$0x2] =	stream.indirect_vreg.gather [hbm4b:s3+s2], $0x80, v2, vm0, $0xb8;
	[tilespmem:$0x10800] =	vst v63  }
0x207: {  	_ = 	snop  }
0x208: {  	[tilespmem:s1], [sflag:$0x2] =	stream.indirect_vreg.gather [hbm4b:s5+s2], $0x80, v2, vm0, $0xb8;
	[tilespmem:$0x10800] =	vst v63  }
0x209: {  	s1 =	simm.s32 $0x9800  }
0x20a: {  	[tilespmem:s1], [sflag:$0x2] =	stream.indirect_vreg.gather [hbm4b:s6+s2], $0x80, v2, vm0, $0xb8;
	[tilespmem:$0x10800] =	vst v63  }
0x20b: {  	s22 =	simm.s32 $0xA000  }
0x20c: {  	[tilespmem:s22], [sflag:$0x2] =	stream.indirect_vreg.gather [hbm4b:s7+s2], $0x80, v2, vm0, $0xb8;
	[tilespmem:$0x10800] =	vst v63  }
0x20d: {  	s26 =	simm.s32 $0xA800  }
0x20e: {  	[tilespmem:s26], [sflag:$0x2] =	stream.indirect_vreg.gather [hbm4b:s8+s2], $0x80, v2, vm0, $0xb8;
	[tilespmem:$0x10800] =	vst v63  }
0x20f: {  	s28 =	simm.s32 $0xB000  }
0x210: {  	[tilespmem:s28], [sflag:$0x2] =	stream.indirect_vreg.gather [hbm4b:s9+s2], $0x80, v2, vm0, $0xb8;
	[tilespmem:$0x10800] =	vst v63  }
0x211: {  	s29 =	simm.s32 $0xB800  }
0x212: {  	[tilespmem:s29], [sflag:$0x2] =	stream.indirect_vreg.gather [hbm4b:s10+s2], $0x80, v2, vm0, $0xb8;
	[tilespmem:$0x10800] =	vst v63  }
0x213: {  	s30 =	simm.s32 $0xC000  }
0x214: {  	[tilespmem:s30], [sflag:$0x2] =	stream.indirect_vreg.gather [hbm4b:s11+s2], $0x80, v2, vm0, $0xb8;
	[tilespmem:$0x10800] =	vst v63  }
0x215: {  	s31 =	simm.s32 $0xC800  }
0x216: {  	[tilespmem:s31], [sflag:$0x2] =	stream.indirect_vreg.gather [hbm4b:s12+s2], $0x80, v2, vm0, $0xb8;
	[tilespmem:$0x10800] =	vst v63  }
0x217: {  	s1 =	simm.s32 $0xD000  }
0x218: {  	[tilespmem:s1], [sflag:$0x2] =	stream.indirect_vreg.gather [hbm4b:s13+s2], $0x80, v2, vm0, $0xb8;
	[tilespmem:$0x10800] =	vst v63  }
0x219: {  	s22 =	simm.s32 $0xD800  }
0x21a: {  	[tilespmem:s22], [sflag:$0x2] =	stream.indirect_vreg.gather [hbm4b:s14+s2], $0x80, v2, vm0, $0xb8;
	[tilespmem:$0x10800] =	vst v63  }
0x21b: {  	s26 =	simm.s32 $0xE000  }
0x21c: {  	[tilespmem:s26], [sflag:$0x2] =	stream.indirect_vreg.gather [hbm4b:s15+s2], $0x80, v2, vm0, $0xb8;
	[tilespmem:$0x10800] =	vst v63  }
0x21d: {  	s28 =	simm.s32 $0xE800  }
0x21e: {  	[tilespmem:s28], [sflag:$0x2] =	stream.indirect_vreg.gather [hbm4b:s16+s2], $0x80, v2, vm0, $0xb8;
	[tilespmem:$0x10800] =	vst v63  }
0x21f: {  	s29 =	simm.s32 $0xF000  }
0x220: {  	[tilespmem:s29], [sflag:$0x2] =	stream.indirect_vreg.gather [hbm4b:s17+s2], $0x80, v2, vm0, $0xb8;
	[tilespmem:$0x10800] =	vst v63  }
0x221: {  	s30 =	simm.s32 $0xF800  }
0x222: {  	[tilespmem:s30], [sflag:$0x2] =	stream.indirect_vreg.gather [hbm4b:s18+s2], $0x80, v2, vm0, $0xb8;
	[tilespmem:$0x10800] =	vst v63  }
0x223: {  	s31 =	simm.s32 $0x10000  }
0x224: {  	[tilespmem:s31], [sflag:$0x2] =	stream.indirect_vreg.gather [hbm4b:s19+s2], $0x80, v2, vm0, $0xb8;
	[tilespmem:$0x10800] =	vst v63  }
0x225: {  	_ =	swait.ge [sflag:s4], $0x8000  }
0x226: {  	[sflag:s4] =	ssyncset.done $0x0  }
0x227: {  	s1 =	simm.s32 $0x800;
	s0 =	rddreg [dreg:$0xd];
	[sflag:s4] =	ssyncadd.s32 $0xFFFF8000  }
0x228: {  	[hbm4b:s0+s24] =	stream.strided.scatter [tilespmem:s1], [sflag:$0x3], $0x8000, s23, s24, $0x38;
	[tilespmem:$0x10800] =	vst v63  }
0x229: {  	_ =	swait.ge [sflag:s21], $0x8000  }
0x22a: {  	[sflag:s21] =	ssyncset.done $0x0  }
0x22b: {  	[sflag:s21] =	ssyncadd.s32 $0xFFFF8000  }
0x22c: {  	v2 =	vld.msk [tilespmem:$0x600], $0xf;
	_ =	sdelay $0x4  }
0x22d: {  	v3 =	vshll.u32 v2, $0x6  }
0x22e: {  	v2 =	vand.u32 $0x7, v2;
	v3 =	vand.u32 $0xFFFFFE00, v3  }
0x22f: {  	v2 =	vor.u32 v2, v3  }
0x230: {  	v2 =	vperm.xlane v2, v0;
	_ =	sdelay $0x1  }
0x231: {  	v2 =	vadd.s32 v1, v2;
	_ =	sdelay $0x4  }
0x232: {  	[tilespmem:s1], [sflag:$0x1] =	stream.indirect_vreg.gather [hbm4b:s3+s2], $0x80, v2, vm0, $0xb8;
	[tilespmem:$0x10800] =	vst v63  }
0x233: {  	s0 =	simm.s32 $0x1000  }
0x234: {  	[tilespmem:s0], [sflag:$0x1] =	stream.indirect_vreg.gather [hbm4b:s5+s2], $0x80, v2, vm0, $0xb8;
	[tilespmem:$0x10800] =	vst v63  }
0x235: {  	s22 =	simm.s32 $0x1800  }
0x236: {  	[tilespmem:s22], [sflag:$0x1] =	stream.indirect_vreg.gather [hbm4b:s6+s2], $0x80, v2, vm0, $0xb8;
	[tilespmem:$0x10800] =	vst v63  }
0x237: {  	s28 =	simm.s32 $0x2000  }
0x238: {  	[tilespmem:s28], [sflag:$0x1] =	stream.indirect_vreg.gather [hbm4b:s7+s2], $0x80, v2, vm0, $0xb8;
	[tilespmem:$0x10800] =	vst v63  }
0x239: {  	s29 =	simm.s32 $0x2800  }
0x23a: {  	[tilespmem:s29], [sflag:$0x1] =	stream.indirect_vreg.gather [hbm4b:s8+s2], $0x80, v2, vm0, $0xb8;
	[tilespmem:$0x10800] =	vst v63  }
0x23b: {  	s30 =	simm.s32 $0x3000  }
0x23c: {  	[tilespmem:s30], [sflag:$0x1] =	stream.indirect_vreg.gather [hbm4b:s9+s2], $0x80, v2, vm0, $0xb8;
	[tilespmem:$0x10800] =	vst v63  }
0x23d: {  	s31 =	simm.s32 $0x3800  }
0x23e: {  	[tilespmem:s31], [sflag:$0x1] =	stream.indirect_vreg.gather [hbm4b:s10+s2], $0x80, v2, vm0, $0xb8;
	[tilespmem:$0x10800] =	vst v63  }
0x23f: {  	s26 =	simm.s32 $0x4000  }
0x240: {  	[tilespmem:s26], [sflag:$0x1] =	stream.indirect_vreg.gather [hbm4b:s11+s2], $0x80, v2, vm0, $0xb8;
	[tilespmem:$0x10800] =	vst v63  }
0x241: {  	s26 =	simm.s32 $0x4800  }
0x242: {  	[tilespmem:s26], [sflag:$0x1] =	stream.indirect_vreg.gather [hbm4b:s12+s2], $0x80, v2, vm0, $0xb8;
	[tilespmem:$0x10800] =	vst v63  }
0x243: {  	s26 =	simm.s32 $0x5000  }
0x244: {  	[tilespmem:s26], [sflag:$0x1] =	stream.indirect_vreg.gather [hbm4b:s13+s2], $0x80, v2, vm0, $0xb8;
	[tilespmem:$0x10800] =	vst v63  }
0x245: {  	s26 =	simm.s32 $0x5800  }
0x246: {  	[tilespmem:s26], [sflag:$0x1] =	stream.indirect_vreg.gather [hbm4b:s14+s2], $0x80, v2, vm0, $0xb8;
	[tilespmem:$0x10800] =	vst v63  }
0x247: {  	s26 =	simm.s32 $0x6000  }
0x248: {  	[tilespmem:s26], [sflag:$0x1] =	stream.indirect_vreg.gather [hbm4b:s15+s2], $0x80, v2, vm0, $0xb8;
	[tilespmem:$0x10800] =	vst v63  }
0x249: {  	s26 =	simm.s32 $0x6800  }
0x24a: {  	[tilespmem:s26], [sflag:$0x1] =	stream.indirect_vreg.gather [hbm4b:s16+s2], $0x80, v2, vm0, $0xb8;
	[tilespmem:$0x10800] =	vst v63  }
0x24b: {  	s26 =	simm.s32 $0x7000  }
0x24c: {  	[tilespmem:s26], [sflag:$0x1] =	stream.indirect_vreg.gather [hbm4b:s17+s2], $0x80, v2, vm0, $0xb8;
	[tilespmem:$0x10800] =	vst v63  }
0x24d: {  	s26 =	simm.s32 $0x7800  }
0x24e: {  	[tilespmem:s26], [sflag:$0x1] =	stream.indirect_vreg.gather [hbm4b:s18+s2], $0x80, v2, vm0, $0xb8;
	[tilespmem:$0x10800] =	vst v63  }
0x24f: {  	s26 =	simm.s32 $0x8000  }
0x250: {  	[tilespmem:s26], [sflag:$0x1] =	stream.indirect_vreg.gather [hbm4b:s19+s2], $0x80, v2, vm0, $0xb8;
	[tilespmem:$0x10800] =	vst v63  }
0x251: {  	_ =	swait.ge [sflag:s25], $0x8000  }
0x252: {  	[sflag:s25] =	ssyncset.done $0x0  }
0x253: {  	s20 =	simm.s32 $0x8800;
	s26 =	rddreg [dreg:$0xe];
	[sflag:s25] =	ssyncadd.s32 $0xFFFF8000  }
0x254: {  	[hbm4b:s26+s24] =	stream.strided.scatter [tilespmem:s20], [sflag:$0x3], $0x8000, s23, s24, $0x38;
	[tilespmem:$0x10800] =	vst v63  }
0x255: {  	_ =	swait.ge [sflag:s21], $0x8000  }
0x256: {  	[sflag:s21] =	ssyncset.done $0x0  }
0x257: {  	[sflag:s21] =	ssyncadd.s32 $0xFFFF8000  }
0x258: {  	v2 =	vld.msk [tilespmem:$0x680], $0xf;
	_ =	sdelay $0x4  }
0x259: {  	v3 =	vshll.u32 v2, $0x6  }
0x25a: {  	v2 =	vand.u32 $0x7, v2;
	v3 =	vand.u32 $0xFFFFFE00, v3  }
0x25b: {  	v2 =	vor.u32 v2, v3  }
0x25c: {  	v2 =	vperm.xlane v2, v0;
	_ =	sdelay $0x1  }
0x25d: {  	v2 =	vadd.s32 v1, v2;
	_ =	sdelay $0x4  }
0x25e: {  	[tilespmem:s20], [sflag:$0x2] =	stream.indirect_vreg.gather [hbm4b:s3+s2], $0x80, v2, vm0, $0xb8;
	[tilespmem:$0x10800] =	vst v63  }
0x25f: {  	s26 =	simm.s32 $0x9000  }
0x260: {  	[tilespmem:s26], [sflag:$0x2] =	stream.indirect_vreg.gather [hbm4b:s5+s2], $0x80, v2, vm0, $0xb8;
	[tilespmem:$0x10800] =	vst v63  }
0x261: {  	s26 =	simm.s32 $0x9800  }
0x262: {  	[tilespmem:s26], [sflag:$0x2] =	stream.indirect_vreg.gather [hbm4b:s6+s2], $0x80, v2, vm0, $0xb8;
	[tilespmem:$0x10800] =	vst v63  }
0x263: {  	s26 =	simm.s32 $0xA000  }
0x264: {  	[tilespmem:s26], [sflag:$0x2] =	stream.indirect_vreg.gather [hbm4b:s7+s2], $0x80, v2, vm0, $0xb8;
	[tilespmem:$0x10800] =	vst v63  }
0x265: {  	s26 =	simm.s32 $0xA800  }
0x266: {  	[tilespmem:s26], [sflag:$0x2] =	stream.indirect_vreg.gather [hbm4b:s8+s2], $0x80, v2, vm0, $0xb8;
	[tilespmem:$0x10800] =	vst v63  }
0x267: {  	s26 =	simm.s32 $0xB000  }
0x268: {  	[tilespmem:s26], [sflag:$0x2] =	stream.indirect_vreg.gather [hbm4b:s9+s2], $0x80, v2, vm0, $0xb8;
	[tilespmem:$0x10800] =	vst v63  }
0x269: {  	s26 =	simm.s32 $0xB800  }
0x26a: {  	[tilespmem:s26], [sflag:$0x2] =	stream.indirect_vreg.gather [hbm4b:s10+s2], $0x80, v2, vm0, $0xb8;
	[tilespmem:$0x10800] =	vst v63  }
0x26b: {  	s26 =	simm.s32 $0xC000  }
0x26c: {  	[tilespmem:s26], [sflag:$0x2] =	stream.indirect_vreg.gather [hbm4b:s11+s2], $0x80, v2, vm0, $0xb8;
	[tilespmem:$0x10800] =	vst v63  }
0x26d: {  	s26 =	simm.s32 $0xC800  }
0x26e: {  	[tilespmem:s26], [sflag:$0x2] =	stream.indirect_vreg.gather [hbm4b:s12+s2], $0x80, v2, vm0, $0xb8;
	[tilespmem:$0x10800] =	vst v63  }
0x26f: {  	s26 =	simm.s32 $0xD000  }
0x270: {  	[tilespmem:s26], [sflag:$0x2] =	stream.indirect_vreg.gather [hbm4b:s13+s2], $0x80, v2, vm0, $0xb8;
	[tilespmem:$0x10800] =	vst v63  }
0x271: {  	s26 =	simm.s32 $0xD800  }
0x272: {  	[tilespmem:s26], [sflag:$0x2] =	stream.indirect_vreg.gather [hbm4b:s14+s2], $0x80, v2, vm0, $0xb8;
	[tilespmem:$0x10800] =	vst v63  }
0x273: {  	s26 =	simm.s32 $0xE000  }
0x274: {  	[tilespmem:s26], [sflag:$0x2] =	stream.indirect_vreg.gather [hbm4b:s15+s2], $0x80, v2, vm0, $0xb8;
	[tilespmem:$0x10800] =	vst v63  }
0x275: {  	s26 =	simm.s32 $0xE800  }
0x276: {  	[tilespmem:s26], [sflag:$0x2] =	stream.indirect_vreg.gather [hbm4b:s16+s2], $0x80, v2, vm0, $0xb8;
	[tilespmem:$0x10800] =	vst v63  }
0x277: {  	s26 =	simm.s32 $0xF000  }
0x278: {  	[tilespmem:s26], [sflag:$0x2] =	stream.indirect_vreg.gather [hbm4b:s17+s2], $0x80, v2, vm0, $0xb8;
	[tilespmem:$0x10800] =	vst v63  }
0x279: {  	s26 =	simm.s32 $0xF800  }
0x27a: {  	[tilespmem:s26], [sflag:$0x2] =	stream.indirect_vreg.gather [hbm4b:s18+s2], $0x80, v2, vm0, $0xb8;
	[tilespmem:$0x10800] =	vst v63  }
0x27b: {  	s26 =	simm.s32 $0x10000  }
0x27c: {  	[tilespmem:s26], [sflag:$0x2] =	stream.indirect_vreg.gather [hbm4b:s19+s2], $0x80, v2, vm0, $0xb8;
	[tilespmem:$0x10800] =	vst v63  }
0x27d: {  	_ =	swait.ge [sflag:s4], $0x8000  }
0x27e: {  	[sflag:s4] =	ssyncset.done $0x0  }
0x27f: {  	s1 =	simm.s32 $0x800;
	s26 =	rddreg [dreg:$0xf];
	[sflag:s4] =	ssyncadd.s32 $0xFFFF8000  }
0x280: {  	[hbm4b:s26+s24] =	stream.strided.scatter [tilespmem:s1], [sflag:$0x3], $0x8000, s23, s24, $0x38;
	[tilespmem:$0x10800] =	vst v63  }
0x281: {  	_ =	swait.ge [sflag:s21], $0x8000  }
0x282: {  	[sflag:s21] =	ssyncset.done $0x0  }
0x283: {  	[sflag:s21] =	ssyncadd.s32 $0xFFFF8000  }
0x284: {  	v2 =	vld.msk [tilespmem:$0x700], $0xf;
	_ =	sdelay $0x4  }
0x285: {  	v3 =	vshll.u32 v2, $0x6  }
0x286: {  	v2 =	vand.u32 $0x7, v2;
	v3 =	vand.u32 $0xFFFFFE00, v3  }
0x287: {  	v2 =	vor.u32 v2, v3  }
0x288: {  	v2 =	vperm.xlane v2, v0;
	_ =	sdelay $0x1  }
0x289: {  	v2 =	vadd.s32 v1, v2;
	_ =	sdelay $0x4  }
0x28a: {  	[tilespmem:s1], [sflag:$0x1] =	stream.indirect_vreg.gather [hbm4b:s3+s2], $0x80, v2, vm0, $0xb8;
	[tilespmem:$0x10800] =	vst v63  }
0x28b: {  	_ = 	snop  }
0x28c: {  	[tilespmem:s0], [sflag:$0x1] =	stream.indirect_vreg.gather [hbm4b:s5+s2], $0x80, v2, vm0, $0xb8;
	[tilespmem:$0x10800] =	vst v63  }
0x28d: {  	s22 =	simm.s32 $0x1800  }
0x28e: {  	[tilespmem:s22], [sflag:$0x1] =	stream.indirect_vreg.gather [hbm4b:s6+s2], $0x80, v2, vm0, $0xb8;
	[tilespmem:$0x10800] =	vst v63  }
0x28f: {  	s28 =	simm.s32 $0x2000  }
0x290: {  	[tilespmem:s28], [sflag:$0x1] =	stream.indirect_vreg.gather [hbm4b:s7+s2], $0x80, v2, vm0, $0xb8;
	[tilespmem:$0x10800] =	vst v63  }
0x291: {  	s29 =	simm.s32 $0x2800  }
0x292: {  	[tilespmem:s29], [sflag:$0x1] =	stream.indirect_vreg.gather [hbm4b:s8+s2], $0x80, v2, vm0, $0xb8;
	[tilespmem:$0x10800] =	vst v63  }
0x293: {  	s30 =	simm.s32 $0x3000  }
0x294: {  	[tilespmem:s30], [sflag:$0x1] =	stream.indirect_vreg.gather [hbm4b:s9+s2], $0x80, v2, vm0, $0xb8;
	[tilespmem:$0x10800] =	vst v63  }
0x295: {  	s31 =	simm.s32 $0x3800  }
0x296: {  	[tilespmem:s31], [sflag:$0x1] =	stream.indirect_vreg.gather [hbm4b:s10+s2], $0x80, v2, vm0, $0xb8;
	[tilespmem:$0x10800] =	vst v63  }
0x297: {  	s30 =	simm.s32 $0x4000  }
0x298: {  	[tilespmem:s30], [sflag:$0x1] =	stream.indirect_vreg.gather [hbm4b:s11+s2], $0x80, v2, vm0, $0xb8;
	[tilespmem:$0x10800] =	vst v63  }
0x299: {  	s31 =	simm.s32 $0x4800  }
0x29a: {  	[tilespmem:s31], [sflag:$0x1] =	stream.indirect_vreg.gather [hbm4b:s12+s2], $0x80, v2, vm0, $0xb8;
	[tilespmem:$0x10800] =	vst v63  }
0x29b: {  	s26 =	simm.s32 $0x5000  }
0x29c: {  	[tilespmem:s26], [sflag:$0x1] =	stream.indirect_vreg.gather [hbm4b:s13+s2], $0x80, v2, vm0, $0xb8;
	[tilespmem:$0x10800] =	vst v63  }
0x29d: {  	s28 =	simm.s32 $0x5800  }
0x29e: {  	[tilespmem:s28], [sflag:$0x1] =	stream.indirect_vreg.gather [hbm4b:s14+s2], $0x80, v2, vm0, $0xb8;
	[tilespmem:$0x10800] =	vst v63  }
0x29f: {  	s29 =	simm.s32 $0x6000  }
0x2a0: {  	[tilespmem:s29], [sflag:$0x1] =	stream.indirect_vreg.gather [hbm4b:s15+s2], $0x80, v2, vm0, $0xb8;
	[tilespmem:$0x10800] =	vst v63  }
0x2a1: {  	s30 =	simm.s32 $0x6800  }
0x2a2: {  	[tilespmem:s30], [sflag:$0x1] =	stream.indirect_vreg.gather [hbm4b:s16+s2], $0x80, v2, vm0, $0xb8;
	[tilespmem:$0x10800] =	vst v63  }
0x2a3: {  	s31 =	simm.s32 $0x7000  }
0x2a4: {  	[tilespmem:s31], [sflag:$0x1] =	stream.indirect_vreg.gather [hbm4b:s17+s2], $0x80, v2, vm0, $0xb8;
	[tilespmem:$0x10800] =	vst v63  }
0x2a5: {  	s26 =	simm.s32 $0x7800  }
0x2a6: {  	[tilespmem:s26], [sflag:$0x1] =	stream.indirect_vreg.gather [hbm4b:s18+s2], $0x80, v2, vm0, $0xb8;
	[tilespmem:$0x10800] =	vst v63  }
0x2a7: {  	s28 =	simm.s32 $0x8000  }
0x2a8: {  	[tilespmem:s28], [sflag:$0x1] =	stream.indirect_vreg.gather [hbm4b:s19+s2], $0x80, v2, vm0, $0xb8;
	[tilespmem:$0x10800] =	vst v63  }
0x2a9: {  	s0 =	rddreg [dreg:$0x14];
	_ =	swait.ge [sflag:s25], $0x8000  }
0x2aa: {  	[sflag:s25] =	ssyncset.done $0x0  }
0x2ab: {  	s29 =	rddreg [dreg:$0x10];
	[sflag:s25] =	ssyncadd.s32 $0xFFFF8000  }
0x2ac: {  	[hbm4b:s29+s24] =	stream.strided.scatter [tilespmem:s20], [sflag:$0x3], $0x8000, s23, s24, $0x38;
	[tilespmem:$0x10800] =	vst v63  }
0x2ad: {  	_ =	swait.ge [sflag:s21], $0x8000  }
0x2ae: {  	[sflag:s21] =	ssyncset.done $0x0  }
0x2af: {  	[sflag:s21] =	ssyncadd.s32 $0xFFFF8000  }
0x2b0: {  	v2 =	vld.msk [tilespmem:$0x780], $0xf;
	_ =	sdelay $0x4  }
0x2b1: {  	v3 =	vshll.u32 v2, $0x6  }
0x2b2: {  	v2 =	vand.u32 $0x7, v2;
	v3 =	vand.u32 $0xFFFFFE00, v3  }
0x2b3: {  	v2 =	vor.u32 v2, v3  }
0x2b4: {  	v2 =	vperm.xlane v2, v0;
	_ =	sdelay $0x1  }
0x2b5: {  	v2 =	vadd.s32 v1, v2;
	_ =	sdelay $0x4  }
0x2b6: {  	[tilespmem:s20], [sflag:$0x2] =	stream.indirect_vreg.gather [hbm4b:s3+s2], $0x80, v2, vm0, $0xb8;
	[tilespmem:$0x10800] =	vst v63  }
0x2b7: {  	s30 =	simm.s32 $0x9000  }
0x2b8: {  	[tilespmem:s30], [sflag:$0x2] =	stream.indirect_vreg.gather [hbm4b:s5+s2], $0x80, v2, vm0, $0xb8;
	[tilespmem:$0x10800] =	vst v63  }
0x2b9: {  	s31 =	simm.s32 $0x9800  }
0x2ba: {  	[tilespmem:s31], [sflag:$0x2] =	stream.indirect_vreg.gather [hbm4b:s6+s2], $0x80, v2, vm0, $0xb8;
	[tilespmem:$0x10800] =	vst v63  }
0x2bb: {  	s26 =	simm.s32 $0xA000  }
0x2bc: {  	[tilespmem:s26], [sflag:$0x2] =	stream.indirect_vreg.gather [hbm4b:s7+s2], $0x80, v2, vm0, $0xb8;
	[tilespmem:$0x10800] =	vst v63  }
0x2bd: {  	s28 =	simm.s32 $0xA800  }
0x2be: {  	[tilespmem:s28], [sflag:$0x2] =	stream.indirect_vreg.gather [hbm4b:s8+s2], $0x80, v2, vm0, $0xb8;
	[tilespmem:$0x10800] =	vst v63  }
0x2bf: {  	s29 =	simm.s32 $0xB000  }
0x2c0: {  	[tilespmem:s29], [sflag:$0x2] =	stream.indirect_vreg.gather [hbm4b:s9+s2], $0x80, v2, vm0, $0xb8;
	[tilespmem:$0x10800] =	vst v63  }
0x2c1: {  	s30 =	simm.s32 $0xB800  }
0x2c2: {  	[tilespmem:s30], [sflag:$0x2] =	stream.indirect_vreg.gather [hbm4b:s10+s2], $0x80, v2, vm0, $0xb8;
	[tilespmem:$0x10800] =	vst v63  }
0x2c3: {  	s31 =	simm.s32 $0xC000  }
0x2c4: {  	[tilespmem:s31], [sflag:$0x2] =	stream.indirect_vreg.gather [hbm4b:s11+s2], $0x80, v2, vm0, $0xb8;
	[tilespmem:$0x10800] =	vst v63  }
0x2c5: {  	s26 =	simm.s32 $0xC800  }
0x2c6: {  	[tilespmem:s26], [sflag:$0x2] =	stream.indirect_vreg.gather [hbm4b:s12+s2], $0x80, v2, vm0, $0xb8;
	[tilespmem:$0x10800] =	vst v63  }
0x2c7: {  	s28 =	simm.s32 $0xD000  }
0x2c8: {  	[tilespmem:s28], [sflag:$0x2] =	stream.indirect_vreg.gather [hbm4b:s13+s2], $0x80, v2, vm0, $0xb8;
	[tilespmem:$0x10800] =	vst v63  }
0x2c9: {  	s29 =	simm.s32 $0xD800  }
0x2ca: {  	[tilespmem:s29], [sflag:$0x2] =	stream.indirect_vreg.gather [hbm4b:s14+s2], $0x80, v2, vm0, $0xb8;
	[tilespmem:$0x10800] =	vst v63  }
0x2cb: {  	s30 =	simm.s32 $0xE000  }
0x2cc: {  	[tilespmem:s30], [sflag:$0x2] =	stream.indirect_vreg.gather [hbm4b:s15+s2], $0x80, v2, vm0, $0xb8;
	[tilespmem:$0x10800] =	vst v63  }
0x2cd: {  	s31 =	simm.s32 $0xE800  }
0x2ce: {  	[tilespmem:s31], [sflag:$0x2] =	stream.indirect_vreg.gather [hbm4b:s16+s2], $0x80, v2, vm0, $0xb8;
	[tilespmem:$0x10800] =	vst v63  }
0x2cf: {  	s26 =	simm.s32 $0xF000  }
0x2d0: {  	[tilespmem:s26], [sflag:$0x2] =	stream.indirect_vreg.gather [hbm4b:s17+s2], $0x80, v2, vm0, $0xb8;
	[tilespmem:$0x10800] =	vst v63  }
0x2d1: {  	s28 =	simm.s32 $0xF800  }
0x2d2: {  	[tilespmem:s28], [sflag:$0x2] =	stream.indirect_vreg.gather [hbm4b:s18+s2], $0x80, v2, vm0, $0xb8;
	[tilespmem:$0x10800] =	vst v63  }
0x2d3: {  	s29 =	simm.s32 $0x10000  }
0x2d4: {  	[tilespmem:s29], [sflag:$0x2] =	stream.indirect_vreg.gather [hbm4b:s19+s2], $0x80, v2, vm0, $0xb8;
	[tilespmem:$0x10800] =	vst v63  }
0x2d5: {  	_ =	swait.ge [sflag:s4], $0x8000  }
0x2d6: {  	[sflag:s4] =	ssyncset.done $0x0  }
0x2d7: {  	s30 =	rddreg [dreg:$0x11];
	[sflag:s4] =	ssyncadd.s32 $0xFFFF8000  }
0x2d8: {  	[hbm4b:s30+s24] =	stream.strided.scatter [tilespmem:s1], [sflag:$0x3], $0x8000, s23, s24, $0x38;
	[tilespmem:$0x10800] =	vst v63  }
0x2d9: {  	_ =	swait.ge [sflag:s21], $0x8000  }
0x2da: {  	[sflag:s21] =	ssyncset.done $0x0  }
0x2db: {  	[sflag:s21] =	ssyncadd.s32 $0xFFFF8000  }
0x2dc: {  	_ =	swait.ge [sflag:s25], $0x8000  }
0x2dd: {  	p0 =	sne.s32 s0, $0x1;
	[sflag:s25] =	ssyncset.done $0x0  }
.Ltmp0:
0x2de: {  	s31 =	rddreg [dreg:$0x12];
	[sflag:s25] =	ssyncadd.s32 $0xFFFF8000;
	(pc) =	sbr.rel @p0 .LBB2_1-.Ltmp0, $4  }
0x2df: {  	[hbm4b:s31+s24] =	stream.strided.scatter [tilespmem:s20], [sflag:$0x3], $0x8000, s23, s24, $0x38;
	[tilespmem:$0x10800] =	vst v63  }
0x2e0: {  	_ =	swait.ge [sflag:s21], $0x8000  }
0x2e1: {  	[sflag:s21] =	ssyncset.done $0x0  }
0x2e2: {  	s0 =	sadd.s32 $0xFFFFFFFF, s0;
	[sflag:s21] =	ssyncadd.s32 $0xFFFF8000  }
0x2e3: {  	_ =	sfence.sel $0x180000  }
0x2e4: {  	[bflag:$0x0] =	sbarrier.arrive $0xFFFF  }
0x2e5: {  	_ =	strace $0x9000004A  }
0x2e6: {  	s0 =	stileid.u32;
	[bflag:$0x2] =	sbarrier.arrive $0xFFFF  }
0x2e7: {  	p0 =	sne.s32 s0, $0x0;
	s0 =	rddreg [dreg:$0x2]  }
0x2e8: {  	s0 =	sadd.s32 @!p0 $0x100000, s0  }
0x2e9: {  	[sflag:s0] =	ssyncadd.tile.s32 @!p0 $0x1;
	_ =	shalt  }
.Lfunc_end2:
_tile_overlayer_lowered:
.L_overlay_start_2:
0x2ea: {  	(tag) =	ssettag $0x2  }
0x2eb: {  	s0 =	rddreg [dreg:$0x0];
	s2 =	stileid.u32  }
0x2ec: {  	s1 =	rddreg [dreg:$0x1];
	p0 =	sne.s32 s2, $0x0  }
0x2ed: {  	s3 =	rddreg [dreg:$0x2];
	[bflag:$0x3] =	sbarrier.arrive $0xFFFF;
	s2 =	simm.s32 @!p0 $0x1C03  }
0x2ee: {  	[timem:s3], [sflag:s2] =	dma.local @!p0 [hbm:s0], s1  }
0x2ef: {  	s0 =	simm.s32 @!p0 $0x3  }
0x2f0: {  	_ =	swait.ge @!p0 [sflag:s0], s1  }
0x2f1: {  	s1 =	ssub.s32 @!p0 $0x0, s1;
	[sflag:s0] =	ssyncset.done @!p0 $0x0  }
0x2f2: {  	[sflag:s0] =	ssyncadd.s32 @!p0 s1  }
0x2f3: {  	[bflag:$0x3] =	sbarrier.arrive $0xFFFF  }
0x2f4: {  	_ =	shalt  }

// kernel: sparse-core-data-format-call.1.cloned.1.call-start
scs
called_computation.1_lowered:
.L_overlay_start_0:
0x0: {  	s2 =	sld [smem:$0x3FD9]  }
0x1: {  	s3 =	sld [smem:$0x3FFE];
	_ =	sdelay $0x1  }
0x2: {  	s1 =	srdreg.scid  }
0x3: {  	s0 =	sand.u32 $0x1, s1  }
0x4: {  	s19 =	sshll.u32 s0, $0xA;
	s2 =	sadd.s32 s3, s2  }
0x5: {  	s2 =	sadd.s32 s2, s19  }
0x6: {  	[smem:$0x3FC6] =	sst s2  }
0x7: {  	_ = 	snop  }
0x8: {  	s2 =	sld [smem:$0x3FC8]  }
0x9: {  	s20 =	sld [smem:$0x3FD0];
	(tm) =	ssettm $0x1  }
0xa: {  	s4 =	sld [smem:$0x3FFB];
	_ =	sdelay $0x3  }
0xb: {  	_ =	strace s4  }
0xc: {  	s4 =	sld [smem:$0x3FFC];
	_ =	sdelay $0x3  }
0xd: {  	_ =	strace s4  }
0xe: {  	s4 =	sld [smem:$0x3FFD];
	_ =	sdelay $0x3  }
0xf: {  	_ =	strace s4  }
0x10: {  	_ =	strace $0x8FFFFFFF  }
0x11: {  	s21 =	sld [smem:$0x3FDB];
	_ =	sdelay $0x1  }
0x12: {  	s5 =	simm.s32 $_scs_section_size  }
0x13: {  	s6 =	simm.s32 $_size__tile_overlayer_lowered;
	s7 =	simm.s32 $_tile_overlayer_lowered  }
0x14: {  	s24 =	simm.s32 $0x1BFF;
	s23 =	sshll.u32 s7, $0x1;
	s4 =	sadd.s32 s5, s21  }
0x15: {  	s8 =	simm.s32 $0x0;
	s22 =	sshll.u32 s6, $0x1;
	s6 =	sadd.s32 s23, s4  }
0x16: {  	[timem:s8], [sflag:s24] =	dma.local [hbm:s6], s22  }
0x17: {  	_ =	swait.ge [sflag:s24], s22  }
0x18: {  	s5 =	ssub.s32 $0x0, s22;
	[sflag:s24] =	ssyncset.done $0x0  }
0x19: {  	[sflag:s24] =	ssyncadd.s32 s5;
	_ =	sdelay $0x1  }
0x1a: {  	s25 =	simm.s32 $0x1B8B  }
0x1b: {  	_ =	swait.ge [sflag:s25], $0x1  }
0x1c: {  	[sflag:s25] =	ssyncset.done $0x0  }
0x1d: {  	s26 =	simm.s32 $0x1B8E;
	[sflag:s25] =	ssyncadd.s32 $0xFFFFFFFF  }
0x1e: {  	s27 =	simm.s32 $execute0_lowered;
	[smem:$0x3FD2] =	sst s26  }
0x1f: {  	s5 =	sshll.u32 s27, $0x1;
	_ =	strace $0x80000046;
	[dreg:$0x1] =	wrdreg $0xFFFFFFFF  }
0x20: {  	s28 =	simm.s32 $_size_execute0_lowered;
	s4 =	sadd.s32 s4, s5;
	[dreg:$0x0] =	wrdreg $0x0  }
0x21: {  	s5 =	sshll.u32 s28, $0x1;
	[dreg:$0x2] =	wrdreg s4  }
0x22: {  	[dreg:$0x3] =	wrdreg s5  }
0x23: {  	[dreg:$0x4] =	wrdreg $0xC0  }
0x24: {  	_ =	task [dreg:s8], $0x5FFFF  }
0x25: {  	[dreg:$0x1] =	wrdreg $0xFFFFFFFF  }
0x26: {  	[dreg:$0x0] =	wrdreg $0x60  }
0x27: {  	[dreg:$0x2] =	wrdreg s2  }
0x28: {  	[dreg:$0x3] =	wrdreg s20  }
0x29: {  	[dreg:$0x4] =	wrdreg $0x9  }
0x2a: {  	_ =	task.clear_ibuf [dreg:s8], $0x5FFFF;
	_ =	strace $0x90000046  }
0x2b: {  	s29 =	simm.s32 $0x9;
	_ =	strace $0x80000048  }
0x2c: {  	_ =	swait.ge [sflag:s29], $0x1  }
0x2d: {  	[sflag:s29] =	ssyncadd.s32 $0xFFFFFFFF  }
0x2e: {  	_ =	strace $0x90000048  }
0x2f: {  	_ =	sfence  }
0x30: {  	s30 =	sld [smem:$0x0];
	_ =	sdelay $0x2  }
0x31: {  	s31 =	sshll.u32 s1, $0xD;
	s1 =	sshrl.u32 s1, $0x2  }
0x32: {  	s3 =	sand.u32 $0x4000, s31;
	s1 =	sadd.s32 s1, s30  }
0x33: {  	s0 =	sor.u32 s3, s0;
	s1 =	sshll.u32 s1, $0x11  }
0x34: {  	s0 =	sor.u32 s1, s0  }
0x35: {  	s0 =	sadd.s32 $0x8F2B, s0  }
0x36: {  	[sflag:s0] =	ssyncadd.remote.s32 $0x1  }
0x37: {  	_ =	sfence.sel $0xFFFF  }
0x38: {  	[dreg:$0x0] =	wrdreg $0xFFFFFFFF;
	(pc) =	sbr.abs _section_cstart, $3  }
0x39: {  	[dreg:$0x1] =	wrdreg $0xFFFFFFFF  }
0x3a: {  	_ =	task.clear_ibuf [dreg:s8], $0x2FFFF;
	_ =	strace $0x9FFFFFFF  }
0x3b: {  	(tm) =	ssettm $0x7FFFFFFF  }
tec
execute0_lowered:
.L_overlay_start_1:
0x0: {  	(tag) =	ssettag $0x1  }
0x1: {  	s0 =	srdreg.scid  }
0x2: {  	s1 =	sshll.u32 s0, $0x4  }
0x3: {  	s0 =	stileid.u32;
	s1 =	sand.u32 $0x10, s1  }
0x4: {  	s6 =	rddreg [dreg:$0x0];
	s1 =	sor.u32 s0, s1  }
0x5: {  	s3 =	rddreg [dreg:$0x1];
	s5 =	simm.s32 $0x1;
	s2 =	sshll.u32 s1, $0x8  }
0x6: {  	s31 =	simm.s32 $0x2;
	s13 =	simm.s32 $0x0;
	s4 =	ssub.s32 $0x2000, s2  }
0x7: {  	s8 =	simm.s32 $0x800;
	s9 =	simm.s32 $0x10000;
	s30 =	sand.u32 $0x1F00, s4  }
0x8: {  	s10 =	simm.s32 $0x0;
	s14 =	simm.s32 $0x0;
	p0 =	sne.s32 s30, $0x0  }
.Ltmp0:
0x9: {  	s7 =	sshrl.u32 s4, $0xD;
	s5 =	simm.s32 @!p0 $0x0;
	(pc) =	sbr.rel .LBB1_1-.Ltmp0, $4  }
0xa: {  	s11 =	simm.s32 $0x0;
	s1 =	rddreg [dreg:$0x2];
	s5 =	sadd.s32 s5, s7  }
0xb: {  	_ =	strace $0x80000047;
	s4 =	simm.s32 $0x1;
	s5 =	smul.u32 $0x1F, s5  }
0xc: {  	s12 =	simm.s32 $0x0;
	s20 =	simm.s32 $0x0;
	[sflag:s4] =	ssyncpa.u1 $0x0  }
0xd: {  	s6 =	sadd.s32 s6, s2;
	[sflag:s31] =	ssyncpa.u1 $0x0;
	s7 =	sadd.s32 $0x1, s5  }
.LBB1_7:
0xe: {  	s15 =	sadd.s32 $0x1, s11  }
0xf: {  	p1 =	sgt.s32 s15, $0x1E  }
0x10: {  	s15 =	simm.s32 @p1 $0x0;
	p1 =	sne.s32 s12, s7  }
.Ltmp1:
0x11: {  	p0 =	slt.u32 s12, $0x2;
	(pc) =	sbr.rel @!p1 .LBB1_8-.Ltmp1, $4  }
0x12: {  	s13 =	simm.s32 @!p0 $0x2  }
0x13: {  	s16 =	sadd.s32 $0x1, s12;
	s14 =	smov.u32 s11;
	_ =	swait.ge @!p0 [sflag:s13], $0x4000  }
0x14: {  	s10 =	sadd.s32 $0x4000, s10;
	s12 =	smov.u32 s16;
	[sflag:s13] =	ssyncset.done @!p0 $0x0  }
0x15: {  	s11 =	smov.u32 s15;
	[sflag:s13] =	ssyncadd.s32 @!p0 $0xFFFFC000;
	s13 =	smov.u32 s2  }
.LBB1_1:
0x16: {  	p0 =	sge.u32 s12, s5  }
0x17: {  	s31 =	sadd.s32 $0xFFFFFFFF, s12;
	s15 =	sxor.u32 @!p0 $0xFFFFFFFF, s12  }
0x18: {  	s16 =	sshll.u32 @!p0 s11, $0x10;
	s17 =	simm.s32 @!p0 $0x800;
	s15 =	sshll.u32 @!p0 s15, $0xE  }
0x19: {  	s18 =	simm.s32 @!p0 $0x10000;
	s16 =	sadd.s32 @!p0 s16, s6;
	s15 =	sand.u32 @!p0 $0x4000, s15  }
0x1a: {  	[tilespmem:s15], [sflag:$0x1] =	stream.strided.gather @!p0 [hbm4b:s16+s17], $0x4000, s18, s17, $0x38;
	[tilespmem:$0x10000] =	vst v63  }
0x1b: {  	p0 =	sge.u32 s31, s5  }
.Ltmp2:
0x1c: {  	_ = 	snop;
	(pc) =	sbr.rel @p0 .LBB1_7-.Ltmp2, $1  }
0x1d: {  	_ =	sdelay $0x3  }
0x1e: {  	s15 =	sshll.u32 s10, $0x2;
	_ =	swait.ge [sflag:s4], $0x4000;
	s16 =	sshll.u32 s12, $0xE  }
0x1f: {  	p0 =	por $0x0, $0x0;
	s21 =	simm.s32 $0x0;
	s22 =	simm.s32 $0x0  }
0x20: {  	s15 =	sand.u32 $0x10000, s15;
	[sflag:s4] =	ssyncset.done $0x0;
	s18 =	sand.u32 $0x4000, s16  }
0x21: {  	s19 =	sshrl.u32 s15, $0x2;
	[sflag:s4] =	ssyncadd.s32 $0xFFFFC000;
	s16 =	sor.u32 $0x8000, s18  }
0x22: {  	s15 =	sor.u32 $0x40, s19;
	s17 =	sor.u32 $0x8410, s19;
	s19 =	sadd.s32 $0x8400, s19  }
.LBB1_3:
0x23: {  	v1 =	vld [tilespmem:s15+$0xFFFFFFD0]  }
0x24: {  	v2 =	vld [tilespmem:s15+$0x430]  }
0x25: {  	s23 =	sshll.u32 s22, $0xB;
	v4 =	vld [tilespmem:s15+$0xFFFFFFE0]  }
0x26: {  	v7 =	vld [tilespmem:s15+$0xFFFFFFF0];
	v0 =	vmov s23  }
0x27: {  	v8 =	vld [tilespmem:s15+$0x0]  }
0x28: {  	s30 =	sand.u32 $0x300, s20;
	v9 =	vld [tilespmem:s15+$0x10]  }
0x29: {  	s24 =	sand.u32 $0x80, s20;
	v10 =	vld [tilespmem:s15+$0x20];
	s23 =	sadd.s32 s30, s18  }
0x2a: {  	v11 =	vld [tilespmem:s15+$0x30];
	s23 =	sadd.s32 s24, s23;
	s24 =	simm.s32 $0x1;
	[tilespmem:s17+$0x60] =	vst v2  }
0x2b: {  	s31 =	sshll.u32 s21, $0x2;
	s24 =	simm.s32 @!p0 $0x0;
	[tilespmem:s17+$0xFFFFFC00] =	vst v1;
	v3 =	vld.idx.msk [tilespmem:v0+s23+$0x400 ss:$0x1], $0xffff  }
0x2c: {  	v6 =	vld [tilespmem:s15+$0x3D0];
	s24 =	sshll.u32 s24, $0x9;
	[tilespmem:s17+$0xFFFFFC10] =	vst v4;
	s23 =	sand.u32 $0xFFFFFC00, s31  }
0x2d: {  	v5 =	vld [tilespmem:s15+$0x3E0];
	[tilespmem:s17+$0xFFFFFC20] =	vst v7;
	s23 =	sor.u32 s24, s23  }
0x2e: {  	[tilespmem:s17+$0xFFFFFC30] =	vst v8;
	v4 =	vld [tilespmem:s15+$0x400];
	s23 =	sshrl.u32 s23, $0x2  }
0x2f: {  	[tilespmem:s17+$0xFFFFFC40] =	vst v9;
	v1 =	vld [tilespmem:s15+$0x410];
	s23 =	sadd.s32 s23, s19  }
0x30: {  	[tilespmem:s23+$0x0] =	vst v3;
	v3 =	vld [tilespmem:s15+$0x3F0]  }
0x31: {  	s27 =	simm.s32 $0x80;
	s26 =	simm.s32 $0x100;
	[tilespmem:s17+$0xFFFFFC50] =	vst v10;
	v2 =	vld [tilespmem:s15+$0x420]  }
0x32: {  	s25 =	smov.u32 s17;
	s28 =	sand.u32 $0x300, s27;
	v7 =	vld [tilespmem:s15+$0xFFFFFFC0];
	[tilespmem:s17+$0xFFFFFC60] =	vst v11;
	s24 =	sadd.s32 $0x80, s15  }
.LBB1_4:
0x33: {  	p1 =	sne.s32 s26, $0x380;
	v8 =	vld [tilespmem:s24+$0xFFFFFFD0];
	s27 =	sand.u32 $0x80, s27;
	s28 =	sadd.s32 s28, s18;
	[tilespmem:s25+$0x0] =	vst v6  }
0x34: {  	s28 =	sadd.s32 s27, s28;
	v6 =	vld [tilespmem:s24+$0x430];
	[tilespmem:s25+$0x10] =	vst v5;
	s27 =	smov.u32 s26  }
0x35: {  	v5 =	vld.idx.msk [tilespmem:v0+s28+$0x400 ss:$0x1], $0xffff;
	[tilespmem:s25+$0x20] =	vst v3  }
0x36: {  	v3 =	vld [tilespmem:s24+$0xFFFFFFE0];
	[tilespmem:s25+$0x30] =	vst v4  }
0x37: {  	v4 =	vld [tilespmem:s24+$0xFFFFFFF0];
	[tilespmem:s25+$0xFFFFFBF0] =	vst v7  }
0x38: {  	v7 =	vld [tilespmem:s24+$0x0];
	[tilespmem:s25+$0x40] =	vst v1  }
0x39: {  	v1 =	vld [tilespmem:s24+$0x10];
	[tilespmem:s25+$0x50] =	vst v2;
	s25 =	sadd.s32 $0x800, s25  }
0x3a: {  	s23 =	sadd.s32 $0x800, s23;
	v2 =	vld [tilespmem:s24+$0x20];
	[tilespmem:s25+$0x60] =	vst v6  }
0x3b: {  	v9 =	vld [tilespmem:s24+$0x30];
	[tilespmem:s23+$0x0] =	vst v5  }
0x3c: {  	[tilespmem:s25+$0xFFFFFC00] =	vst v8;
	v6 =	vld [tilespmem:s24+$0x3D0]  }
0x3d: {  	[tilespmem:s25+$0xFFFFFC10] =	vst v3;
	v5 =	vld [tilespmem:s24+$0x3E0]  }
.Ltmp3:
0x3e: {  	[tilespmem:s25+$0xFFFFFC20] =	vst v4;
	v3 =	vld [tilespmem:s24+$0x3F0];
	(pc) =	sbr.rel @p1 .LBB1_4-.Ltmp3, $4  }
0x3f: {  	[tilespmem:s25+$0xFFFFFC30] =	vst v7;
	v4 =	vld [tilespmem:s24+$0x400]  }
0x40: {  	[tilespmem:s25+$0xFFFFFC40] =	vst v1;
	v1 =	vld [tilespmem:s24+$0x410]  }
0x41: {  	[tilespmem:s25+$0xFFFFFC50] =	vst v2;
	v2 =	vld [tilespmem:s24+$0x420]  }
0x42: {  	s26 =	sadd.s32 $0x80, s26;
	s28 =	sand.u32 $0x300, s27;
	v7 =	vld [tilespmem:s24+$0xFFFFFFC0];
	[tilespmem:s25+$0xFFFFFC60] =	vst v9;
	s24 =	sadd.s32 $0x80, s24  }
0x43: {  	[tilespmem:s25+$0x0] =	vst v6  }
0x44: {  	[tilespmem:s25+$0x10] =	vst v5  }
0x45: {  	v49 =	vld [tilespmem:s24+$0x430];
	[tilespmem:s25+$0x20] =	vst v3  }
0x46: {  	v50 =	vld [tilespmem:s24+$0xFFFFFFD0];
	[tilespmem:s25+$0x30] =	vst v4  }
0x47: {  	v51 =	vld [tilespmem:s24+$0xFFFFFFE0];
	[tilespmem:s25+$0x40] =	vst v1  }
0x48: {  	v52 =	vld [tilespmem:s24+$0xFFFFFFF0];
	[tilespmem:s25+$0x50] =	vst v2  }
0x49: {  	s31 =	sadd.s32 $0x800, s25;
	v53 =	vld [tilespmem:s24+$0x0];
	[tilespmem:s25+$0xFFFFFBF0] =	vst v7  }
0x4a: {  	v54 =	vld [tilespmem:s24+$0x10];
	[tilespmem:s31+$0x60] =	vst v49  }
0x4b: {  	v55 =	vld [tilespmem:s24+$0x20];
	[tilespmem:s31+$0xFFFFFC00] =	vst v50  }
0x4c: {  	v56 =	vld [tilespmem:s24+$0x30];
	[tilespmem:s31+$0xFFFFFC10] =	vst v51  }
0x4d: {  	v57 =	vld [tilespmem:s24+$0x3D0];
	[tilespmem:s31+$0xFFFFFC20] =	vst v52  }
0x4e: {  	v58 =	vld [tilespmem:s24+$0x3E0];
	[tilespmem:s31+$0xFFFFFC30] =	vst v53  }
0x4f: {  	v59 =	vld [tilespmem:s24+$0x3F0];
	[tilespmem:s31+$0xFFFFFC40] =	vst v54  }
0x50: {  	v60 =	vld [tilespmem:s24+$0x400];
	[tilespmem:s31+$0xFFFFFC50] =	vst v55  }
0x51: {  	v61 =	vld [tilespmem:s24+$0xFFFFFFC0];
	[tilespmem:s31+$0xFFFFFC60] =	vst v56  }
0x52: {  	s26 =	sand.u32 $0x80, s27;
	s30 =	sadd.s32 s28, s18;
	v62 =	vld [tilespmem:s24+$0x410];
	[tilespmem:s31+$0x0] =	vst v57  }
0x53: {  	v63 =	vld [tilespmem:s24+$0x420];
	s22 =	sadd.s32 $0x1, s22;
	s26 =	sadd.s32 s26, s30;
	[tilespmem:s31+$0x10] =	vst v58  }
0x54: {  	p1 =	sne.s32 s22, $0x8;
	v0 =	vld.idx.msk [tilespmem:v0+s26+$0x400 ss:$0x1], $0xffff;
	[tilespmem:s31+$0x20] =	vst v59  }
.Ltmp4:
0x55: {  	[tilespmem:s31+$0x30] =	vst v60;
	(pc) =	sbr.rel @p1 .LBB1_3-.Ltmp4, $4  }
0x56: {  	[tilespmem:s31+$0xFFFFFBF0] =	vst v61  }
0x57: {  	[tilespmem:s31+$0x40] =	vst v62  }
0x58: {  	s23 =	sadd.s32 $0x800, s23;
	s15 =	sadd.s32 $0x800, s15;
	[tilespmem:s31+$0x50] =	vst v63  }
0x59: {  	s21 =	sadd.s32 $0x80, s21;
	p0 =	por !p0, !p0;
	s17 =	sadd.s32 $0x80, s17;
	[tilespmem:s23+$0x0] =	vst v0  }
.Ltmp5:
0x5a: {  	(pc) =	sbr.rel .LBB1_7-.Ltmp5, $4  }
0x5b: {  	s14 =	sshll.u32 s14, $0x10  }
0x5c: {  	s14 =	sadd.s32 s3, s14  }
0x5d: {  	s13 =	sadd.s32 s13, s14  }
0x5e: {  	[hbm4b:s13+s8] =	stream.strided.scatter [tilespmem:s16], [sflag:$0x2], $0x4000, s9, s8, $0x38;
	[tilespmem:$0x10000] =	vst v63  }
.LBB1_8:
0x5f: {  	_ =	sfence.sel $0x180000  }
0x60: {  	s2 =	simm.s32 $0x1;
	[bflag:$0x0] =	sbarrier.arrive $0xFFFF  }
0x61: {  	s31 =	simm.s32 $0x2;
	[sflag:s2] =	ssyncpa.u1 $0x1  }
0x62: {  	[sflag:s31] =	ssyncpa.u1 $0x1  }
0x63: {  	p0 =	sne.s32 s0, $0x0;
	_ =	strace $0x90000047  }
0x64: {  	s0 =	sadd.s32 @!p0 $0x100000, s1;
	[bflag:$0x2] =	sbarrier.arrive $0xFFFF  }
0x65: {  	[sflag:s0] =	ssyncadd.tile.s32 @!p0 $0x1;
	_ =	shalt  }
.Lfunc_end1:
_tile_overlayer_lowered:
.L_overlay_start_2:
0x66: {  	(tag) =	ssettag $0x2  }
0x67: {  	s0 =	rddreg [dreg:$0x0];
	s2 =	stileid.u32  }
0x68: {  	s1 =	rddreg [dreg:$0x1];
	p0 =	sne.s32 s2, $0x0  }
0x69: {  	s3 =	rddreg [dreg:$0x2];
	[bflag:$0x3] =	sbarrier.arrive $0xFFFF;
	s2 =	simm.s32 @!p0 $0x1C01  }
0x6a: {  	[timem:s3], [sflag:s2] =	dma.local @!p0 [hbm:s0], s1  }
0x6b: {  	s0 =	simm.s32 @!p0 $0x1  }
0x6c: {  	_ =	swait.ge @!p0 [sflag:s0], s1  }
0x6d: {  	s1 =	ssub.s32 @!p0 $0x0, s1;
	[sflag:s0] =	ssyncset.done @!p0 $0x0  }
0x6e: {  	[sflag:s0] =	ssyncadd.s32 @!p0 s1  }
0x6f: {  	[bflag:$0x3] =	sbarrier.arrive $0xFFFF  }
0x70: {  	_ =	shalt  }

// kernel: sparse-core-data-format-call.cloned.1.call-start
scs
called_computation_lowered:
.L_overlay_start_0:
0x0: {  	s2 =	sld [smem:$0x3FD9]  }
0x1: {  	s3 =	sld [smem:$0x3FFE];
	_ =	sdelay $0x1  }
0x2: {  	s1 =	srdreg.scid  }
0x3: {  	s0 =	sand.u32 $0x1, s1  }
0x4: {  	s18 =	sshll.u32 s0, $0xA;
	s2 =	sadd.s32 s3, s2  }
0x5: {  	s2 =	sadd.s32 s2, s18  }
0x6: {  	[smem:$0x3FC6] =	sst s2  }
0x7: {  	_ = 	snop  }
0x8: {  	s2 =	sld [smem:$0x3FD0];
	(tm) =	ssettm $0x1  }
0x9: {  	s19 =	sld [smem:$0x3FFB];
	_ =	sdelay $0x3  }
0xa: {  	_ =	strace s19  }
0xb: {  	s3 =	sld [smem:$0x3FFC];
	_ =	sdelay $0x3  }
0xc: {  	_ =	strace s3  }
0xd: {  	s3 =	sld [smem:$0x3FFD];
	_ =	sdelay $0x3  }
0xe: {  	_ =	strace s3  }
0xf: {  	_ =	strace $0x8FFFFFFF  }
0x10: {  	s20 =	sld [smem:$0x3FDB];
	_ =	sdelay $0x1  }
0x11: {  	s4 =	simm.s32 $_scs_section_size  }
0x12: {  	s5 =	simm.s32 $_size__tile_overlayer_lowered;
	s6 =	simm.s32 $_tile_overlayer_lowered  }
0x13: {  	s23 =	simm.s32 $0x1BFF;
	s22 =	sshll.u32 s6, $0x1;
	s3 =	sadd.s32 s4, s20  }
0x14: {  	s7 =	simm.s32 $0x0;
	s21 =	sshll.u32 s5, $0x1;
	s5 =	sadd.s32 s22, s3  }
0x15: {  	[timem:s7], [sflag:s23] =	dma.local [hbm:s5], s21  }
0x16: {  	_ =	swait.ge [sflag:s23], s21  }
0x17: {  	s4 =	ssub.s32 $0x0, s21;
	[sflag:s23] =	ssyncset.done $0x0  }
0x18: {  	[sflag:s23] =	ssyncadd.s32 s4;
	_ =	sdelay $0x1  }
0x19: {  	s24 =	simm.s32 $0x1B8B  }
0x1a: {  	_ =	swait.ge [sflag:s24], $0x1  }
0x1b: {  	[sflag:s24] =	ssyncset.done $0x0  }
0x1c: {  	s26 =	simm.s32 $0x1B8E;
	s25 =	sld [smem:$0x3FFE];
	[sflag:s24] =	ssyncadd.s32 $0xFFFFFFFF  }
0x1d: {  	s27 =	simm.s32 $execute0_lowered;
	[smem:$0x3FD2] =	sst s26  }
0x1e: {  	s5 =	sshll.u32 s27, $0x1;
	_ =	strace $0x8000004C;
	[dreg:$0x1] =	wrdreg $0xFFFFFFFF  }
0x1f: {  	s28 =	simm.s32 $_size_execute0_lowered;
	s3 =	sadd.s32 s3, s5;
	[dreg:$0x0] =	wrdreg $0x0  }
0x20: {  	s5 =	sshll.u32 s28, $0x1;
	[dreg:$0x2] =	wrdreg s3  }
0x21: {  	[dreg:$0x3] =	wrdreg s5  }
0x22: {  	[dreg:$0x4] =	wrdreg $0xC0  }
0x23: {  	_ =	task [dreg:s7], $0x5FFFF  }
0x24: {  	[dreg:$0x1] =	wrdreg $0xFFFFFFFF  }
0x25: {  	[dreg:$0x0] =	wrdreg $0x60  }
0x26: {  	[dreg:$0x2] =	wrdreg s25  }
0x27: {  	[dreg:$0x3] =	wrdreg s2  }
0x28: {  	[dreg:$0x4] =	wrdreg $0x9  }
0x29: {  	_ =	task.clear_ibuf [dreg:s7], $0x5FFFF;
	_ =	strace $0x9000004C  }
0x2a: {  	s29 =	simm.s32 $0x9;
	_ =	strace $0x8000004E  }
0x2b: {  	_ =	swait.ge [sflag:s29], $0x1  }
0x2c: {  	[sflag:s29] =	ssyncadd.s32 $0xFFFFFFFF  }
0x2d: {  	_ =	strace $0x9000004E  }
0x2e: {  	_ =	sfence  }
0x2f: {  	s30 =	sld [smem:$0x0];
	_ =	sdelay $0x2  }
0x30: {  	s31 =	sshll.u32 s1, $0xD;
	s1 =	sshrl.u32 s1, $0x2  }
0x31: {  	s3 =	sand.u32 $0x4000, s31;
	s1 =	sadd.s32 s1, s30  }
0x32: {  	s0 =	sor.u32 s3, s0;
	s1 =	sshll.u32 s1, $0x11  }
0x33: {  	s0 =	sor.u32 s1, s0  }
0x34: {  	s0 =	sadd.s32 $0x8F2B, s0  }
0x35: {  	[sflag:s0] =	ssyncadd.remote.s32 $0x1  }
0x36: {  	_ =	sfence.sel $0xFFFF  }
0x37: {  	[dreg:$0x0] =	wrdreg $0xFFFFFFFF;
	(pc) =	sbr.abs _section_cstart, $3  }
0x38: {  	[dreg:$0x1] =	wrdreg $0xFFFFFFFF  }
0x39: {  	_ =	task.clear_ibuf [dreg:s7], $0x2FFFF;
	_ =	strace $0x9FFFFFFF  }
0x3a: {  	(tm) =	ssettm $0x7FFFFFFF  }
0x3b: {  	_ =	shalt  }
tec
execute0_lowered:
.L_overlay_start_1:
0x0: {  	(tag) =	ssettag $0x1  }
0x1: {  	s4 =	rddreg [dreg:$0x0]  }
0x2: {  	s0 =	stileid.u32;
	s1 =	srdreg.scid  }
0x3: {  	s2 =	rddreg [dreg:$0x1];
	s9 =	simm.s32 $0x2;
	s14 =	simm.s32 $0x0  }
0x4: {  	p0 =	por $0x0, $0x0;
	s16 =	simm.s32 $0x0;
	s15 =	simm.s32 $0x0  }
0x5: {  	s10 =	simm.s32 $0x0;
	s13 =	simm.s32 $0x0;
	s3 =	sshll.u32 s1, $0x4  }
0x6: {  	s5 =	sshll.u32 s0, $0x7;
	s1 =	rddreg [dreg:$0x2];
	_ =	strace $0x8000004D  }
0x7: {  	s4 =	sadd.s32 $0xE00, s4;
	s6 =	sand.u32 $0x10, s3;
	s3 =	sand.u32 $0x80, s5  }
.Ltmp0:
0x8: {  	s31 =	sor.u32 s0, s6;
	s7 =	ssub.s32 $0x100, s3;
	(pc) =	sbr.rel .LBB1_1-.Ltmp0, $4  }
0x9: {  	s6 =	simm.s32 $0x1;
	s12 =	smov.u32 s3;
	s8 =	sshrl.u32 s7, $0x1  }
0xa: {  	s7 =	sand.u32 $0x80, s7;
	[sflag:s6] =	ssyncpa.u1 $0x0;
	s8 =	sand.u32 $0x80, s8  }
0xb: {  	s5 =	sshrl.u32 s31, $0x1;
	[sflag:s9] =	ssyncpa.u1 $0x0;
	s7 =	sadd.s32 s7, s8  }
0xc: {  	s9 =	simm.s32 $0x800;
	s11 =	smov.u32 s5;
	s8 =	sor.u32 $0x1, s7  }
.LBB1_4:
0xd: {  	s19 =	sand.u32 $0x380, s15  }
0xe: {  	s16 =	sshll.u32 s16, $0xF;
	s20 =	sshrl.u32 s15, $0x3;
	s19 =	sadd.s32 s2, s19  }
0xf: {  	s31 =	sand.u32 $0x7, s15;
	s20 =	sand.u32 $0xF, s20;
	s16 =	sadd.s32 s16, s19  }
0x10: {  	s14 =	sshll.u32 s14, $0xA;
	s15 =	sshll.u32 s31, $0x12;
	s16 =	sadd.s32 s20, s16  }
0x11: {  	[tilespmem:s18+$0x0 ss:$0x81] =	vst.msk $0xffff, v0;
	s15 =	sor.u32 $0x400, s15;
	s14 =	sadd.s32 s14, s16  }
0x12: {  	[hbm4b:s14+s15] =	stream.strided.scatter [tilespmem:s17], [sflag:$0x2], $0x1000, s9, s15, $0x20;
	[tilespmem:$0x4040] =	vst v63  }
.LBB1_5:
0x13: {  	s17 =	sadd.s32 $0x1, s10  }
0x14: {  	s14 =	sadd.s32 $0x10, s11;
	s18 =	smov.u32 s11;
	p2 =	sgt.s32 s17, $0x1F  }
0x15: {  	s18 =	smov.u32 @p2 s14  }
0x16: {  	s20 =	smov.u32 s12;
	s14 =	sadd.s32 $0x100, s12;
	p3 =	sgt.s32 s18, $0x3F  }
0x17: {  	s20 =	smov.u32 @p3 s14  }
0x18: {  	s17 =	simm.s32 @p2 $0x0;
	p2 =	sgt.s32 s20, $0xFF  }
0x19: {  	p1 =	slt.u32 s13, $0x2;
	s20 =	smov.u32 @p2 s3;
	p2 =	sne.s32 s13, s8  }
.Ltmp1:
0x1a: {  	s19 =	simm.s32 @!p1 $0x2;
	(pc) =	sbr.rel @!p2 .LBB1_6-.Ltmp1, $4  }
0x1b: {  	s16 =	smov.u32 s11;
	s15 =	smov.u32 s12;
	_ =	swait.ge @!p1 [sflag:s19], $0x1000  }
0x1c: {  	p0 =	por !p0, !p0;
	[sflag:s19] =	ssyncset.done @!p1 $0x0;
	s18 =	smov.u32 @p3 s5  }
0x1d: {  	s14 =	smov.u32 s10;
	[sflag:s19] =	ssyncadd.s32 @!p1 $0xFFFFF000;
	s10 =	smov.u32 s17  }
0x1e: {  	s11 =	smov.u32 s18;
	s13 =	sadd.s32 $0x1, s13;
	s12 =	smov.u32 s20  }
.LBB1_1:
0x1f: {  	p1 =	sge.u32 s13, s7;
	s31 =	sadd.s32 $0xFFFFFFFF, s13  }
0x20: {  	s17 =	sxor.u32 @!p1 $0xFFFFFFFF, s13;
	s18 =	sshll.u32 @!p1 s12, $0xF;
	s19 =	sshll.u32 @!p1 s11, $0x9  }
0x21: {  	s20 =	sshll.u32 @!p1 s10, $0x4;
	s17 =	sshll.u32 @!p1 s17, $0xC;
	s18 =	sadd.s32 @!p1 s4, s18  }
0x22: {  	s20 =	sand.u32 @!p1 $0x1F0, s20;
	s17 =	sand.u32 @!p1 $0x1000, s17;
	s18 =	sadd.s32 @!p1 s19, s18  }
0x23: {  	s19 =	simm.s32 @!p1 $0x20;
	s18 =	sadd.s32 @!p1 s20, s18;
	s20 =	simm.s32 @!p1 $0x40000  }
0x24: {  	[tilespmem:s17], [sflag:$0x1] =	stream.strided.gather @!p1 [hbm4b:s18+s19], $0x1000, s20, s19, $0x38;
	[tilespmem:$0x4040] =	vst v63  }
0x25: {  	p1 =	sge.u32 s31, s7  }
.Ltmp2:
0x26: {  	_ = 	snop;
	(pc) =	sbr.rel @p1 .LBB1_5-.Ltmp2, $1  }
0x27: {  	_ =	sdelay $0x3  }
0x28: {  	s17 =	simm.s32 $0x1  }
0x29: {  	_ =	swait.ge [sflag:s6], $0x1000;
	s17 =	simm.s32 @!p0 $0x0  }
0x2a: {  	[sflag:s6] =	ssyncset.done $0x0;
	s18 =	sshll.u32 s17, $0xC  }
0x2b: {  	[sflag:s6] =	ssyncadd.s32 $0xFFFFF000;
	s21 =	sor.u32 $0x10, s18  }
0x2c: {  	s17 =	smul.u32 $0x4080, s17;
	v1 =	vld [tilespmem:s21+$0x0]  }
0x2d: {  	s30 =	sand.u32 $0x1, s13;
	v0 =	vld [tilespmem:s21+$0xFFFFFFF0]  }
0x2e: {  	s18 =	smul.u32 $0x4080, s30;
	s17 =	sshrl.u32 s17, $0x2  }
0x2f: {  	s19 =	sor.u32 $0x2000, s17  }
0x30: {  	s31 =	sshrl.u32 s18, $0x2;
	s18 =	sadd.s32 $0x0, s19  }
0x31: {  	s20 =	simm.s32 $0x4;
	s21 =	sadd.s32 $0x20, s21;
	s17 =	sor.u32 $0x2000, s31;
	[tilespmem:s18+$0x810 ss:$0x81] =	vst.msk $0xffff, v1  }
.LBB1_3:
0x32: {  	v1 =	vld [tilespmem:s21+$0x0];
	p1 =	sne.s32 s20, $0x1FC;
	[tilespmem:s18+$0x0 ss:$0x81] =	vst.msk $0xffff, v0;
	s18 =	smov.u32 s20;
	s20 =	sadd.s32 $0x4, s20  }
.Ltmp3:
0x33: {  	v0 =	vld [tilespmem:s21+$0xFFFFFFF0];
	(pc) =	sbr.rel @p1 .LBB1_3-.Ltmp3, $4  }
0x34: {  	_ = 	snop  }
0x35: {  	s18 =	sshra.s32 s18, $0x2  }
0x36: {  	s18 =	sadd.s32 s18, s19  }
0x37: {  	s21 =	sadd.s32 $0x20, s21;
	[tilespmem:s18+$0x810 ss:$0x81] =	vst.msk $0xffff, v1  }
.Ltmp4:
0x38: {  	_ = 	snop;
	(pc) =	sbr.rel .LBB1_4-.Ltmp4, $1  }
0x39: {  	_ =	sdelay $0x3  }
.LBB1_6:
0x3a: {  	_ =	sfence.sel $0x180000  }
0x3b: {  	s2 =	simm.s32 $0x1;
	[bflag:$0x0] =	sbarrier.arrive $0xFFFF  }
0x3c: {  	s31 =	simm.s32 $0x2;
	[sflag:s2] =	ssyncpa.u1 $0x1  }
0x3d: {  	[sflag:s31] =	ssyncpa.u1 $0x1  }
0x3e: {  	p0 =	sne.s32 s0, $0x0;
	_ =	strace $0x9000004D  }
0x3f: {  	s0 =	sadd.s32 @!p0 $0x100000, s1;
	[bflag:$0x2] =	sbarrier.arrive $0xFFFF  }
0x40: {  	[sflag:s0] =	ssyncadd.tile.s32 @!p0 $0x1;
	_ =	shalt  }
.Lfunc_end1:
_tile_overlayer_lowered:
.L_overlay_start_2:
0x41: {  	(tag) =	ssettag $0x2  }
0x42: {  	s0 =	rddreg [dreg:$0x0];
	s2 =	stileid.u32  }
0x43: {  	s1 =	rddreg [dreg:$0x1];
	p0 =	sne.s32 s2, $0x0  }
0x44: {  	s3 =	rddreg [dreg:$0x2];
	[bflag:$0x3] =	sbarrier.arrive $0xFFFF;
	s2 =	simm.s32 @!p0 $0x1C01  }
0x45: {  	[timem:s3], [sflag:s2] =	dma.local @!p0 [hbm:s0], s1  }
0x46: {  	s0 =	simm.s32 @!p0 $0x1  }
0x47: {  	_ =	swait.ge @!p0 [sflag:s0], s1  }
0x48: {  	s1 =	ssub.s32 @!p0 $0x0, s1;
	[sflag:s0] =	ssyncset.done @!p0 $0x0  }
0x49: {  	[sflag:s0] =	ssyncadd.s32 @!p0 s1  }
0x4a: {  	[bflag:$0x3] =	sbarrier.arrive $0xFFFF  }
0x4b: {  	_ =	shalt  }

</sc_bundles>
